<compile_context>
chip_gen: v7x
topology: tpu7x:2x2x1
jax: 0.10.2.dev20260603
libtpu: 0.0.44.dev20260713+nightly
codegen_flags: <defaults>
</compile_context>

<pallas_src>
import functools

import jax
import jax.numpy as jnp
from jax import lax
from jax.experimental import pallas as pl
from jax.experimental.pallas import tpu as pltpu
from jax.experimental.pallas import tpu_sc as plsc

FILE_VOCAB = 100000
TEST_VOCAB = 100000
EMB = 64
BATCH = 16384

NC = 2
NS = 16
NW = NC * NS
B_PER_W = BATCH // NW
CHUNK = 16
N_CHUNKS = B_PER_W // CHUNK


def _rsqrt(x):
    i = lax.bitcast_convert_type(x, jnp.int32)
    i = jnp.int32(0x5F3759DF) - lax.shift_right_arithmetic(i, jnp.int32(1))
    y = lax.bitcast_convert_type(i, jnp.float32)
    half_x = x * 0.5
    for _ in range(3):
        y = y * (1.5 - half_x * y * y)
    return y


def _body(fidx_hbm, tidx_hbm, ftab_hbm, ttab_hbm, wb_hbm, out_hbm,
          fidx_v, tidx_v, frows_v, trows_v, wb_v, out_v, sem_f, sem_t):
    wid = lax.axis_index("s") * NC + lax.axis_index("c")
    base = wid * B_PER_W

    pltpu.sync_copy(fidx_hbm.at[pl.ds(base, B_PER_W)], fidx_v)
    pltpu.sync_copy(tidx_hbm.at[pl.ds(base, B_PER_W)], tidx_v)
    pltpu.sync_copy(wb_hbm, wb_v)

    cp_f = pltpu.async_copy(ftab_hbm.at[fidx_v], frows_v, sem_f)
    cp_t = pltpu.async_copy(ttab_hbm.at[tidx_v], trows_v, sem_t)
    cp_f.wait()
    cp_t.wait()

    lanes = lax.iota(jnp.int32, 16)

    def chunk_body(c, _):
        zero = jnp.zeros((16,), jnp.float32)
        acc_ab, acc_aa, acc_bb = zero, zero, zero
        for j in range(CHUNK):
            row = c * CHUNK + j
            ab = zero
            aa = zero
            bb = zero
            for k in range(EMB // 16):
                fa = frows_v[row, pl.ds(k * 16, 16)]
                ta = trows_v[row, pl.ds(k * 16, 16)]
                ab = ab + fa * ta
                aa = aa + fa * fa
                bb = bb + ta * ta
            lane_j = lanes == j
            acc_ab = jnp.where(lane_j, jnp.sum(ab), acc_ab)
            acc_aa = jnp.where(lane_j, jnp.sum(aa), acc_aa)
            acc_bb = jnp.where(lane_j, jnp.sum(bb), acc_bb)

        r = _rsqrt(jnp.maximum(acc_aa, 1e-24) * jnp.maximum(acc_bb, 1e-24))
        merged = acc_ab * r
        w = wb_v[pl.ds(0, 16)]
        bias = wb_v[pl.ds(16, 16)]
        z = merged * w + bias
        out = 1.0 / (1.0 + jnp.exp(-z))
        out_v[pl.ds(c * CHUNK, CHUNK)] = out
        return ()

    lax.fori_loop(0, N_CHUNKS, chunk_body, (), unroll=False)

    pltpu.sync_copy(out_v, out_hbm.at[pl.ds(base, B_PER_W)])


@functools.partial(jax.jit, static_argnames=())
def _run(fidx, tidx, ftab, ttab, wb):
    mesh = plsc.VectorSubcoreMesh(
        core_axis_name="c", subcore_axis_name="s",
        num_cores=NC, num_subcores=NS)
    return pl.kernel(
        _body,
        out_type=jax.ShapeDtypeStruct((BATCH,), jnp.float32),
        mesh=mesh,
        compiler_params=pltpu.CompilerParams(
            needs_layout_passes=False, use_tc_tiling_on_sc=False),
        scratch_types=[
            pltpu.VMEM((B_PER_W,), jnp.int32),
            pltpu.VMEM((B_PER_W,), jnp.int32),
            pltpu.VMEM((B_PER_W, EMB), jnp.float32),
            pltpu.VMEM((B_PER_W, EMB), jnp.float32),
            pltpu.VMEM((32,), jnp.float32),
            pltpu.VMEM((B_PER_W,), jnp.float32),
            pltpu.SemaphoreType.DMA,
            pltpu.SemaphoreType.DMA,
        ],
    )(fidx, tidx, ftab, ttab, wb)


def kernel(file, test, file_emb, test_emb, W, b):
    fidx = jnp.minimum(file.reshape(BATCH), FILE_VOCAB - 1).astype(jnp.int32)
    tidx = jnp.minimum(test.reshape(BATCH), TEST_VOCAB - 1).astype(jnp.int32)
    wb = jnp.concatenate([
        jnp.broadcast_to(W.reshape(1), (16,)),
        jnp.broadcast_to(b.reshape(1), (16,)),
    ]).astype(jnp.float32)
    out = _run(fidx, tidx, file_emb, test_emb, wb)
    return out.reshape(BATCH, 1)

# --- scband reference (transcript-rebuilt; emitter-appended) ---
"""Pipeline reference for scband-nnembeddings-51883204935693 (READ-ONLY COPY).

The authoritative reference and input builder live on the scoring server;
editing this copy changes nothing except your own understanding.
"""

import jax, jax.numpy as jnp
import numpy as np

FILE_VOCAB = 100000
TEST_VOCAB = 100000
EMB = 64
BATCH = 16384


def setup_inputs(seed: int = 0) -> dict:
    key = jax.random.key(seed)
    k1, k2, k3, k4, k5, k6 = jax.random.split(key, 6)
    file_idx = jax.random.randint(k1, (BATCH, 1), 0, FILE_VOCAB, dtype=jnp.int64) if jax.config.jax_enable_x64 else jax.random.randint(k1, (BATCH, 1), 0, FILE_VOCAB).astype(jnp.int32)
    test_idx = jax.random.randint(k2, (BATCH, 1), 0, TEST_VOCAB).astype(file_idx.dtype)
    file_emb = jax.random.normal(k3, (FILE_VOCAB, EMB), dtype=jnp.float32) * 0.05
    test_emb = jax.random.normal(k4, (TEST_VOCAB, EMB), dtype=jnp.float32) * 0.05
    W = jax.random.normal(k5, (1, 1), dtype=jnp.float32)
    b = jnp.zeros((1,), dtype=jnp.float32)
    return {"file": file_idx, "test": test_idx, "file_emb": file_emb, "test_emb": test_emb, "W": W, "b": b}


def reference(file, test, file_emb, test_emb, W, b):
    # Embedding lookups: [B,1] indices -> [B,1,EMB]
    fe = jnp.take(file_emb, file, axis=0)
    te = jnp.take(test_emb, test, axis=0)
    # Dot(normalize=True, axes=2): L2-normalize along last axis then dot
    fe_n = fe / jnp.maximum(jnp.linalg.norm(fe, axis=-1, keepdims=True), 1e-12)
    te_n = te / jnp.maximum(jnp.linalg.norm(te, axis=-1, keepdims=True), 1e-12)
    merged = jnp.sum(fe_n * te_n, axis=-1, keepdims=False)  # [B,1]
    # Reshape(target_shape=[1]) -> [B,1], then Dense(1, sigmoid)
    out = jax.nn.sigmoid(merged @ W + b)  # [B,1]
    return out

if __name__ == "__main__":
    import jax
    _d = setup_inputs()
    print(jax.jit(kernel)(*tuple(_d.values())))

</pallas_src>

<mosaic_0001>
#map = affine_map<(d0, d1) -> (0)>
#map1 = affine_map<(d0, d1) -> (0, 0)>
module attributes {stable_mosaic.version = 14 : i64} {
  func.func @_body(%arg0: i32, %arg1: i32, %arg2: memref<16384xi32, #tpu.memory_space<hbm>>, %arg3: memref<16384xi32, #tpu.memory_space<hbm>>, %arg4: memref<100000x64xf32, #tpu.memory_space<hbm>>, %arg5: memref<100000x64xf32, #tpu.memory_space<hbm>>, %arg6: memref<32xf32, #tpu.memory_space<hbm>>, %arg7: memref<16384xf32, #tpu.memory_space<hbm>>, %arg8: memref<512xi32, #tpu.memory_space<vmem>>, %arg9: memref<512xi32, #tpu.memory_space<vmem>>, %arg10: memref<512x64xf32, #tpu.memory_space<vmem>>, %arg11: memref<512x64xf32, #tpu.memory_space<vmem>>, %arg12: memref<32xf32, #tpu.memory_space<vmem>>, %arg13: memref<512xf32, #tpu.memory_space<vmem>>, %arg14: memref<!tpu.dma_semaphore, #tpu.memory_space<semaphore_mem>>, %arg15: memref<!tpu.dma_semaphore, #tpu.memory_space<semaphore_mem>>) attributes {dimension_semantics = [#tpu.dimension_semantics<core_parallel>, #tpu.dimension_semantics<subcore_parallel>], iteration_bounds = array<i64: 2, 16>, scalar_prefetch = 0 : i64, scratch_operands = 8 : i64, tpu.core_type = #tpu.core_type<sc_vector_subcore>, window_params = [{transform_indices = #map}, {transform_indices = #map}, {transform_indices = #map1}, {transform_indices = #map1}, {transform_indices = #map}, {transform_indices = #map}]} {
    %mul3A = arith.constant 2 : i32
    %mul3A_0 = arith.muli %arg1, %mul3A : i32
    %add3A = arith.addi %mul3A_0, %arg0 : i32
    %mul3A_1 = arith.constant 512 : i32
    %mul3A_2 = arith.muli %add3A, %mul3A_1 : i32
    "tpu.region"() ({
      %run_scoped3A = tpu.sem_alloc : memref<!tpu.dma_semaphore, #tpu.memory_space<semaphore_mem>>
      %dma_start3A_17 = tpu.memref_slice %arg2[%mul3A_2] : memref<16384xi32, #tpu.memory_space<hbm>> -> memref<512xi32, #tpu.memory_space<hbm>>
      %dma_start3A_18 = tpu.memref_slice %arg2[%mul3A_2] : memref<16384xi32, #tpu.memory_space<hbm>> -> memref<512xi32, #tpu.memory_space<hbm>>
      tpu.enqueue_dma source(%dma_start3A_18 : memref<512xi32, #tpu.memory_space<hbm>>) target(%arg8 : memref<512xi32, #tpu.memory_space<vmem>>) target_semaphore(%run_scoped3A : memref<!tpu.dma_semaphore, #tpu.memory_space<semaphore_mem>>)
      %dma_wait3A_19 = tpu.memref_slice %arg2[%mul3A_2] : memref<16384xi32, #tpu.memory_space<hbm>> -> memref<512xi32, #tpu.memory_space<hbm>>
      %dma_wait3A_20 = tpu.memref_slice %arg2[%mul3A_2] : memref<16384xi32, #tpu.memory_space<hbm>> -> memref<512xi32, #tpu.memory_space<hbm>>
      tpu.wait_dma2 semaphore(%run_scoped3A : memref<!tpu.dma_semaphore, #tpu.memory_space<semaphore_mem>>) src(%dma_wait3A_20 : memref<512xi32, #tpu.memory_space<hbm>>) dst(%arg8 : memref<512xi32, #tpu.memory_space<vmem>>)
      tpu.yield
    }) : () -> ()
    "tpu.region"() ({
      %run_scoped3A = tpu.sem_alloc : memref<!tpu.dma_semaphore, #tpu.memory_space<semaphore_mem>>
      %dma_start3A_17 = tpu.memref_slice %arg3[%mul3A_2] : memref<16384xi32, #tpu.memory_space<hbm>> -> memref<512xi32, #tpu.memory_space<hbm>>
      %dma_start3A_18 = tpu.memref_slice %arg3[%mul3A_2] : memref<16384xi32, #tpu.memory_space<hbm>> -> memref<512xi32, #tpu.memory_space<hbm>>
      tpu.enqueue_dma source(%dma_start3A_18 : memref<512xi32, #tpu.memory_space<hbm>>) target(%arg9 : memref<512xi32, #tpu.memory_space<vmem>>) target_semaphore(%run_scoped3A : memref<!tpu.dma_semaphore, #tpu.memory_space<semaphore_mem>>)
      %dma_wait3A_19 = tpu.memref_slice %arg3[%mul3A_2] : memref<16384xi32, #tpu.memory_space<hbm>> -> memref<512xi32, #tpu.memory_space<hbm>>
      %dma_wait3A_20 = tpu.memref_slice %arg3[%mul3A_2] : memref<16384xi32, #tpu.memory_space<hbm>> -> memref<512xi32, #tpu.memory_space<hbm>>
      tpu.wait_dma2 semaphore(%run_scoped3A : memref<!tpu.dma_semaphore, #tpu.memory_space<semaphore_mem>>) src(%dma_wait3A_20 : memref<512xi32, #tpu.memory_space<hbm>>) dst(%arg9 : memref<512xi32, #tpu.memory_space<vmem>>)
      tpu.yield
    }) : () -> ()
    "tpu.region"() ({
      %run_scoped3A = tpu.sem_alloc : memref<!tpu.dma_semaphore, #tpu.memory_space<semaphore_mem>>
      tpu.enqueue_dma source(%arg6 : memref<32xf32, #tpu.memory_space<hbm>>) target(%arg12 : memref<32xf32, #tpu.memory_space<vmem>>) target_semaphore(%run_scoped3A : memref<!tpu.dma_semaphore, #tpu.memory_space<semaphore_mem>>)
      tpu.wait_dma2 semaphore(%run_scoped3A : memref<!tpu.dma_semaphore, #tpu.memory_space<semaphore_mem>>) src(%arg6 : memref<32xf32, #tpu.memory_space<hbm>>) dst(%arg12 : memref<32xf32, #tpu.memory_space<vmem>>)
      tpu.yield
    }) : () -> ()
    %dma_start3A = arith.constant 0 : i32
    %dma_start3A_3 = arith.constant 0 : i32
    %dma_start3A_4 = tpu.memref_slice %arg4[%dma_start3A, %dma_start3A_3] : memref<100000x64xf32, #tpu.memory_space<hbm>> -> memref<100000x64xf32, #tpu.memory_space<hbm>>
    tpu.enqueue_indirect_dma source(%dma_start3A_4 : memref<100000x64xf32, #tpu.memory_space<hbm>>) target(%arg10 : memref<512x64xf32, #tpu.memory_space<vmem>>) offsets(%arg8 : memref<512xi32, #tpu.memory_space<vmem>>) semaphore(%arg14 : memref<!tpu.dma_semaphore, #tpu.memory_space<semaphore_mem>>)
    %dma_start3A_5 = arith.constant 0 : i32
    %dma_start3A_6 = arith.constant 0 : i32
    %dma_start3A_7 = tpu.memref_slice %arg5[%dma_start3A_5, %dma_start3A_6] : memref<100000x64xf32, #tpu.memory_space<hbm>> -> memref<100000x64xf32, #tpu.memory_space<hbm>>
    tpu.enqueue_indirect_dma source(%dma_start3A_7 : memref<100000x64xf32, #tpu.memory_space<hbm>>) target(%arg11 : memref<512x64xf32, #tpu.memory_space<vmem>>) offsets(%arg9 : memref<512xi32, #tpu.memory_space<vmem>>) semaphore(%arg15 : memref<!tpu.dma_semaphore, #tpu.memory_space<semaphore_mem>>)
    %dma_wait3A = arith.constant 0 : i32
    %dma_wait3A_8 = arith.constant 0 : i32
    %dma_wait3A_9 = tpu.memref_slice %arg4[%dma_wait3A, %dma_wait3A_8] : memref<100000x64xf32, #tpu.memory_space<hbm>> -> memref<100000x64xf32, #tpu.memory_space<hbm>>
    tpu.wait_indirect_dma semaphore(%arg14 : memref<!tpu.dma_semaphore, #tpu.memory_space<semaphore_mem>>) src(%dma_wait3A_9 : memref<100000x64xf32, #tpu.memory_space<hbm>>) dst(%arg10 : memref<512x64xf32, #tpu.memory_space<vmem>>)
    %dma_wait3A_10 = arith.constant 0 : i32
    %dma_wait3A_11 = arith.constant 0 : i32
    %dma_wait3A_12 = tpu.memref_slice %arg5[%dma_wait3A_10, %dma_wait3A_11] : memref<100000x64xf32, #tpu.memory_space<hbm>> -> memref<100000x64xf32, #tpu.memory_space<hbm>>
    tpu.wait_indirect_dma semaphore(%arg15 : memref<!tpu.dma_semaphore, #tpu.memory_space<semaphore_mem>>) src(%dma_wait3A_12 : memref<100000x64xf32, #tpu.memory_space<hbm>>) dst(%arg11 : memref<512x64xf32, #tpu.memory_space<vmem>>)
    %iota3A = tpu.iota {dimensions = array<i32: 0>} : vector<16xi32>
    %scan3A = arith.constant 0 : i32
    %scan3A_13 = arith.constant 32 : i32
    %scan3A_14 = arith.addi %scan3A, %scan3A_13 : i32
    %scan3A_15 = arith.constant 1 : i32
    scf.for %scan3A_17 = %scan3A to %scan3A_14 step %scan3A_15  : i32 {
      %broadcast_in_dim3A = arith.constant 0.000000e+00 : f32
      %broadcast_in_dim3A_18 = vector.broadcast %broadcast_in_dim3A : f32 to vector<16xf32>
      %mul3A_19 = arith.constant 16 : i32
      %mul3A_20 = arith.muli %scan3A_17, %mul3A_19 : i32
      %add3A_21 = arith.constant 0 : i32
      %add3A_22 = arith.addi %mul3A_20, %add3A_21 : i32
      %get3A = arith.index_cast %add3A_22 : i32 to index
      %get3A_23 = arith.constant 0 : index
      %get3A_24 = tpu.vector_load %arg10[%get3A, %get3A_23] {strides = array<i32>} : memref<512x64xf32, #tpu.memory_space<vmem>>, vector<16xf32>,
      %get3A_25 = arith.index_cast %add3A_22 : i32 to index
      %get3A_26 = arith.constant 0 : index
      %get3A_27 = tpu.vector_load %arg11[%get3A_25, %get3A_26] {strides = array<i32>} : memref<512x64xf32, #tpu.memory_space<vmem>>, vector<16xf32>,
      %mul3A_28 = arith.mulf %get3A_24, %get3A_27 : vector<16xf32>
      %add3A_29 = arith.addf %broadcast_in_dim3A_18, %mul3A_28 : vector<16xf32>
      %mul3A_30 = arith.mulf %get3A_24, %get3A_24 : vector<16xf32>
      %add3A_31 = arith.addf %broadcast_in_dim3A_18, %mul3A_30 : vector<16xf32>
      %mul3A_32 = arith.mulf %get3A_27, %get3A_27 : vector<16xf32>
      %add3A_33 = arith.addf %broadcast_in_dim3A_18, %mul3A_32 : vector<16xf32>
      %get3A_34 = arith.index_cast %add3A_22 : i32 to index
      %get3A_35 = arith.constant 16 : index
      %get3A_36 = tpu.vector_load %arg10[%get3A_34, %get3A_35] {strides = array<i32>} : memref<512x64xf32, #tpu.memory_space<vmem>>, vector<16xf32>,
      %get3A_37 = arith.index_cast %add3A_22 : i32 to index
      %get3A_38 = arith.constant 16 : index
      %get3A_39 = tpu.vector_load %arg11[%get3A_37, %get3A_38] {strides = array<i32>} : memref<512x64xf32, #tpu.memory_space<vmem>>, vector<16xf32>,
      %mul3A_40 = arith.mulf %get3A_36, %get3A_39 : vector<16xf32>
      %add3A_41 = arith.addf %add3A_29, %mul3A_40 : vector<16xf32>
      %mul3A_42 = arith.mulf %get3A_36, %get3A_36 : vector<16xf32>
      %add3A_43 = arith.addf %add3A_31, %mul3A_42 : vector<16xf32>
      %mul3A_44 = arith.mulf %get3A_39, %get3A_39 : vector<16xf32>
      %add3A_45 = arith.addf %add3A_33, %mul3A_44 : vector<16xf32>
      %get3A_46 = arith.index_cast %add3A_22 : i32 to index
      %get3A_47 = arith.constant 32 : index
      %get3A_48 = tpu.vector_load %arg10[%get3A_46, %get3A_47] {strides = array<i32>} : memref<512x64xf32, #tpu.memory_space<vmem>>, vector<16xf32>,
      %get3A_49 = arith.index_cast %add3A_22 : i32 to index
      %get3A_50 = arith.constant 32 : index
      %get3A_51 = tpu.vector_load %arg11[%get3A_49, %get3A_50] {strides = array<i32>} : memref<512x64xf32, #tpu.memory_space<vmem>>, vector<16xf32>,
      %mul3A_52 = arith.mulf %get3A_48, %get3A_51 : vector<16xf32>
      %add3A_53 = arith.addf %add3A_41, %mul3A_52 : vector<16xf32>
      %mul3A_54 = arith.mulf %get3A_48, %get3A_48 : vector<16xf32>
      %add3A_55 = arith.addf %add3A_43, %mul3A_54 : vector<16xf32>
      %mul3A_56 = arith.mulf %get3A_51, %get3A_51 : vector<16xf32>
      %add3A_57 = arith.addf %add3A_45, %mul3A_56 : vector<16xf32>
      %get3A_58 = arith.index_cast %add3A_22 : i32 to index
      %get3A_59 = arith.constant 48 : index
      %get3A_60 = tpu.vector_load %arg10[%get3A_58, %get3A_59] {strides = array<i32>} : memref<512x64xf32, #tpu.memory_space<vmem>>, vector<16xf32>,
      %get3A_61 = arith.index_cast %add3A_22 : i32 to index
      %get3A_62 = arith.constant 48 : index
      %get3A_63 = tpu.vector_load %arg11[%get3A_61, %get3A_62] {strides = array<i32>} : memref<512x64xf32, #tpu.memory_space<vmem>>, vector<16xf32>,
      %mul3A_64 = arith.mulf %get3A_60, %get3A_63 : vector<16xf32>
      %add3A_65 = arith.addf %add3A_53, %mul3A_64 : vector<16xf32>
      %mul3A_66 = arith.mulf %get3A_60, %get3A_60 : vector<16xf32>
      %add3A_67 = arith.addf %add3A_55, %mul3A_66 : vector<16xf32>
      %mul3A_68 = arith.mulf %get3A_63, %get3A_63 : vector<16xf32>
      %add3A_69 = arith.addf %add3A_57, %mul3A_68 : vector<16xf32>
      %eq3A = arith.constant 0 : i32
      %eq3A_70 = vector.broadcast %eq3A : i32 to vector<16xi32>
      %eq3A_71 = arith.cmpi eq, %iota3A, %eq3A_70 : vector<16xi32>
      %reduce_sum3A = arith.constant true
      %reduce_sum3A_72 = vector.broadcast %reduce_sum3A : i1 to vector<16xi1>
      %reduce_sum3A_73 = tpu.scan <sum>, %add3A_65 masked %reduce_sum3A_72 : vector<16xf32>, vector<16xi1> -> vector<16xf32>
      %reduce_sum3A_74 = vector.extract %reduce_sum3A_73[15] : f32 from vector<16xf32>
      %broadcast_in_dim3A_75 = vector.broadcast %reduce_sum3A_74 : f32 to vector<16xf32>
      %select_n3A = arith.select %eq3A_71, %broadcast_in_dim3A_75, %broadcast_in_dim3A_18 : vector<16xi1>, vector<16xf32>
      %reduce_sum3A_76 = arith.constant true
      %reduce_sum3A_77 = vector.broadcast %reduce_sum3A_76 : i1 to vector<16xi1>
      %reduce_sum3A_78 = tpu.scan <sum>, %add3A_67 masked %reduce_sum3A_77 : vector<16xf32>, vector<16xi1> -> vector<16xf32>
      %reduce_sum3A_79 = vector.extract %reduce_sum3A_78[15] : f32 from vector<16xf32>
      %broadcast_in_dim3A_80 = vector.broadcast %reduce_sum3A_79 : f32 to vector<16xf32>
      %select_n3A_81 = arith.select %eq3A_71, %broadcast_in_dim3A_80, %broadcast_in_dim3A_18 : vector<16xi1>, vector<16xf32>
      %reduce_sum3A_82 = arith.constant true
      %reduce_sum3A_83 = vector.broadcast %reduce_sum3A_82 : i1 to vector<16xi1>
      %reduce_sum3A_84 = tpu.scan <sum>, %add3A_69 masked %reduce_sum3A_83 : vector<16xf32>, vector<16xi1> -> vector<16xf32>
      %reduce_sum3A_85 = vector.extract %reduce_sum3A_84[15] : f32 from vector<16xf32>
      %broadcast_in_dim3A_86 = vector.broadcast %reduce_sum3A_85 : f32 to vector<16xf32>
      %select_n3A_87 = arith.select %eq3A_71, %broadcast_in_dim3A_86, %broadcast_in_dim3A_18 : vector<16xi1>, vector<16xf32>
      %mul3A_88 = arith.constant 16 : i32
      %mul3A_89 = arith.muli %scan3A_17, %mul3A_88 : i32
      %add3A_90 = arith.constant 1 : i32
      %add3A_91 = arith.addi %mul3A_89, %add3A_90 : i32
      %get3A_92 = arith.index_cast %add3A_91 : i32 to index
      %get3A_93 = arith.constant 0 : index
      %get3A_94 = tpu.vector_load %arg10[%get3A_92, %get3A_93] {strides = array<i32>} : memref<512x64xf32, #tpu.memory_space<vmem>>, vector<16xf32>,
      %get3A_95 = arith.index_cast %add3A_91 : i32 to index
      %get3A_96 = arith.constant 0 : index
      %get3A_97 = tpu.vector_load %arg11[%get3A_95, %get3A_96] {strides = array<i32>} : memref<512x64xf32, #tpu.memory_space<vmem>>, vector<16xf32>,
      %mul3A_98 = arith.mulf %get3A_94, %get3A_97 : vector<16xf32>
      %add3A_99 = arith.addf %broadcast_in_dim3A_18, %mul3A_98 : vector<16xf32>
      %mul3A_100 = arith.mulf %get3A_94, %get3A_94 : vector<16xf32>
      %add3A_101 = arith.addf %broadcast_in_dim3A_18, %mul3A_100 : vector<16xf32>
      %mul3A_102 = arith.mulf %get3A_97, %get3A_97 : vector<16xf32>
      %add3A_103 = arith.addf %broadcast_in_dim3A_18, %mul3A_102 : vector<16xf32>
      %get3A_104 = arith.index_cast %add3A_91 : i32 to index
      %get3A_105 = arith.constant 16 : index
      %get3A_106 = tpu.vector_load %arg10[%get3A_104, %get3A_105] {strides = array<i32>} : memref<512x64xf32, #tpu.memory_space<vmem>>, vector<16xf32>,
      %get3A_107 = arith.index_cast %add3A_91 : i32 to index
      %get3A_108 = arith.constant 16 : index
      %get3A_109 = tpu.vector_load %arg11[%get3A_107, %get3A_108] {strides = array<i32>} : memref<512x64xf32, #tpu.memory_space<vmem>>, vector<16xf32>,
      %mul3A_110 = arith.mulf %get3A_106, %get3A_109 : vector<16xf32>
      %add3A_111 = arith.addf %add3A_99, %mul3A_110 : vector<16xf32>
      %mul3A_112 = arith.mulf %get3A_106, %get3A_106 : vector<16xf32>
      %add3A_113 = arith.addf %add3A_101, %mul3A_112 : vector<16xf32>
      %mul3A_114 = arith.mulf %get3A_109, %get3A_109 : vector<16xf32>
      %add3A_115 = arith.addf %add3A_103, %mul3A_114 : vector<16xf32>
      %get3A_116 = arith.index_cast %add3A_91 : i32 to index
      %get3A_117 = arith.constant 32 : index
      %get3A_118 = tpu.vector_load %arg10[%get3A_116, %get3A_117] {strides = array<i32>} : memref<512x64xf32, #tpu.memory_space<vmem>>, vector<16xf32>,
      %get3A_119 = arith.index_cast %add3A_91 : i32 to index
      %get3A_120 = arith.constant 32 : index
      %get3A_121 = tpu.vector_load %arg11[%get3A_119, %get3A_120] {strides = array<i32>} : memref<512x64xf32, #tpu.memory_space<vmem>>, vector<16xf32>,
      %mul3A_122 = arith.mulf %get3A_118, %get3A_121 : vector<16xf32>
      %add3A_123 = arith.addf %add3A_111, %mul3A_122 : vector<16xf32>
      %mul3A_124 = arith.mulf %get3A_118, %get3A_118 : vector<16xf32>
      %add3A_125 = arith.addf %add3A_113, %mul3A_124 : vector<16xf32>
      %mul3A_126 = arith.mulf %get3A_121, %get3A_121 : vector<16xf32>
      %add3A_127 = arith.addf %add3A_115, %mul3A_126 : vector<16xf32>
      %get3A_128 = arith.index_cast %add3A_91 : i32 to index
      %get3A_129 = arith.constant 48 : index
      %get3A_130 = tpu.vector_load %arg10[%get3A_128, %get3A_129] {strides = array<i32>} : memref<512x64xf32, #tpu.memory_space<vmem>>, vector<16xf32>,
      %get3A_131 = arith.index_cast %add3A_91 : i32 to index
      %get3A_132 = arith.constant 48 : index
      %get3A_133 = tpu.vector_load %arg11[%get3A_131, %get3A_132] {strides = array<i32>} : memref<512x64xf32, #tpu.memory_space<vmem>>, vector<16xf32>,
      %mul3A_134 = arith.mulf %get3A_130, %get3A_133 : vector<16xf32>
      %add3A_135 = arith.addf %add3A_123, %mul3A_134 : vector<16xf32>
      %mul3A_136 = arith.mulf %get3A_130, %get3A_130 : vector<16xf32>
      %add3A_137 = arith.addf %add3A_125, %mul3A_136 : vector<16xf32>
      %mul3A_138 = arith.mulf %get3A_133, %get3A_133 : vector<16xf32>
      %add3A_139 = arith.addf %add3A_127, %mul3A_138 : vector<16xf32>
      %eq3A_140 = arith.constant 1 : i32
      %eq3A_141 = vector.broadcast %eq3A_140 : i32 to vector<16xi32>
      %eq3A_142 = arith.cmpi eq, %iota3A, %eq3A_141 : vector<16xi32>
      %reduce_sum3A_143 = arith.constant true
      %reduce_sum3A_144 = vector.broadcast %reduce_sum3A_143 : i1 to vector<16xi1>
      %reduce_sum3A_145 = tpu.scan <sum>, %add3A_135 masked %reduce_sum3A_144 : vector<16xf32>, vector<16xi1> -> vector<16xf32>
      %reduce_sum3A_146 = vector.extract %reduce_sum3A_145[15] : f32 from vector<16xf32>
      %broadcast_in_dim3A_147 = vector.broadcast %reduce_sum3A_146 : f32 to vector<16xf32>
      %select_n3A_148 = arith.select %eq3A_142, %broadcast_in_dim3A_147, %select_n3A : vector<16xi1>, vector<16xf32>
      %reduce_sum3A_149 = arith.constant true
      %reduce_sum3A_150 = vector.broadcast %reduce_sum3A_149 : i1 to vector<16xi1>
      %reduce_sum3A_151 = tpu.scan <sum>, %add3A_137 masked %reduce_sum3A_150 : vector<16xf32>, vector<16xi1> -> vector<16xf32>
      %reduce_sum3A_152 = vector.extract %reduce_sum3A_151[15] : f32 from vector<16xf32>
      %broadcast_in_dim3A_153 = vector.broadcast %reduce_sum3A_152 : f32 to vector<16xf32>
      %select_n3A_154 = arith.select %eq3A_142, %broadcast_in_dim3A_153, %select_n3A_81 : vector<16xi1>, vector<16xf32>
      %reduce_sum3A_155 = arith.constant true
      %reduce_sum3A_156 = vector.broadcast %reduce_sum3A_155 : i1 to vector<16xi1>
      %reduce_sum3A_157 = tpu.scan <sum>, %add3A_139 masked %reduce_sum3A_156 : vector<16xf32>, vector<16xi1> -> vector<16xf32>
      %reduce_sum3A_158 = vector.extract %reduce_sum3A_157[15] : f32 from vector<16xf32>
      %broadcast_in_dim3A_159 = vector.broadcast %reduce_sum3A_158 : f32 to vector<16xf32>
      %select_n3A_160 = arith.select %eq3A_142, %broadcast_in_dim3A_159, %select_n3A_87 : vector<16xi1>, vector<16xf32>
      %mul3A_161 = arith.constant 16 : i32
      %mul3A_162 = arith.muli %scan3A_17, %mul3A_161 : i32
      %add3A_163 = arith.constant 2 : i32
      %add3A_164 = arith.addi %mul3A_162, %add3A_163 : i32
      %get3A_165 = arith.index_cast %add3A_164 : i32 to index
      %get3A_166 = arith.constant 0 : index
      %get3A_167 = tpu.vector_load %arg10[%get3A_165, %get3A_166] {strides = array<i32>} : memref<512x64xf32, #tpu.memory_space<vmem>>, vector<16xf32>,
      %get3A_168 = arith.index_cast %add3A_164 : i32 to index
      %get3A_169 = arith.constant 0 : index
      %get3A_170 = tpu.vector_load %arg11[%get3A_168, %get3A_169] {strides = array<i32>} : memref<512x64xf32, #tpu.memory_space<vmem>>, vector<16xf32>,
      %mul3A_171 = arith.mulf %get3A_167, %get3A_170 : vector<16xf32>
      %add3A_172 = arith.addf %broadcast_in_dim3A_18, %mul3A_171 : vector<16xf32>
      %mul3A_173 = arith.mulf %get3A_167, %get3A_167 : vector<16xf32>
      %add3A_174 = arith.addf %broadcast_in_dim3A_18, %mul3A_173 : vector<16xf32>
      %mul3A_175 = arith.mulf %get3A_170, %get3A_170 : vector<16xf32>
      %add3A_176 = arith.addf %broadcast_in_dim3A_18, %mul3A_175 : vector<16xf32>
      %get3A_177 = arith.index_cast %add3A_164 : i32 to index
      %get3A_178 = arith.constant 16 : index
      %get3A_179 = tpu.vector_load %arg10[%get3A_177, %get3A_178] {strides = array<i32>} : memref<512x64xf32, #tpu.memory_space<vmem>>, vector<16xf32>,
      %get3A_180 = arith.index_cast %add3A_164 : i32 to index
      %get3A_181 = arith.constant 16 : index
      %get3A_182 = tpu.vector_load %arg11[%get3A_180, %get3A_181] {strides = array<i32>} : memref<512x64xf32, #tpu.memory_space<vmem>>, vector<16xf32>,
      %mul3A_183 = arith.mulf %get3A_179, %get3A_182 : vector<16xf32>
      %add3A_184 = arith.addf %add3A_172, %mul3A_183 : vector<16xf32>
      %mul3A_185 = arith.mulf %get3A_179, %get3A_179 : vector<16xf32>
      %add3A_186 = arith.addf %add3A_174, %mul3A_185 : vector<16xf32>
      %mul3A_187 = arith.mulf %get3A_182, %get3A_182 : vector<16xf32>
      %add3A_188 = arith.addf %add3A_176, %mul3A_187 : vector<16xf32>
      %get3A_189 = arith.index_cast %add3A_164 : i32 to index
      %get3A_190 = arith.constant 32 : index
      %get3A_191 = tpu.vector_load %arg10[%get3A_189, %get3A_190] {strides = array<i32>} : memref<512x64xf32, #tpu.memory_space<vmem>>, vector<16xf32>,
      %get3A_192 = arith.index_cast %add3A_164 : i32 to index
      %get3A_193 = arith.constant 32 : index
      %get3A_194 = tpu.vector_load %arg11[%get3A_192, %get3A_193] {strides = array<i32>} : memref<512x64xf32, #tpu.memory_space<vmem>>, vector<16xf32>,
      %mul3A_195 = arith.mulf %get3A_191, %get3A_194 : vector<16xf32>
      %add3A_196 = arith.addf %add3A_184, %mul3A_195 : vector<16xf32>
      %mul3A_197 = arith.mulf %get3A_191, %get3A_191 : vector<16xf32>
      %add3A_198 = arith.addf %add3A_186, %mul3A_197 : vector<16xf32>
      %mul3A_199 = arith.mulf %get3A_194, %get3A_194 : vector<16xf32>
      %add3A_200 = arith.addf %add3A_188, %mul3A_199 : vector<16xf32>
      %get3A_201 = arith.index_cast %add3A_164 : i32 to index
      %get3A_202 = arith.constant 48 : index
      %get3A_203 = tpu.vector_load %arg10[%get3A_201, %get3A_202] {strides = array<i32>} : memref<512x64xf32, #tpu.memory_space<vmem>>, vector<16xf32>,
      %get3A_204 = arith.index_cast %add3A_164 : i32 to index
      %get3A_205 = arith.constant 48 : index
      %get3A_206 = tpu.vector_load %arg11[%get3A_204, %get3A_205] {strides = array<i32>} : memref<512x64xf32, #tpu.memory_space<vmem>>, vector<16xf32>,
      %mul3A_207 = arith.mulf %get3A_203, %get3A_206 : vector<16xf32>
      %add3A_208 = arith.addf %add3A_196, %mul3A_207 : vector<16xf32>
      %mul3A_209 = arith.mulf %get3A_203, %get3A_203 : vector<16xf32>
      %add3A_210 = arith.addf %add3A_198, %mul3A_209 : vector<16xf32>
      %mul3A_211 = arith.mulf %get3A_206, %get3A_206 : vector<16xf32>
      %add3A_212 = arith.addf %add3A_200, %mul3A_211 : vector<16xf32>
      %eq3A_213 = arith.constant 2 : i32
      %eq3A_214 = vector.broadcast %eq3A_213 : i32 to vector<16xi32>
      %eq3A_215 = arith.cmpi eq, %iota3A, %eq3A_214 : vector<16xi32>
      %reduce_sum3A_216 = arith.constant true
      %reduce_sum3A_217 = vector.broadcast %reduce_sum3A_216 : i1 to vector<16xi1>
      %reduce_sum3A_218 = tpu.scan <sum>, %add3A_208 masked %reduce_sum3A_217 : vector<16xf32>, vector<16xi1> -> vector<16xf32>
      %reduce_sum3A_219 = vector.extract %reduce_sum3A_218[15] : f32 from vector<16xf32>
      %broadcast_in_dim3A_220 = vector.broadcast %reduce_sum3A_219 : f32 to vector<16xf32>
      %select_n3A_221 = arith.select %eq3A_215, %broadcast_in_dim3A_220, %select_n3A_148 : vector<16xi1>, vector<16xf32>
      %reduce_sum3A_222 = arith.constant true
      %reduce_sum3A_223 = vector.broadcast %reduce_sum3A_222 : i1 to vector<16xi1>
      %reduce_sum3A_224 = tpu.scan <sum>, %add3A_210 masked %reduce_sum3A_223 : vector<16xf32>, vector<16xi1> -> vector<16xf32>
      %reduce_sum3A_225 = vector.extract %reduce_sum3A_224[15] : f32 from vector<16xf32>
      %broadcast_in_dim3A_226 = vector.broadcast %reduce_sum3A_225 : f32 to vector<16xf32>
      %select_n3A_227 = arith.select %eq3A_215, %broadcast_in_dim3A_226, %select_n3A_154 : vector<16xi1>, vector<16xf32>
      %reduce_sum3A_228 = arith.constant true
      %reduce_sum3A_229 = vector.broadcast %reduce_sum3A_228 : i1 to vector<16xi1>
      %reduce_sum3A_230 = tpu.scan <sum>, %add3A_212 masked %reduce_sum3A_229 : vector<16xf32>, vector<16xi1> -> vector<16xf32>
      %reduce_sum3A_231 = vector.extract %reduce_sum3A_230[15] : f32 from vector<16xf32>
      %broadcast_in_dim3A_232 = vector.broadcast %reduce_sum3A_231 : f32 to vector<16xf32>
      %select_n3A_233 = arith.select %eq3A_215, %broadcast_in_dim3A_232, %select_n3A_160 : vector<16xi1>, vector<16xf32>
      %mul3A_234 = arith.constant 16 : i32
      %mul3A_235 = arith.muli %scan3A_17, %mul3A_234 : i32
      %add3A_236 = arith.constant 3 : i32
      %add3A_237 = arith.addi %mul3A_235, %add3A_236 : i32
      %get3A_238 = arith.index_cast %add3A_237 : i32 to index
      %get3A_239 = arith.constant 0 : index
      %get3A_240 = tpu.vector_load %arg10[%get3A_238, %get3A_239] {strides = array<i32>} : memref<512x64xf32, #tpu.memory_space<vmem>>, vector<16xf32>,
      %get3A_241 = arith.index_cast %add3A_237 : i32 to index
      %get3A_242 = arith.constant 0 : index
      %get3A_243 = tpu.vector_load %arg11[%get3A_241, %get3A_242] {strides = array<i32>} : memref<512x64xf32, #tpu.memory_space<vmem>>, vector<16xf32>,
      %mul3A_244 = arith.mulf %get3A_240, %get3A_243 : vector<16xf32>
      %add3A_245 = arith.addf %broadcast_in_dim3A_18, %mul3A_244 : vector<16xf32>
      %mul3A_246 = arith.mulf %get3A_240, %get3A_240 : vector<16xf32>
      %add3A_247 = arith.addf %broadcast_in_dim3A_18, %mul3A_246 : vector<16xf32>
      %mul3A_248 = arith.mulf %get3A_243, %get3A_243 : vector<16xf32>
      %add3A_249 = arith.addf %broadcast_in_dim3A_18, %mul3A_248 : vector<16xf32>
      %get3A_250 = arith.index_cast %add3A_237 : i32 to index
      %get3A_251 = arith.constant 16 : index
      %get3A_252 = tpu.vector_load %arg10[%get3A_250, %get3A_251] {strides = array<i32>} : memref<512x64xf32, #tpu.memory_space<vmem>>, vector<16xf32>,
      %get3A_253 = arith.index_cast %add3A_237 : i32 to index
      %get3A_254 = arith.constant 16 : index
      %get3A_255 = tpu.vector_load %arg11[%get3A_253, %get3A_254] {strides = array<i32>} : memref<512x64xf32, #tpu.memory_space<vmem>>, vector<16xf32>,
      %mul3A_256 = arith.mulf %get3A_252, %get3A_255 : vector<16xf32>
      %add3A_257 = arith.addf %add3A_245, %mul3A_256 : vector<16xf32>
      %mul3A_258 = arith.mulf %get3A_252, %get3A_252 : vector<16xf32>
      %add3A_259 = arith.addf %add3A_247, %mul3A_258 : vector<16xf32>
      %mul3A_260 = arith.mulf %get3A_255, %get3A_255 : vector<16xf32>
      %add3A_261 = arith.addf %add3A_249, %mul3A_260 : vector<16xf32>
      %get3A_262 = arith.index_cast %add3A_237 : i32 to index
      %get3A_263 = arith.constant 32 : index
      %get3A_264 = tpu.vector_load %arg10[%get3A_262, %get3A_263] {strides = array<i32>} : memref<512x64xf32, #tpu.memory_space<vmem>>, vector<16xf32>,
      %get3A_265 = arith.index_cast %add3A_237 : i32 to index
      %get3A_266 = arith.constant 32 : index
      %get3A_267 = tpu.vector_load %arg11[%get3A_265, %get3A_266] {strides = array<i32>} : memref<512x64xf32, #tpu.memory_space<vmem>>, vector<16xf32>,
      %mul3A_268 = arith.mulf %get3A_264, %get3A_267 : vector<16xf32>
      %add3A_269 = arith.addf %add3A_257, %mul3A_268 : vector<16xf32>
      %mul3A_270 = arith.mulf %get3A_264, %get3A_264 : vector<16xf32>
      %add3A_271 = arith.addf %add3A_259, %mul3A_270 : vector<16xf32>
      %mul3A_272 = arith.mulf %get3A_267, %get3A_267 : vector<16xf32>
      %add3A_273 = arith.addf %add3A_261, %mul3A_272 : vector<16xf32>
      %get3A_274 = arith.index_cast %add3A_237 : i32 to index
      %get3A_275 = arith.constant 48 : index
      %get3A_276 = tpu.vector_load %arg10[%get3A_274, %get3A_275] {strides = array<i32>} : memref<512x64xf32, #tpu.memory_space<vmem>>, vector<16xf32>,
      %get3A_277 = arith.index_cast %add3A_237 : i32 to index
      %get3A_278 = arith.constant 48 : index
      %get3A_279 = tpu.vector_load %arg11[%get3A_277, %get3A_278] {strides = array<i32>} : memref<512x64xf32, #tpu.memory_space<vmem>>, vector<16xf32>,
      %mul3A_280 = arith.mulf %get3A_276, %get3A_279 : vector<16xf32>
      %add3A_281 = arith.addf %add3A_269, %mul3A_280 : vector<16xf32>
      %mul3A_282 = arith.mulf %get3A_276, %get3A_276 : vector<16xf32>
      %add3A_283 = arith.addf %add3A_271, %mul3A_282 : vector<16xf32>
      %mul3A_284 = arith.mulf %get3A_279, %get3A_279 : vector<16xf32>
      %add3A_285 = arith.addf %add3A_273, %mul3A_284 : vector<16xf32>
      %eq3A_286 = arith.constant 3 : i32
      %eq3A_287 = vector.broadcast %eq3A_286 : i32 to vector<16xi32>
      %eq3A_288 = arith.cmpi eq, %iota3A, %eq3A_287 : vector<16xi32>
      %reduce_sum3A_289 = arith.constant true
      %reduce_sum3A_290 = vector.broadcast %reduce_sum3A_289 : i1 to vector<16xi1>
      %reduce_sum3A_291 = tpu.scan <sum>, %add3A_281 masked %reduce_sum3A_290 : vector<16xf32>, vector<16xi1> -> vector<16xf32>
      %reduce_sum3A_292 = vector.extract %reduce_sum3A_291[15] : f32 from vector<16xf32>
      %broadcast_in_dim3A_293 = vector.broadcast %reduce_sum3A_292 : f32 to vector<16xf32>
      %select_n3A_294 = arith.select %eq3A_288, %broadcast_in_dim3A_293, %select_n3A_221 : vector<16xi1>, vector<16xf32>
      %reduce_sum3A_295 = arith.constant true
      %reduce_sum3A_296 = vector.broadcast %reduce_sum3A_295 : i1 to vector<16xi1>
      %reduce_sum3A_297 = tpu.scan <sum>, %add3A_283 masked %reduce_sum3A_296 : vector<16xf32>, vector<16xi1> -> vector<16xf32>
      %reduce_sum3A_298 = vector.extract %reduce_sum3A_297[15] : f32 from vector<16xf32>
      %broadcast_in_dim3A_299 = vector.broadcast %reduce_sum3A_298 : f32 to vector<16xf32>
      %select_n3A_300 = arith.select %eq3A_288, %broadcast_in_dim3A_299, %select_n3A_227 : vector<16xi1>, vector<16xf32>
      %reduce_sum3A_301 = arith.constant true
      %reduce_sum3A_302 = vector.broadcast %reduce_sum3A_301 : i1 to vector<16xi1>
      %reduce_sum3A_303 = tpu.scan <sum>, %add3A_285 masked %reduce_sum3A_302 : vector<16xf32>, vector<16xi1> -> vector<16xf32>
      %reduce_sum3A_304 = vector.extract %reduce_sum3A_303[15] : f32 from vector<16xf32>
      %broadcast_in_dim3A_305 = vector.broadcast %reduce_sum3A_304 : f32 to vector<16xf32>
      %select_n3A_306 = arith.select %eq3A_288, %broadcast_in_dim3A_305, %select_n3A_233 : vector<16xi1>, vector<16xf32>
      %mul3A_307 = arith.constant 16 : i32
      %mul3A_308 = arith.muli %scan3A_17, %mul3A_307 : i32
      %add3A_309 = arith.constant 4 : i32
      %add3A_310 = arith.addi %mul3A_308, %add3A_309 : i32
      %get3A_311 = arith.index_cast %add3A_310 : i32 to index
      %get3A_312 = arith.constant 0 : index
      %get3A_313 = tpu.vector_load %arg10[%get3A_311, %get3A_312] {strides = array<i32>} : memref<512x64xf32, #tpu.memory_space<vmem>>, vector<16xf32>,
      %get3A_314 = arith.index_cast %add3A_310 : i32 to index
      %get3A_315 = arith.constant 0 : index
      %get3A_316 = tpu.vector_load %arg11[%get3A_314, %get3A_315] {strides = array<i32>} : memref<512x64xf32, #tpu.memory_space<vmem>>, vector<16xf32>,
      %mul3A_317 = arith.mulf %get3A_313, %get3A_316 : vector<16xf32>
      %add3A_318 = arith.addf %broadcast_in_dim3A_18, %mul3A_317 : vector<16xf32>
      %mul3A_319 = arith.mulf %get3A_313, %get3A_313 : vector<16xf32>
      %add3A_320 = arith.addf %broadcast_in_dim3A_18, %mul3A_319 : vector<16xf32>
      %mul3A_321 = arith.mulf %get3A_316, %get3A_316 : vector<16xf32>
      %add3A_322 = arith.addf %broadcast_in_dim3A_18, %mul3A_321 : vector<16xf32>
      %get3A_323 = arith.index_cast %add3A_310 : i32 to index
      %get3A_324 = arith.constant 16 : index
      %get3A_325 = tpu.vector_load %arg10[%get3A_323, %get3A_324] {strides = array<i32>} : memref<512x64xf32, #tpu.memory_space<vmem>>, vector<16xf32>,
      %get3A_326 = arith.index_cast %add3A_310 : i32 to index
      %get3A_327 = arith.constant 16 : index
      %get3A_328 = tpu.vector_load %arg11[%get3A_326, %get3A_327] {strides = array<i32>} : memref<512x64xf32, #tpu.memory_space<vmem>>, vector<16xf32>,
      %mul3A_329 = arith.mulf %get3A_325, %get3A_328 : vector<16xf32>
      %add3A_330 = arith.addf %add3A_318, %mul3A_329 : vector<16xf32>
      %mul3A_331 = arith.mulf %get3A_325, %get3A_325 : vector<16xf32>
      %add3A_332 = arith.addf %add3A_320, %mul3A_331 : vector<16xf32>
      %mul3A_333 = arith.mulf %get3A_328, %get3A_328 : vector<16xf32>
      %add3A_334 = arith.addf %add3A_322, %mul3A_333 : vector<16xf32>
      %get3A_335 = arith.index_cast %add3A_310 : i32 to index
      %get3A_336 = arith.constant 32 : index
      %get3A_337 = tpu.vector_load %arg10[%get3A_335, %get3A_336] {strides = array<i32>} : memref<512x64xf32, #tpu.memory_space<vmem>>, vector<16xf32>,
      %get3A_338 = arith.index_cast %add3A_310 : i32 to index
      %get3A_339 = arith.constant 32 : index
      %get3A_340 = tpu.vector_load %arg11[%get3A_338, %get3A_339] {strides = array<i32>} : memref<512x64xf32, #tpu.memory_space<vmem>>, vector<16xf32>,
      %mul3A_341 = arith.mulf %get3A_337, %get3A_340 : vector<16xf32>
      %add3A_342 = arith.addf %add3A_330, %mul3A_341 : vector<16xf32>
      %mul3A_343 = arith.mulf %get3A_337, %get3A_337 : vector<16xf32>
      %add3A_344 = arith.addf %add3A_332, %mul3A_343 : vector<16xf32>
      %mul3A_345 = arith.mulf %get3A_340, %get3A_340 : vector<16xf32>
      %add3A_346 = arith.addf %add3A_334, %mul3A_345 : vector<16xf32>
      %get3A_347 = arith.index_cast %add3A_310 : i32 to index
      %get3A_348 = arith.constant 48 : index
      %get3A_349 = tpu.vector_load %arg10[%get3A_347, %get3A_348] {strides = array<i32>} : memref<512x64xf32, #tpu.memory_space<vmem>>, vector<16xf32>,
      %get3A_350 = arith.index_cast %add3A_310 : i32 to index
      %get3A_351 = arith.constant 48 : index
      %get3A_352 = tpu.vector_load %arg11[%get3A_350, %get3A_351] {strides = array<i32>} : memref<512x64xf32, #tpu.memory_space<vmem>>, vector<16xf32>,
      %mul3A_353 = arith.mulf %get3A_349, %get3A_352 : vector<16xf32>
      %add3A_354 = arith.addf %add3A_342, %mul3A_353 : vector<16xf32>
      %mul3A_355 = arith.mulf %get3A_349, %get3A_349 : vector<16xf32>
      %add3A_356 = arith.addf %add3A_344, %mul3A_355 : vector<16xf32>
      %mul3A_357 = arith.mulf %get3A_352, %get3A_352 : vector<16xf32>
      %add3A_358 = arith.addf %add3A_346, %mul3A_357 : vector<16xf32>
      %eq3A_359 = arith.constant 4 : i32
      %eq3A_360 = vector.broadcast %eq3A_359 : i32 to vector<16xi32>
      %eq3A_361 = arith.cmpi eq, %iota3A, %eq3A_360 : vector<16xi32>
      %reduce_sum3A_362 = arith.constant true
      %reduce_sum3A_363 = vector.broadcast %reduce_sum3A_362 : i1 to vector<16xi1>
      %reduce_sum3A_364 = tpu.scan <sum>, %add3A_354 masked %reduce_sum3A_363 : vector<16xf32>, vector<16xi1> -> vector<16xf32>
      %reduce_sum3A_365 = vector.extract %reduce_sum3A_364[15] : f32 from vector<16xf32>
      %broadcast_in_dim3A_366 = vector.broadcast %reduce_sum3A_365 : f32 to vector<16xf32>
      %select_n3A_367 = arith.select %eq3A_361, %broadcast_in_dim3A_366, %select_n3A_294 : vector<16xi1>, vector<16xf32>
      %reduce_sum3A_368 = arith.constant true
      %reduce_sum3A_369 = vector.broadcast %reduce_sum3A_368 : i1 to vector<16xi1>
      %reduce_sum3A_370 = tpu.scan <sum>, %add3A_356 masked %reduce_sum3A_369 : vector<16xf32>, vector<16xi1> -> vector<16xf32>
      %reduce_sum3A_371 = vector.extract %reduce_sum3A_370[15] : f32 from vector<16xf32>
      %broadcast_in_dim3A_372 = vector.broadcast %reduce_sum3A_371 : f32 to vector<16xf32>
      %select_n3A_373 = arith.select %eq3A_361, %broadcast_in_dim3A_372, %select_n3A_300 : vector<16xi1>, vector<16xf32>
      %reduce_sum3A_374 = arith.constant true
      %reduce_sum3A_375 = vector.broadcast %reduce_sum3A_374 : i1 to vector<16xi1>
      %reduce_sum3A_376 = tpu.scan <sum>, %add3A_358 masked %reduce_sum3A_375 : vector<16xf32>, vector<16xi1> -> vector<16xf32>
      %reduce_sum3A_377 = vector.extract %reduce_sum3A_376[15] : f32 from vector<16xf32>
      %broadcast_in_dim3A_378 = vector.broadcast %reduce_sum3A_377 : f32 to vector<16xf32>
      %select_n3A_379 = arith.select %eq3A_361, %broadcast_in_dim3A_378, %select_n3A_306 : vector<16xi1>, vector<16xf32>
      %mul3A_380 = arith.constant 16 : i32
      %mul3A_381 = arith.muli %scan3A_17, %mul3A_380 : i32
      %add3A_382 = arith.constant 5 : i32
      %add3A_383 = arith.addi %mul3A_381, %add3A_382 : i32
      %get3A_384 = arith.index_cast %add3A_383 : i32 to index
      %get3A_385 = arith.constant 0 : index
      %get3A_386 = tpu.vector_load %arg10[%get3A_384, %get3A_385] {strides = array<i32>} : memref<512x64xf32, #tpu.memory_space<vmem>>, vector<16xf32>,
      %get3A_387 = arith.index_cast %add3A_383 : i32 to index
      %get3A_388 = arith.constant 0 : index
      %get3A_389 = tpu.vector_load %arg11[%get3A_387, %get3A_388] {strides = array<i32>} : memref<512x64xf32, #tpu.memory_space<vmem>>, vector<16xf32>,
      %mul3A_390 = arith.mulf %get3A_386, %get3A_389 : vector<16xf32>
      %add3A_391 = arith.addf %broadcast_in_dim3A_18, %mul3A_390 : vector<16xf32>
      %mul3A_392 = arith.mulf %get3A_386, %get3A_386 : vector<16xf32>
      %add3A_393 = arith.addf %broadcast_in_dim3A_18, %mul3A_392 : vector<16xf32>
      %mul3A_394 = arith.mulf %get3A_389, %get3A_389 : vector<16xf32>
      %add3A_395 = arith.addf %broadcast_in_dim3A_18, %mul3A_394 : vector<16xf32>
      %get3A_396 = arith.index_cast %add3A_383 : i32 to index
      %get3A_397 = arith.constant 16 : index
      %get3A_398 = tpu.vector_load %arg10[%get3A_396, %get3A_397] {strides = array<i32>} : memref<512x64xf32, #tpu.memory_space<vmem>>, vector<16xf32>,
      %get3A_399 = arith.index_cast %add3A_383 : i32 to index
      %get3A_400 = arith.constant 16 : index
      %get3A_401 = tpu.vector_load %arg11[%get3A_399, %get3A_400] {strides = array<i32>} : memref<512x64xf32, #tpu.memory_space<vmem>>, vector<16xf32>,
      %mul3A_402 = arith.mulf %get3A_398, %get3A_401 : vector<16xf32>
      %add3A_403 = arith.addf %add3A_391, %mul3A_402 : vector<16xf32>
      %mul3A_404 = arith.mulf %get3A_398, %get3A_398 : vector<16xf32>
      %add3A_405 = arith.addf %add3A_393, %mul3A_404 : vector<16xf32>
      %mul3A_406 = arith.mulf %get3A_401, %get3A_401 : vector<16xf32>
      %add3A_407 = arith.addf %add3A_395, %mul3A_406 : vector<16xf32>
      %get3A_408 = arith.index_cast %add3A_383 : i32 to index
      %get3A_409 = arith.constant 32 : index
      %get3A_410 = tpu.vector_load %arg10[%get3A_408, %get3A_409] {strides = array<i32>} : memref<512x64xf32, #tpu.memory_space<vmem>>, vector<16xf32>,
      %get3A_411 = arith.index_cast %add3A_383 : i32 to index
      %get3A_412 = arith.constant 32 : index
      %get3A_413 = tpu.vector_load %arg11[%get3A_411, %get3A_412] {strides = array<i32>} : memref<512x64xf32, #tpu.memory_space<vmem>>, vector<16xf32>,
      %mul3A_414 = arith.mulf %get3A_410, %get3A_413 : vector<16xf32>
      %add3A_415 = arith.addf %add3A_403, %mul3A_414 : vector<16xf32>
      %mul3A_416 = arith.mulf %get3A_410, %get3A_410 : vector<16xf32>
      %add3A_417 = arith.addf %add3A_405, %mul3A_416 : vector<16xf32>
      %mul3A_418 = arith.mulf %get3A_413, %get3A_413 : vector<16xf32>
      %add3A_419 = arith.addf %add3A_407, %mul3A_418 : vector<16xf32>
      %get3A_420 = arith.index_cast %add3A_383 : i32 to index
      %get3A_421 = arith.constant 48 : index
      %get3A_422 = tpu.vector_load %arg10[%get3A_420, %get3A_421] {strides = array<i32>} : memref<512x64xf32, #tpu.memory_space<vmem>>, vector<16xf32>,
      %get3A_423 = arith.index_cast %add3A_383 : i32 to index
      %get3A_424 = arith.constant 48 : index
      %get3A_425 = tpu.vector_load %arg11[%get3A_423, %get3A_424] {strides = array<i32>} : memref<512x64xf32, #tpu.memory_space<vmem>>, vector<16xf32>,
      %mul3A_426 = arith.mulf %get3A_422, %get3A_425 : vector<16xf32>
      %add3A_427 = arith.addf %add3A_415, %mul3A_426 : vector<16xf32>
      %mul3A_428 = arith.mulf %get3A_422, %get3A_422 : vector<16xf32>
      %add3A_429 = arith.addf %add3A_417, %mul3A_428 : vector<16xf32>
      %mul3A_430 = arith.mulf %get3A_425, %get3A_425 : vector<16xf32>
      %add3A_431 = arith.addf %add3A_419, %mul3A_430 : vector<16xf32>
      %eq3A_432 = arith.constant 5 : i32
      %eq3A_433 = vector.broadcast %eq3A_432 : i32 to vector<16xi32>
      %eq3A_434 = arith.cmpi eq, %iota3A, %eq3A_433 : vector<16xi32>
      %reduce_sum3A_435 = arith.constant true
      %reduce_sum3A_436 = vector.broadcast %reduce_sum3A_435 : i1 to vector<16xi1>
      %reduce_sum3A_437 = tpu.scan <sum>, %add3A_427 masked %reduce_sum3A_436 : vector<16xf32>, vector<16xi1> -> vector<16xf32>
      %reduce_sum3A_438 = vector.extract %reduce_sum3A_437[15] : f32 from vector<16xf32>
      %broadcast_in_dim3A_439 = vector.broadcast %reduce_sum3A_438 : f32 to vector<16xf32>
      %select_n3A_440 = arith.select %eq3A_434, %broadcast_in_dim3A_439, %select_n3A_367 : vector<16xi1>, vector<16xf32>
      %reduce_sum3A_441 = arith.constant true
      %reduce_sum3A_442 = vector.broadcast %reduce_sum3A_441 : i1 to vector<16xi1>
      %reduce_sum3A_443 = tpu.scan <sum>, %add3A_429 masked %reduce_sum3A_442 : vector<16xf32>, vector<16xi1> -> vector<16xf32>
      %reduce_sum3A_444 = vector.extract %reduce_sum3A_443[15] : f32 from vector<16xf32>
      %broadcast_in_dim3A_445 = vector.broadcast %reduce_sum3A_444 : f32 to vector<16xf32>
      %select_n3A_446 = arith.select %eq3A_434, %broadcast_in_dim3A_445, %select_n3A_373 : vector<16xi1>, vector<16xf32>
      %reduce_sum3A_447 = arith.constant true
      %reduce_sum3A_448 = vector.broadcast %reduce_sum3A_447 : i1 to vector<16xi1>
      %reduce_sum3A_449 = tpu.scan <sum>, %add3A_431 masked %reduce_sum3A_448 : vector<16xf32>, vector<16xi1> -> vector<16xf32>
      %reduce_sum3A_450 = vector.extract %reduce_sum3A_449[15] : f32 from vector<16xf32>
      %broadcast_in_dim3A_451 = vector.broadcast %reduce_sum3A_450 : f32 to vector<16xf32>
      %select_n3A_452 = arith.select %eq3A_434, %broadcast_in_dim3A_451, %select_n3A_379 : vector<16xi1>, vector<16xf32>
      %mul3A_453 = arith.constant 16 : i32
      %mul3A_454 = arith.muli %scan3A_17, %mul3A_453 : i32
      %add3A_455 = arith.constant 6 : i32
      %add3A_456 = arith.addi %mul3A_454, %add3A_455 : i32
      %get3A_457 = arith.index_cast %add3A_456 : i32 to index
      %get3A_458 = arith.constant 0 : index
      %get3A_459 = tpu.vector_load %arg10[%get3A_457, %get3A_458] {strides = array<i32>} : memref<512x64xf32, #tpu.memory_space<vmem>>, vector<16xf32>,
      %get3A_460 = arith.index_cast %add3A_456 : i32 to index
      %get3A_461 = arith.constant 0 : index
      %get3A_462 = tpu.vector_load %arg11[%get3A_460, %get3A_461] {strides = array<i32>} : memref<512x64xf32, #tpu.memory_space<vmem>>, vector<16xf32>,
      %mul3A_463 = arith.mulf %get3A_459, %get3A_462 : vector<16xf32>
      %add3A_464 = arith.addf %broadcast_in_dim3A_18, %mul3A_463 : vector<16xf32>
      %mul3A_465 = arith.mulf %get3A_459, %get3A_459 : vector<16xf32>
      %add3A_466 = arith.addf %broadcast_in_dim3A_18, %mul3A_465 : vector<16xf32>
      %mul3A_467 = arith.mulf %get3A_462, %get3A_462 : vector<16xf32>
      %add3A_468 = arith.addf %broadcast_in_dim3A_18, %mul3A_467 : vector<16xf32>
      %get3A_469 = arith.index_cast %add3A_456 : i32 to index
      %get3A_470 = arith.constant 16 : index
      %get3A_471 = tpu.vector_load %arg10[%get3A_469, %get3A_470] {strides = array<i32>} : memref<512x64xf32, #tpu.memory_space<vmem>>, vector<16xf32>,
      %get3A_472 = arith.index_cast %add3A_456 : i32 to index
      %get3A_473 = arith.constant 16 : index
      %get3A_474 = tpu.vector_load %arg11[%get3A_472, %get3A_473] {strides = array<i32>} : memref<512x64xf32, #tpu.memory_space<vmem>>, vector<16xf32>,
      %mul3A_475 = arith.mulf %get3A_471, %get3A_474 : vector<16xf32>
      %add3A_476 = arith.addf %add3A_464, %mul3A_475 : vector<16xf32>
      %mul3A_477 = arith.mulf %get3A_471, %get3A_471 : vector<16xf32>
      %add3A_478 = arith.addf %add3A_466, %mul3A_477 : vector<16xf32>
      %mul3A_479 = arith.mulf %get3A_474, %get3A_474 : vector<16xf32>
      %add3A_480 = arith.addf %add3A_468, %mul3A_479 : vector<16xf32>
      %get3A_481 = arith.index_cast %add3A_456 : i32 to index
      %get3A_482 = arith.constant 32 : index
      %get3A_483 = tpu.vector_load %arg10[%get3A_481, %get3A_482] {strides = array<i32>} : memref<512x64xf32, #tpu.memory_space<vmem>>, vector<16xf32>,
      %get3A_484 = arith.index_cast %add3A_456 : i32 to index
      %get3A_485 = arith.constant 32 : index
      %get3A_486 = tpu.vector_load %arg11[%get3A_484, %get3A_485] {strides = array<i32>} : memref<512x64xf32, #tpu.memory_space<vmem>>, vector<16xf32>,
      %mul3A_487 = arith.mulf %get3A_483, %get3A_486 : vector<16xf32>
      %add3A_488 = arith.addf %add3A_476, %mul3A_487 : vector<16xf32>
      %mul3A_489 = arith.mulf %get3A_483, %get3A_483 : vector<16xf32>
      %add3A_490 = arith.addf %add3A_478, %mul3A_489 : vector<16xf32>
      %mul3A_491 = arith.mulf %get3A_486, %get3A_486 : vector<16xf32>
      %add3A_492 = arith.addf %add3A_480, %mul3A_491 : vector<16xf32>
      %get3A_493 = arith.index_cast %add3A_456 : i32 to index
      %get3A_494 = arith.constant 48 : index
      %get3A_495 = tpu.vector_load %arg10[%get3A_493, %get3A_494] {strides = array<i32>} : memref<512x64xf32, #tpu.memory_space<vmem>>, vector<16xf32>,
      %get3A_496 = arith.index_cast %add3A_456 : i32 to index
      %get3A_497 = arith.constant 48 : index
      %get3A_498 = tpu.vector_load %arg11[%get3A_496, %get3A_497] {strides = array<i32>} : memref<512x64xf32, #tpu.memory_space<vmem>>, vector<16xf32>,
      %mul3A_499 = arith.mulf %get3A_495, %get3A_498 : vector<16xf32>
      %add3A_500 = arith.addf %add3A_488, %mul3A_499 : vector<16xf32>
      %mul3A_501 = arith.mulf %get3A_495, %get3A_495 : vector<16xf32>
      %add3A_502 = arith.addf %add3A_490, %mul3A_501 : vector<16xf32>
      %mul3A_503 = arith.mulf %get3A_498, %get3A_498 : vector<16xf32>
      %add3A_504 = arith.addf %add3A_492, %mul3A_503 : vector<16xf32>
      %eq3A_505 = arith.constant 6 : i32
      %eq3A_506 = vector.broadcast %eq3A_505 : i32 to vector<16xi32>
      %eq3A_507 = arith.cmpi eq, %iota3A, %eq3A_506 : vector<16xi32>
      %reduce_sum3A_508 = arith.constant true
      %reduce_sum3A_509 = vector.broadcast %reduce_sum3A_508 : i1 to vector<16xi1>
      %reduce_sum3A_510 = tpu.scan <sum>, %add3A_500 masked %reduce_sum3A_509 : vector<16xf32>, vector<16xi1> -> vector<16xf32>
      %reduce_sum3A_511 = vector.extract %reduce_sum3A_510[15] : f32 from vector<16xf32>
      %broadcast_in_dim3A_512 = vector.broadcast %reduce_sum3A_511 : f32 to vector<16xf32>
      %select_n3A_513 = arith.select %eq3A_507, %broadcast_in_dim3A_512, %select_n3A_440 : vector<16xi1>, vector<16xf32>
      %reduce_sum3A_514 = arith.constant true
      %reduce_sum3A_515 = vector.broadcast %reduce_sum3A_514 : i1 to vector<16xi1>
      %reduce_sum3A_516 = tpu.scan <sum>, %add3A_502 masked %reduce_sum3A_515 : vector<16xf32>, vector<16xi1> -> vector<16xf32>
      %reduce_sum3A_517 = vector.extract %reduce_sum3A_516[15] : f32 from vector<16xf32>
      %broadcast_in_dim3A_518 = vector.broadcast %reduce_sum3A_517 : f32 to vector<16xf32>
      %select_n3A_519 = arith.select %eq3A_507, %broadcast_in_dim3A_518, %select_n3A_446 : vector<16xi1>, vector<16xf32>
      %reduce_sum3A_520 = arith.constant true
      %reduce_sum3A_521 = vector.broadcast %reduce_sum3A_520 : i1 to vector<16xi1>
      %reduce_sum3A_522 = tpu.scan <sum>, %add3A_504 masked %reduce_sum3A_521 : vector<16xf32>, vector<16xi1> -> vector<16xf32>
      %reduce_sum3A_523 = vector.extract %reduce_sum3A_522[15] : f32 from vector<16xf32>
      %broadcast_in_dim3A_524 = vector.broadcast %reduce_sum3A_523 : f32 to vector<16xf32>
      %select_n3A_525 = arith.select %eq3A_507, %broadcast_in_dim3A_524, %select_n3A_452 : vector<16xi1>, vector<16xf32>
      %mul3A_526 = arith.constant 16 : i32
      %mul3A_527 = arith.muli %scan3A_17, %mul3A_526 : i32
      %add3A_528 = arith.constant 7 : i32
      %add3A_529 = arith.addi %mul3A_527, %add3A_528 : i32
      %get3A_530 = arith.index_cast %add3A_529 : i32 to index
      %get3A_531 = arith.constant 0 : index
      %get3A_532 = tpu.vector_load %arg10[%get3A_530, %get3A_531] {strides = array<i32>} : memref<512x64xf32, #tpu.memory_space<vmem>>, vector<16xf32>,
      %get3A_533 = arith.index_cast %add3A_529 : i32 to index
      %get3A_534 = arith.constant 0 : index
      %get3A_535 = tpu.vector_load %arg11[%get3A_533, %get3A_534] {strides = array<i32>} : memref<512x64xf32, #tpu.memory_space<vmem>>, vector<16xf32>,
      %mul3A_536 = arith.mulf %get3A_532, %get3A_535 : vector<16xf32>
      %add3A_537 = arith.addf %broadcast_in_dim3A_18, %mul3A_536 : vector<16xf32>
      %mul3A_538 = arith.mulf %get3A_532, %get3A_532 : vector<16xf32>
      %add3A_539 = arith.addf %broadcast_in_dim3A_18, %mul3A_538 : vector<16xf32>
      %mul3A_540 = arith.mulf %get3A_535, %get3A_535 : vector<16xf32>
      %add3A_541 = arith.addf %broadcast_in_dim3A_18, %mul3A_540 : vector<16xf32>
      %get3A_542 = arith.index_cast %add3A_529 : i32 to index
      %get3A_543 = arith.constant 16 : index
      %get3A_544 = tpu.vector_load %arg10[%get3A_542, %get3A_543] {strides = array<i32>} : memref<512x64xf32, #tpu.memory_space<vmem>>, vector<16xf32>,
      %get3A_545 = arith.index_cast %add3A_529 : i32 to index
      %get3A_546 = arith.constant 16 : index
      %get3A_547 = tpu.vector_load %arg11[%get3A_545, %get3A_546] {strides = array<i32>} : memref<512x64xf32, #tpu.memory_space<vmem>>, vector<16xf32>,
      %mul3A_548 = arith.mulf %get3A_544, %get3A_547 : vector<16xf32>
      %add3A_549 = arith.addf %add3A_537, %mul3A_548 : vector<16xf32>
      %mul3A_550 = arith.mulf %get3A_544, %get3A_544 : vector<16xf32>
      %add3A_551 = arith.addf %add3A_539, %mul3A_550 : vector<16xf32>
      %mul3A_552 = arith.mulf %get3A_547, %get3A_547 : vector<16xf32>
      %add3A_553 = arith.addf %add3A_541, %mul3A_552 : vector<16xf32>
      %get3A_554 = arith.index_cast %add3A_529 : i32 to index
      %get3A_555 = arith.constant 32 : index
      %get3A_556 = tpu.vector_load %arg10[%get3A_554, %get3A_555] {strides = array<i32>} : memref<512x64xf32, #tpu.memory_space<vmem>>, vector<16xf32>,
      %get3A_557 = arith.index_cast %add3A_529 : i32 to index
      %get3A_558 = arith.constant 32 : index
      %get3A_559 = tpu.vector_load %arg11[%get3A_557, %get3A_558] {strides = array<i32>} : memref<512x64xf32, #tpu.memory_space<vmem>>, vector<16xf32>,
      %mul3A_560 = arith.mulf %get3A_556, %get3A_559 : vector<16xf32>
      %add3A_561 = arith.addf %add3A_549, %mul3A_560 : vector<16xf32>
      %mul3A_562 = arith.mulf %get3A_556, %get3A_556 : vector<16xf32>
      %add3A_563 = arith.addf %add3A_551, %mul3A_562 : vector<16xf32>
      %mul3A_564 = arith.mulf %get3A_559, %get3A_559 : vector<16xf32>
      %add3A_565 = arith.addf %add3A_553, %mul3A_564 : vector<16xf32>
      %get3A_566 = arith.index_cast %add3A_529 : i32 to index
      %get3A_567 = arith.constant 48 : index
      %get3A_568 = tpu.vector_load %arg10[%get3A_566, %get3A_567] {strides = array<i32>} : memref<512x64xf32, #tpu.memory_space<vmem>>, vector<16xf32>,
      %get3A_569 = arith.index_cast %add3A_529 : i32 to index
      %get3A_570 = arith.constant 48 : index
      %get3A_571 = tpu.vector_load %arg11[%get3A_569, %get3A_570] {strides = array<i32>} : memref<512x64xf32, #tpu.memory_space<vmem>>, vector<16xf32>,
      %mul3A_572 = arith.mulf %get3A_568, %get3A_571 : vector<16xf32>
      %add3A_573 = arith.addf %add3A_561, %mul3A_572 : vector<16xf32>
      %mul3A_574 = arith.mulf %get3A_568, %get3A_568 : vector<16xf32>
      %add3A_575 = arith.addf %add3A_563, %mul3A_574 : vector<16xf32>
      %mul3A_576 = arith.mulf %get3A_571, %get3A_571 : vector<16xf32>
      %add3A_577 = arith.addf %add3A_565, %mul3A_576 : vector<16xf32>
      %eq3A_578 = arith.constant 7 : i32
      %eq3A_579 = vector.broadcast %eq3A_578 : i32 to vector<16xi32>
      %eq3A_580 = arith.cmpi eq, %iota3A, %eq3A_579 : vector<16xi32>
      %reduce_sum3A_581 = arith.constant true
      %reduce_sum3A_582 = vector.broadcast %reduce_sum3A_581 : i1 to vector<16xi1>
      %reduce_sum3A_583 = tpu.scan <sum>, %add3A_573 masked %reduce_sum3A_582 : vector<16xf32>, vector<16xi1> -> vector<16xf32>
      %reduce_sum3A_584 = vector.extract %reduce_sum3A_583[15] : f32 from vector<16xf32>
      %broadcast_in_dim3A_585 = vector.broadcast %reduce_sum3A_584 : f32 to vector<16xf32>
      %select_n3A_586 = arith.select %eq3A_580, %broadcast_in_dim3A_585, %select_n3A_513 : vector<16xi1>, vector<16xf32>
      %reduce_sum3A_587 = arith.constant true
      %reduce_sum3A_588 = vector.broadcast %reduce_sum3A_587 : i1 to vector<16xi1>
      %reduce_sum3A_589 = tpu.scan <sum>, %add3A_575 masked %reduce_sum3A_588 : vector<16xf32>, vector<16xi1> -> vector<16xf32>
      %reduce_sum3A_590 = vector.extract %reduce_sum3A_589[15] : f32 from vector<16xf32>
      %broadcast_in_dim3A_591 = vector.broadcast %reduce_sum3A_590 : f32 to vector<16xf32>
      %select_n3A_592 = arith.select %eq3A_580, %broadcast_in_dim3A_591, %select_n3A_519 : vector<16xi1>, vector<16xf32>
      %reduce_sum3A_593 = arith.constant true
      %reduce_sum3A_594 = vector.broadcast %reduce_sum3A_593 : i1 to vector<16xi1>
      %reduce_sum3A_595 = tpu.scan <sum>, %add3A_577 masked %reduce_sum3A_594 : vector<16xf32>, vector<16xi1> -> vector<16xf32>
      %reduce_sum3A_596 = vector.extract %reduce_sum3A_595[15] : f32 from vector<16xf32>
      %broadcast_in_dim3A_597 = vector.broadcast %reduce_sum3A_596 : f32 to vector<16xf32>
      %select_n3A_598 = arith.select %eq3A_580, %broadcast_in_dim3A_597, %select_n3A_525 : vector<16xi1>, vector<16xf32>
      %mul3A_599 = arith.constant 16 : i32
      %mul3A_600 = arith.muli %scan3A_17, %mul3A_599 : i32
      %add3A_601 = arith.constant 8 : i32
      %add3A_602 = arith.addi %mul3A_600, %add3A_601 : i32
      %get3A_603 = arith.index_cast %add3A_602 : i32 to index
      %get3A_604 = arith.constant 0 : index
      %get3A_605 = tpu.vector_load %arg10[%get3A_603, %get3A_604] {strides = array<i32>} : memref<512x64xf32, #tpu.memory_space<vmem>>, vector<16xf32>,
      %get3A_606 = arith.index_cast %add3A_602 : i32 to index
      %get3A_607 = arith.constant 0 : index
      %get3A_608 = tpu.vector_load %arg11[%get3A_606, %get3A_607] {strides = array<i32>} : memref<512x64xf32, #tpu.memory_space<vmem>>, vector<16xf32>,
      %mul3A_609 = arith.mulf %get3A_605, %get3A_608 : vector<16xf32>
      %add3A_610 = arith.addf %broadcast_in_dim3A_18, %mul3A_609 : vector<16xf32>
      %mul3A_611 = arith.mulf %get3A_605, %get3A_605 : vector<16xf32>
      %add3A_612 = arith.addf %broadcast_in_dim3A_18, %mul3A_611 : vector<16xf32>
      %mul3A_613 = arith.mulf %get3A_608, %get3A_608 : vector<16xf32>
      %add3A_614 = arith.addf %broadcast_in_dim3A_18, %mul3A_613 : vector<16xf32>
      %get3A_615 = arith.index_cast %add3A_602 : i32 to index
      %get3A_616 = arith.constant 16 : index
      %get3A_617 = tpu.vector_load %arg10[%get3A_615, %get3A_616] {strides = array<i32>} : memref<512x64xf32, #tpu.memory_space<vmem>>, vector<16xf32>,
      %get3A_618 = arith.index_cast %add3A_602 : i32 to index
      %get3A_619 = arith.constant 16 : index
      %get3A_620 = tpu.vector_load %arg11[%get3A_618, %get3A_619] {strides = array<i32>} : memref<512x64xf32, #tpu.memory_space<vmem>>, vector<16xf32>,
      %mul3A_621 = arith.mulf %get3A_617, %get3A_620 : vector<16xf32>
      %add3A_622 = arith.addf %add3A_610, %mul3A_621 : vector<16xf32>
      %mul3A_623 = arith.mulf %get3A_617, %get3A_617 : vector<16xf32>
      %add3A_624 = arith.addf %add3A_612, %mul3A_623 : vector<16xf32>
      %mul3A_625 = arith.mulf %get3A_620, %get3A_620 : vector<16xf32>
      %add3A_626 = arith.addf %add3A_614, %mul3A_625 : vector<16xf32>
      %get3A_627 = arith.index_cast %add3A_602 : i32 to index
      %get3A_628 = arith.constant 32 : index
      %get3A_629 = tpu.vector_load %arg10[%get3A_627, %get3A_628] {strides = array<i32>} : memref<512x64xf32, #tpu.memory_space<vmem>>, vector<16xf32>,
      %get3A_630 = arith.index_cast %add3A_602 : i32 to index
      %get3A_631 = arith.constant 32 : index
      %get3A_632 = tpu.vector_load %arg11[%get3A_630, %get3A_631] {strides = array<i32>} : memref<512x64xf32, #tpu.memory_space<vmem>>, vector<16xf32>,
      %mul3A_633 = arith.mulf %get3A_629, %get3A_632 : vector<16xf32>
      %add3A_634 = arith.addf %add3A_622, %mul3A_633 : vector<16xf32>
      %mul3A_635 = arith.mulf %get3A_629, %get3A_629 : vector<16xf32>
      %add3A_636 = arith.addf %add3A_624, %mul3A_635 : vector<16xf32>
      %mul3A_637 = arith.mulf %get3A_632, %get3A_632 : vector<16xf32>
      %add3A_638 = arith.addf %add3A_626, %mul3A_637 : vector<16xf32>
      %get3A_639 = arith.index_cast %add3A_602 : i32 to index
      %get3A_640 = arith.constant 48 : index
      %get3A_641 = tpu.vector_load %arg10[%get3A_639, %get3A_640] {strides = array<i32>} : memref<512x64xf32, #tpu.memory_space<vmem>>, vector<16xf32>,
      %get3A_642 = arith.index_cast %add3A_602 : i32 to index
      %get3A_643 = arith.constant 48 : index
      %get3A_644 = tpu.vector_load %arg11[%get3A_642, %get3A_643] {strides = array<i32>} : memref<512x64xf32, #tpu.memory_space<vmem>>, vector<16xf32>,
      %mul3A_645 = arith.mulf %get3A_641, %get3A_644 : vector<16xf32>
      %add3A_646 = arith.addf %add3A_634, %mul3A_645 : vector<16xf32>
      %mul3A_647 = arith.mulf %get3A_641, %get3A_641 : vector<16xf32>
      %add3A_648 = arith.addf %add3A_636, %mul3A_647 : vector<16xf32>
      %mul3A_649 = arith.mulf %get3A_644, %get3A_644 : vector<16xf32>
      %add3A_650 = arith.addf %add3A_638, %mul3A_649 : vector<16xf32>
      %eq3A_651 = arith.constant 8 : i32
      %eq3A_652 = vector.broadcast %eq3A_651 : i32 to vector<16xi32>
      %eq3A_653 = arith.cmpi eq, %iota3A, %eq3A_652 : vector<16xi32>
      %reduce_sum3A_654 = arith.constant true
      %reduce_sum3A_655 = vector.broadcast %reduce_sum3A_654 : i1 to vector<16xi1>
      %reduce_sum3A_656 = tpu.scan <sum>, %add3A_646 masked %reduce_sum3A_655 : vector<16xf32>, vector<16xi1> -> vector<16xf32>
      %reduce_sum3A_657 = vector.extract %reduce_sum3A_656[15] : f32 from vector<16xf32>
      %broadcast_in_dim3A_658 = vector.broadcast %reduce_sum3A_657 : f32 to vector<16xf32>
      %select_n3A_659 = arith.select %eq3A_653, %broadcast_in_dim3A_658, %select_n3A_586 : vector<16xi1>, vector<16xf32>
      %reduce_sum3A_660 = arith.constant true
      %reduce_sum3A_661 = vector.broadcast %reduce_sum3A_660 : i1 to vector<16xi1>
      %reduce_sum3A_662 = tpu.scan <sum>, %add3A_648 masked %reduce_sum3A_661 : vector<16xf32>, vector<16xi1> -> vector<16xf32>
      %reduce_sum3A_663 = vector.extract %reduce_sum3A_662[15] : f32 from vector<16xf32>
      %broadcast_in_dim3A_664 = vector.broadcast %reduce_sum3A_663 : f32 to vector<16xf32>
      %select_n3A_665 = arith.select %eq3A_653, %broadcast_in_dim3A_664, %select_n3A_592 : vector<16xi1>, vector<16xf32>
      %reduce_sum3A_666 = arith.constant true
      %reduce_sum3A_667 = vector.broadcast %reduce_sum3A_666 : i1 to vector<16xi1>
      %reduce_sum3A_668 = tpu.scan <sum>, %add3A_650 masked %reduce_sum3A_667 : vector<16xf32>, vector<16xi1> -> vector<16xf32>
      %reduce_sum3A_669 = vector.extract %reduce_sum3A_668[15] : f32 from vector<16xf32>
      %broadcast_in_dim3A_670 = vector.broadcast %reduce_sum3A_669 : f32 to vector<16xf32>
      %select_n3A_671 = arith.select %eq3A_653, %broadcast_in_dim3A_670, %select_n3A_598 : vector<16xi1>, vector<16xf32>
      %mul3A_672 = arith.constant 16 : i32
      %mul3A_673 = arith.muli %scan3A_17, %mul3A_672 : i32
      %add3A_674 = arith.constant 9 : i32
      %add3A_675 = arith.addi %mul3A_673, %add3A_674 : i32
      %get3A_676 = arith.index_cast %add3A_675 : i32 to index
      %get3A_677 = arith.constant 0 : index
      %get3A_678 = tpu.vector_load %arg10[%get3A_676, %get3A_677] {strides = array<i32>} : memref<512x64xf32, #tpu.memory_space<vmem>>, vector<16xf32>,
      %get3A_679 = arith.index_cast %add3A_675 : i32 to index
      %get3A_680 = arith.constant 0 : index
      %get3A_681 = tpu.vector_load %arg11[%get3A_679, %get3A_680] {strides = array<i32>} : memref<512x64xf32, #tpu.memory_space<vmem>>, vector<16xf32>,
      %mul3A_682 = arith.mulf %get3A_678, %get3A_681 : vector<16xf32>
      %add3A_683 = arith.addf %broadcast_in_dim3A_18, %mul3A_682 : vector<16xf32>
      %mul3A_684 = arith.mulf %get3A_678, %get3A_678 : vector<16xf32>
      %add3A_685 = arith.addf %broadcast_in_dim3A_18, %mul3A_684 : vector<16xf32>
      %mul3A_686 = arith.mulf %get3A_681, %get3A_681 : vector<16xf32>
      %add3A_687 = arith.addf %broadcast_in_dim3A_18, %mul3A_686 : vector<16xf32>
      %get3A_688 = arith.index_cast %add3A_675 : i32 to index
      %get3A_689 = arith.constant 16 : index
      %get3A_690 = tpu.vector_load %arg10[%get3A_688, %get3A_689] {strides = array<i32>} : memref<512x64xf32, #tpu.memory_space<vmem>>, vector<16xf32>,
      %get3A_691 = arith.index_cast %add3A_675 : i32 to index
      %get3A_692 = arith.constant 16 : index
      %get3A_693 = tpu.vector_load %arg11[%get3A_691, %get3A_692] {strides = array<i32>} : memref<512x64xf32, #tpu.memory_space<vmem>>, vector<16xf32>,
      %mul3A_694 = arith.mulf %get3A_690, %get3A_693 : vector<16xf32>
      %add3A_695 = arith.addf %add3A_683, %mul3A_694 : vector<16xf32>
      %mul3A_696 = arith.mulf %get3A_690, %get3A_690 : vector<16xf32>
      %add3A_697 = arith.addf %add3A_685, %mul3A_696 : vector<16xf32>
      %mul3A_698 = arith.mulf %get3A_693, %get3A_693 : vector<16xf32>
      %add3A_699 = arith.addf %add3A_687, %mul3A_698 : vector<16xf32>
      %get3A_700 = arith.index_cast %add3A_675 : i32 to index
      %get3A_701 = arith.constant 32 : index
      %get3A_702 = tpu.vector_load %arg10[%get3A_700, %get3A_701] {strides = array<i32>} : memref<512x64xf32, #tpu.memory_space<vmem>>, vector<16xf32>,
      %get3A_703 = arith.index_cast %add3A_675 : i32 to index
      %get3A_704 = arith.constant 32 : index
      %get3A_705 = tpu.vector_load %arg11[%get3A_703, %get3A_704] {strides = array<i32>} : memref<512x64xf32, #tpu.memory_space<vmem>>, vector<16xf32>,
      %mul3A_706 = arith.mulf %get3A_702, %get3A_705 : vector<16xf32>
      %add3A_707 = arith.addf %add3A_695, %mul3A_706 : vector<16xf32>
      %mul3A_708 = arith.mulf %get3A_702, %get3A_702 : vector<16xf32>
      %add3A_709 = arith.addf %add3A_697, %mul3A_708 : vector<16xf32>
      %mul3A_710 = arith.mulf %get3A_705, %get3A_705 : vector<16xf32>
      %add3A_711 = arith.addf %add3A_699, %mul3A_710 : vector<16xf32>
      %get3A_712 = arith.index_cast %add3A_675 : i32 to index
      %get3A_713 = arith.constant 48 : index
      %get3A_714 = tpu.vector_load %arg10[%get3A_712, %get3A_713] {strides = array<i32>} : memref<512x64xf32, #tpu.memory_space<vmem>>, vector<16xf32>,
      %get3A_715 = arith.index_cast %add3A_675 : i32 to index
      %get3A_716 = arith.constant 48 : index
      %get3A_717 = tpu.vector_load %arg11[%get3A_715, %get3A_716] {strides = array<i32>} : memref<512x64xf32, #tpu.memory_space<vmem>>, vector<16xf32>,
      %mul3A_718 = arith.mulf %get3A_714, %get3A_717 : vector<16xf32>
      %add3A_719 = arith.addf %add3A_707, %mul3A_718 : vector<16xf32>
      %mul3A_720 = arith.mulf %get3A_714, %get3A_714 : vector<16xf32>
      %add3A_721 = arith.addf %add3A_709, %mul3A_720 : vector<16xf32>
      %mul3A_722 = arith.mulf %get3A_717, %get3A_717 : vector<16xf32>
      %add3A_723 = arith.addf %add3A_711, %mul3A_722 : vector<16xf32>
      %eq3A_724 = arith.constant 9 : i32
      %eq3A_725 = vector.broadcast %eq3A_724 : i32 to vector<16xi32>
      %eq3A_726 = arith.cmpi eq, %iota3A, %eq3A_725 : vector<16xi32>
      %reduce_sum3A_727 = arith.constant true
      %reduce_sum3A_728 = vector.broadcast %reduce_sum3A_727 : i1 to vector<16xi1>
      %reduce_sum3A_729 = tpu.scan <sum>, %add3A_719 masked %reduce_sum3A_728 : vector<16xf32>, vector<16xi1> -> vector<16xf32>
      %reduce_sum3A_730 = vector.extract %reduce_sum3A_729[15] : f32 from vector<16xf32>
      %broadcast_in_dim3A_731 = vector.broadcast %reduce_sum3A_730 : f32 to vector<16xf32>
      %select_n3A_732 = arith.select %eq3A_726, %broadcast_in_dim3A_731, %select_n3A_659 : vector<16xi1>, vector<16xf32>
      %reduce_sum3A_733 = arith.constant true
      %reduce_sum3A_734 = vector.broadcast %reduce_sum3A_733 : i1 to vector<16xi1>
      %reduce_sum3A_735 = tpu.scan <sum>, %add3A_721 masked %reduce_sum3A_734 : vector<16xf32>, vector<16xi1> -> vector<16xf32>
      %reduce_sum3A_736 = vector.extract %reduce_sum3A_735[15] : f32 from vector<16xf32>
      %broadcast_in_dim3A_737 = vector.broadcast %reduce_sum3A_736 : f32 to vector<16xf32>
      %select_n3A_738 = arith.select %eq3A_726, %broadcast_in_dim3A_737, %select_n3A_665 : vector<16xi1>, vector<16xf32>
      %reduce_sum3A_739 = arith.constant true
      %reduce_sum3A_740 = vector.broadcast %reduce_sum3A_739 : i1 to vector<16xi1>
      %reduce_sum3A_741 = tpu.scan <sum>, %add3A_723 masked %reduce_sum3A_740 : vector<16xf32>, vector<16xi1> -> vector<16xf32>
      %reduce_sum3A_742 = vector.extract %reduce_sum3A_741[15] : f32 from vector<16xf32>
      %broadcast_in_dim3A_743 = vector.broadcast %reduce_sum3A_742 : f32 to vector<16xf32>
      %select_n3A_744 = arith.select %eq3A_726, %broadcast_in_dim3A_743, %select_n3A_671 : vector<16xi1>, vector<16xf32>
      %mul3A_745 = arith.constant 16 : i32
      %mul3A_746 = arith.muli %scan3A_17, %mul3A_745 : i32
      %add3A_747 = arith.constant 10 : i32
      %add3A_748 = arith.addi %mul3A_746, %add3A_747 : i32
      %get3A_749 = arith.index_cast %add3A_748 : i32 to index
      %get3A_750 = arith.constant 0 : index
      %get3A_751 = tpu.vector_load %arg10[%get3A_749, %get3A_750] {strides = array<i32>} : memref<512x64xf32, #tpu.memory_space<vmem>>, vector<16xf32>,
      %get3A_752 = arith.index_cast %add3A_748 : i32 to index
      %get3A_753 = arith.constant 0 : index
      %get3A_754 = tpu.vector_load %arg11[%get3A_752, %get3A_753] {strides = array<i32>} : memref<512x64xf32, #tpu.memory_space<vmem>>, vector<16xf32>,
      %mul3A_755 = arith.mulf %get3A_751, %get3A_754 : vector<16xf32>
      %add3A_756 = arith.addf %broadcast_in_dim3A_18, %mul3A_755 : vector<16xf32>
      %mul3A_757 = arith.mulf %get3A_751, %get3A_751 : vector<16xf32>
      %add3A_758 = arith.addf %broadcast_in_dim3A_18, %mul3A_757 : vector<16xf32>
      %mul3A_759 = arith.mulf %get3A_754, %get3A_754 : vector<16xf32>
      %add3A_760 = arith.addf %broadcast_in_dim3A_18, %mul3A_759 : vector<16xf32>
      %get3A_761 = arith.index_cast %add3A_748 : i32 to index
      %get3A_762 = arith.constant 16 : index
      %get3A_763 = tpu.vector_load %arg10[%get3A_761, %get3A_762] {strides = array<i32>} : memref<512x64xf32, #tpu.memory_space<vmem>>, vector<16xf32>,
      %get3A_764 = arith.index_cast %add3A_748 : i32 to index
      %get3A_765 = arith.constant 16 : index
      %get3A_766 = tpu.vector_load %arg11[%get3A_764, %get3A_765] {strides = array<i32>} : memref<512x64xf32, #tpu.memory_space<vmem>>, vector<16xf32>,
      %mul3A_767 = arith.mulf %get3A_763, %get3A_766 : vector<16xf32>
      %add3A_768 = arith.addf %add3A_756, %mul3A_767 : vector<16xf32>
      %mul3A_769 = arith.mulf %get3A_763, %get3A_763 : vector<16xf32>
      %add3A_770 = arith.addf %add3A_758, %mul3A_769 : vector<16xf32>
      %mul3A_771 = arith.mulf %get3A_766, %get3A_766 : vector<16xf32>
      %add3A_772 = arith.addf %add3A_760, %mul3A_771 : vector<16xf32>
      %get3A_773 = arith.index_cast %add3A_748 : i32 to index
      %get3A_774 = arith.constant 32 : index
      %get3A_775 = tpu.vector_load %arg10[%get3A_773, %get3A_774] {strides = array<i32>} : memref<512x64xf32, #tpu.memory_space<vmem>>, vector<16xf32>,
      %get3A_776 = arith.index_cast %add3A_748 : i32 to index
      %get3A_777 = arith.constant 32 : index
      %get3A_778 = tpu.vector_load %arg11[%get3A_776, %get3A_777] {strides = array<i32>} : memref<512x64xf32, #tpu.memory_space<vmem>>, vector<16xf32>,
      %mul3A_779 = arith.mulf %get3A_775, %get3A_778 : vector<16xf32>
      %add3A_780 = arith.addf %add3A_768, %mul3A_779 : vector<16xf32>
      %mul3A_781 = arith.mulf %get3A_775, %get3A_775 : vector<16xf32>
      %add3A_782 = arith.addf %add3A_770, %mul3A_781 : vector<16xf32>
      %mul3A_783 = arith.mulf %get3A_778, %get3A_778 : vector<16xf32>
      %add3A_784 = arith.addf %add3A_772, %mul3A_783 : vector<16xf32>
      %get3A_785 = arith.index_cast %add3A_748 : i32 to index
      %get3A_786 = arith.constant 48 : index
      %get3A_787 = tpu.vector_load %arg10[%get3A_785, %get3A_786] {strides = array<i32>} : memref<512x64xf32, #tpu.memory_space<vmem>>, vector<16xf32>,
      %get3A_788 = arith.index_cast %add3A_748 : i32 to index
      %get3A_789 = arith.constant 48 : index
      %get3A_790 = tpu.vector_load %arg11[%get3A_788, %get3A_789] {strides = array<i32>} : memref<512x64xf32, #tpu.memory_space<vmem>>, vector<16xf32>,
      %mul3A_791 = arith.mulf %get3A_787, %get3A_790 : vector<16xf32>
      %add3A_792 = arith.addf %add3A_780, %mul3A_791 : vector<16xf32>
      %mul3A_793 = arith.mulf %get3A_787, %get3A_787 : vector<16xf32>
      %add3A_794 = arith.addf %add3A_782, %mul3A_793 : vector<16xf32>
      %mul3A_795 = arith.mulf %get3A_790, %get3A_790 : vector<16xf32>
      %add3A_796 = arith.addf %add3A_784, %mul3A_795 : vector<16xf32>
      %eq3A_797 = arith.constant 10 : i32
      %eq3A_798 = vector.broadcast %eq3A_797 : i32 to vector<16xi32>
      %eq3A_799 = arith.cmpi eq, %iota3A, %eq3A_798 : vector<16xi32>
      %reduce_sum3A_800 = arith.constant true
      %reduce_sum3A_801 = vector.broadcast %reduce_sum3A_800 : i1 to vector<16xi1>
      %reduce_sum3A_802 = tpu.scan <sum>, %add3A_792 masked %reduce_sum3A_801 : vector<16xf32>, vector<16xi1> -> vector<16xf32>
      %reduce_sum3A_803 = vector.extract %reduce_sum3A_802[15] : f32 from vector<16xf32>
      %broadcast_in_dim3A_804 = vector.broadcast %reduce_sum3A_803 : f32 to vector<16xf32>
      %select_n3A_805 = arith.select %eq3A_799, %broadcast_in_dim3A_804, %select_n3A_732 : vector<16xi1>, vector<16xf32>
      %reduce_sum3A_806 = arith.constant true
      %reduce_sum3A_807 = vector.broadcast %reduce_sum3A_806 : i1 to vector<16xi1>
      %reduce_sum3A_808 = tpu.scan <sum>, %add3A_794 masked %reduce_sum3A_807 : vector<16xf32>, vector<16xi1> -> vector<16xf32>
      %reduce_sum3A_809 = vector.extract %reduce_sum3A_808[15] : f32 from vector<16xf32>
      %broadcast_in_dim3A_810 = vector.broadcast %reduce_sum3A_809 : f32 to vector<16xf32>
      %select_n3A_811 = arith.select %eq3A_799, %broadcast_in_dim3A_810, %select_n3A_738 : vector<16xi1>, vector<16xf32>
      %reduce_sum3A_812 = arith.constant true
      %reduce_sum3A_813 = vector.broadcast %reduce_sum3A_812 : i1 to vector<16xi1>
      %reduce_sum3A_814 = tpu.scan <sum>, %add3A_796 masked %reduce_sum3A_813 : vector<16xf32>, vector<16xi1> -> vector<16xf32>
      %reduce_sum3A_815 = vector.extract %reduce_sum3A_814[15] : f32 from vector<16xf32>
      %broadcast_in_dim3A_816 = vector.broadcast %reduce_sum3A_815 : f32 to vector<16xf32>
      %select_n3A_817 = arith.select %eq3A_799, %broadcast_in_dim3A_816, %select_n3A_744 : vector<16xi1>, vector<16xf32>
      %mul3A_818 = arith.constant 16 : i32
      %mul3A_819 = arith.muli %scan3A_17, %mul3A_818 : i32
      %add3A_820 = arith.constant 11 : i32
      %add3A_821 = arith.addi %mul3A_819, %add3A_820 : i32
      %get3A_822 = arith.index_cast %add3A_821 : i32 to index
      %get3A_823 = arith.constant 0 : index
      %get3A_824 = tpu.vector_load %arg10[%get3A_822, %get3A_823] {strides = array<i32>} : memref<512x64xf32, #tpu.memory_space<vmem>>, vector<16xf32>,
      %get3A_825 = arith.index_cast %add3A_821 : i32 to index
      %get3A_826 = arith.constant 0 : index
      %get3A_827 = tpu.vector_load %arg11[%get3A_825, %get3A_826] {strides = array<i32>} : memref<512x64xf32, #tpu.memory_space<vmem>>, vector<16xf32>,
      %mul3A_828 = arith.mulf %get3A_824, %get3A_827 : vector<16xf32>
      %add3A_829 = arith.addf %broadcast_in_dim3A_18, %mul3A_828 : vector<16xf32>
      %mul3A_830 = arith.mulf %get3A_824, %get3A_824 : vector<16xf32>
      %add3A_831 = arith.addf %broadcast_in_dim3A_18, %mul3A_830 : vector<16xf32>
      %mul3A_832 = arith.mulf %get3A_827, %get3A_827 : vector<16xf32>
      %add3A_833 = arith.addf %broadcast_in_dim3A_18, %mul3A_832 : vector<16xf32>
      %get3A_834 = arith.index_cast %add3A_821 : i32 to index
      %get3A_835 = arith.constant 16 : index
      %get3A_836 = tpu.vector_load %arg10[%get3A_834, %get3A_835] {strides = array<i32>} : memref<512x64xf32, #tpu.memory_space<vmem>>, vector<16xf32>,
      %get3A_837 = arith.index_cast %add3A_821 : i32 to index
      %get3A_838 = arith.constant 16 : index
      %get3A_839 = tpu.vector_load %arg11[%get3A_837, %get3A_838] {strides = array<i32>} : memref<512x64xf32, #tpu.memory_space<vmem>>, vector<16xf32>,
      %mul3A_840 = arith.mulf %get3A_836, %get3A_839 : vector<16xf32>
      %add3A_841 = arith.addf %add3A_829, %mul3A_840 : vector<16xf32>
      %mul3A_842 = arith.mulf %get3A_836, %get3A_836 : vector<16xf32>
      %add3A_843 = arith.addf %add3A_831, %mul3A_842 : vector<16xf32>
      %mul3A_844 = arith.mulf %get3A_839, %get3A_839 : vector<16xf32>
      %add3A_845 = arith.addf %add3A_833, %mul3A_844 : vector<16xf32>
      %get3A_846 = arith.index_cast %add3A_821 : i32 to index
      %get3A_847 = arith.constant 32 : index
      %get3A_848 = tpu.vector_load %arg10[%get3A_846, %get3A_847] {strides = array<i32>} : memref<512x64xf32, #tpu.memory_space<vmem>>, vector<16xf32>,
      %get3A_849 = arith.index_cast %add3A_821 : i32 to index
      %get3A_850 = arith.constant 32 : index
      %get3A_851 = tpu.vector_load %arg11[%get3A_849, %get3A_850] {strides = array<i32>} : memref<512x64xf32, #tpu.memory_space<vmem>>, vector<16xf32>,
      %mul3A_852 = arith.mulf %get3A_848, %get3A_851 : vector<16xf32>
      %add3A_853 = arith.addf %add3A_841, %mul3A_852 : vector<16xf32>
      %mul3A_854 = arith.mulf %get3A_848, %get3A_848 : vector<16xf32>
      %add3A_855 = arith.addf %add3A_843, %mul3A_854 : vector<16xf32>
      %mul3A_856 = arith.mulf %get3A_851, %get3A_851 : vector<16xf32>
      %add3A_857 = arith.addf %add3A_845, %mul3A_856 : vector<16xf32>
      %get3A_858 = arith.index_cast %add3A_821 : i32 to index
      %get3A_859 = arith.constant 48 : index
      %get3A_860 = tpu.vector_load %arg10[%get3A_858, %get3A_859] {strides = array<i32>} : memref<512x64xf32, #tpu.memory_space<vmem>>, vector<16xf32>,
      %get3A_861 = arith.index_cast %add3A_821 : i32 to index
      %get3A_862 = arith.constant 48 : index
      %get3A_863 = tpu.vector_load %arg11[%get3A_861, %get3A_862] {strides = array<i32>} : memref<512x64xf32, #tpu.memory_space<vmem>>, vector<16xf32>,
      %mul3A_864 = arith.mulf %get3A_860, %get3A_863 : vector<16xf32>
      %add3A_865 = arith.addf %add3A_853, %mul3A_864 : vector<16xf32>
      %mul3A_866 = arith.mulf %get3A_860, %get3A_860 : vector<16xf32>
      %add3A_867 = arith.addf %add3A_855, %mul3A_866 : vector<16xf32>
      %mul3A_868 = arith.mulf %get3A_863, %get3A_863 : vector<16xf32>
      %add3A_869 = arith.addf %add3A_857, %mul3A_868 : vector<16xf32>
      %eq3A_870 = arith.constant 11 : i32
      %eq3A_871 = vector.broadcast %eq3A_870 : i32 to vector<16xi32>
      %eq3A_872 = arith.cmpi eq, %iota3A, %eq3A_871 : vector<16xi32>
      %reduce_sum3A_873 = arith.constant true
      %reduce_sum3A_874 = vector.broadcast %reduce_sum3A_873 : i1 to vector<16xi1>
      %reduce_sum3A_875 = tpu.scan <sum>, %add3A_865 masked %reduce_sum3A_874 : vector<16xf32>, vector<16xi1> -> vector<16xf32>
      %reduce_sum3A_876 = vector.extract %reduce_sum3A_875[15] : f32 from vector<16xf32>
      %broadcast_in_dim3A_877 = vector.broadcast %reduce_sum3A_876 : f32 to vector<16xf32>
      %select_n3A_878 = arith.select %eq3A_872, %broadcast_in_dim3A_877, %select_n3A_805 : vector<16xi1>, vector<16xf32>
      %reduce_sum3A_879 = arith.constant true
      %reduce_sum3A_880 = vector.broadcast %reduce_sum3A_879 : i1 to vector<16xi1>
      %reduce_sum3A_881 = tpu.scan <sum>, %add3A_867 masked %reduce_sum3A_880 : vector<16xf32>, vector<16xi1> -> vector<16xf32>
      %reduce_sum3A_882 = vector.extract %reduce_sum3A_881[15] : f32 from vector<16xf32>
      %broadcast_in_dim3A_883 = vector.broadcast %reduce_sum3A_882 : f32 to vector<16xf32>
      %select_n3A_884 = arith.select %eq3A_872, %broadcast_in_dim3A_883, %select_n3A_811 : vector<16xi1>, vector<16xf32>
      %reduce_sum3A_885 = arith.constant true
      %reduce_sum3A_886 = vector.broadcast %reduce_sum3A_885 : i1 to vector<16xi1>
      %reduce_sum3A_887 = tpu.scan <sum>, %add3A_869 masked %reduce_sum3A_886 : vector<16xf32>, vector<16xi1> -> vector<16xf32>
      %reduce_sum3A_888 = vector.extract %reduce_sum3A_887[15] : f32 from vector<16xf32>
      %broadcast_in_dim3A_889 = vector.broadcast %reduce_sum3A_888 : f32 to vector<16xf32>
      %select_n3A_890 = arith.select %eq3A_872, %broadcast_in_dim3A_889, %select_n3A_817 : vector<16xi1>, vector<16xf32>
      %mul3A_891 = arith.constant 16 : i32
      %mul3A_892 = arith.muli %scan3A_17, %mul3A_891 : i32
      %add3A_893 = arith.constant 12 : i32
      %add3A_894 = arith.addi %mul3A_892, %add3A_893 : i32
      %get3A_895 = arith.index_cast %add3A_894 : i32 to index
      %get3A_896 = arith.constant 0 : index
      %get3A_897 = tpu.vector_load %arg10[%get3A_895, %get3A_896] {strides = array<i32>} : memref<512x64xf32, #tpu.memory_space<vmem>>, vector<16xf32>,
      %get3A_898 = arith.index_cast %add3A_894 : i32 to index
      %get3A_899 = arith.constant 0 : index
      %get3A_900 = tpu.vector_load %arg11[%get3A_898, %get3A_899] {strides = array<i32>} : memref<512x64xf32, #tpu.memory_space<vmem>>, vector<16xf32>,
      %mul3A_901 = arith.mulf %get3A_897, %get3A_900 : vector<16xf32>
      %add3A_902 = arith.addf %broadcast_in_dim3A_18, %mul3A_901 : vector<16xf32>
      %mul3A_903 = arith.mulf %get3A_897, %get3A_897 : vector<16xf32>
      %add3A_904 = arith.addf %broadcast_in_dim3A_18, %mul3A_903 : vector<16xf32>
      %mul3A_905 = arith.mulf %get3A_900, %get3A_900 : vector<16xf32>
      %add3A_906 = arith.addf %broadcast_in_dim3A_18, %mul3A_905 : vector<16xf32>
      %get3A_907 = arith.index_cast %add3A_894 : i32 to index
      %get3A_908 = arith.constant 16 : index
      %get3A_909 = tpu.vector_load %arg10[%get3A_907, %get3A_908] {strides = array<i32>} : memref<512x64xf32, #tpu.memory_space<vmem>>, vector<16xf32>,
      %get3A_910 = arith.index_cast %add3A_894 : i32 to index
      %get3A_911 = arith.constant 16 : index
      %get3A_912 = tpu.vector_load %arg11[%get3A_910, %get3A_911] {strides = array<i32>} : memref<512x64xf32, #tpu.memory_space<vmem>>, vector<16xf32>,
      %mul3A_913 = arith.mulf %get3A_909, %get3A_912 : vector<16xf32>
      %add3A_914 = arith.addf %add3A_902, %mul3A_913 : vector<16xf32>
      %mul3A_915 = arith.mulf %get3A_909, %get3A_909 : vector<16xf32>
      %add3A_916 = arith.addf %add3A_904, %mul3A_915 : vector<16xf32>
      %mul3A_917 = arith.mulf %get3A_912, %get3A_912 : vector<16xf32>
      %add3A_918 = arith.addf %add3A_906, %mul3A_917 : vector<16xf32>
      %get3A_919 = arith.index_cast %add3A_894 : i32 to index
      %get3A_920 = arith.constant 32 : index
      %get3A_921 = tpu.vector_load %arg10[%get3A_919, %get3A_920] {strides = array<i32>} : memref<512x64xf32, #tpu.memory_space<vmem>>, vector<16xf32>,
      %get3A_922 = arith.index_cast %add3A_894 : i32 to index
      %get3A_923 = arith.constant 32 : index
      %get3A_924 = tpu.vector_load %arg11[%get3A_922, %get3A_923] {strides = array<i32>} : memref<512x64xf32, #tpu.memory_space<vmem>>, vector<16xf32>,
      %mul3A_925 = arith.mulf %get3A_921, %get3A_924 : vector<16xf32>
      %add3A_926 = arith.addf %add3A_914, %mul3A_925 : vector<16xf32>
      %mul3A_927 = arith.mulf %get3A_921, %get3A_921 : vector<16xf32>
      %add3A_928 = arith.addf %add3A_916, %mul3A_927 : vector<16xf32>
      %mul3A_929 = arith.mulf %get3A_924, %get3A_924 : vector<16xf32>
      %add3A_930 = arith.addf %add3A_918, %mul3A_929 : vector<16xf32>
      %get3A_931 = arith.index_cast %add3A_894 : i32 to index
      %get3A_932 = arith.constant 48 : index
      %get3A_933 = tpu.vector_load %arg10[%get3A_931, %get3A_932] {strides = array<i32>} : memref<512x64xf32, #tpu.memory_space<vmem>>, vector<16xf32>,
      %get3A_934 = arith.index_cast %add3A_894 : i32 to index
      %get3A_935 = arith.constant 48 : index
      %get3A_936 = tpu.vector_load %arg11[%get3A_934, %get3A_935] {strides = array<i32>} : memref<512x64xf32, #tpu.memory_space<vmem>>, vector<16xf32>,
      %mul3A_937 = arith.mulf %get3A_933, %get3A_936 : vector<16xf32>
      %add3A_938 = arith.addf %add3A_926, %mul3A_937 : vector<16xf32>
      %mul3A_939 = arith.mulf %get3A_933, %get3A_933 : vector<16xf32>
      %add3A_940 = arith.addf %add3A_928, %mul3A_939 : vector<16xf32>
      %mul3A_941 = arith.mulf %get3A_936, %get3A_936 : vector<16xf32>
      %add3A_942 = arith.addf %add3A_930, %mul3A_941 : vector<16xf32>
      %eq3A_943 = arith.constant 12 : i32
      %eq3A_944 = vector.broadcast %eq3A_943 : i32 to vector<16xi32>
      %eq3A_945 = arith.cmpi eq, %iota3A, %eq3A_944 : vector<16xi32>
      %reduce_sum3A_946 = arith.constant true
      %reduce_sum3A_947 = vector.broadcast %reduce_sum3A_946 : i1 to vector<16xi1>
      %reduce_sum3A_948 = tpu.scan <sum>, %add3A_938 masked %reduce_sum3A_947 : vector<16xf32>, vector<16xi1> -> vector<16xf32>
      %reduce_sum3A_949 = vector.extract %reduce_sum3A_948[15] : f32 from vector<16xf32>
      %broadcast_in_dim3A_950 = vector.broadcast %reduce_sum3A_949 : f32 to vector<16xf32>
      %select_n3A_951 = arith.select %eq3A_945, %broadcast_in_dim3A_950, %select_n3A_878 : vector<16xi1>, vector<16xf32>
      %reduce_sum3A_952 = arith.constant true
      %reduce_sum3A_953 = vector.broadcast %reduce_sum3A_952 : i1 to vector<16xi1>
      %reduce_sum3A_954 = tpu.scan <sum>, %add3A_940 masked %reduce_sum3A_953 : vector<16xf32>, vector<16xi1> -> vector<16xf32>
      %reduce_sum3A_955 = vector.extract %reduce_sum3A_954[15] : f32 from vector<16xf32>
      %broadcast_in_dim3A_956 = vector.broadcast %reduce_sum3A_955 : f32 to vector<16xf32>
      %select_n3A_957 = arith.select %eq3A_945, %broadcast_in_dim3A_956, %select_n3A_884 : vector<16xi1>, vector<16xf32>
      %reduce_sum3A_958 = arith.constant true
      %reduce_sum3A_959 = vector.broadcast %reduce_sum3A_958 : i1 to vector<16xi1>
      %reduce_sum3A_960 = tpu.scan <sum>, %add3A_942 masked %reduce_sum3A_959 : vector<16xf32>, vector<16xi1> -> vector<16xf32>
      %reduce_sum3A_961 = vector.extract %reduce_sum3A_960[15] : f32 from vector<16xf32>
      %broadcast_in_dim3A_962 = vector.broadcast %reduce_sum3A_961 : f32 to vector<16xf32>
      %select_n3A_963 = arith.select %eq3A_945, %broadcast_in_dim3A_962, %select_n3A_890 : vector<16xi1>, vector<16xf32>
      %mul3A_964 = arith.constant 16 : i32
      %mul3A_965 = arith.muli %scan3A_17, %mul3A_964 : i32
      %add3A_966 = arith.constant 13 : i32
      %add3A_967 = arith.addi %mul3A_965, %add3A_966 : i32
      %get3A_968 = arith.index_cast %add3A_967 : i32 to index
      %get3A_969 = arith.constant 0 : index
      %get3A_970 = tpu.vector_load %arg10[%get3A_968, %get3A_969] {strides = array<i32>} : memref<512x64xf32, #tpu.memory_space<vmem>>, vector<16xf32>,
      %get3A_971 = arith.index_cast %add3A_967 : i32 to index
      %get3A_972 = arith.constant 0 : index
      %get3A_973 = tpu.vector_load %arg11[%get3A_971, %get3A_972] {strides = array<i32>} : memref<512x64xf32, #tpu.memory_space<vmem>>, vector<16xf32>,
      %mul3A_974 = arith.mulf %get3A_970, %get3A_973 : vector<16xf32>
      %add3A_975 = arith.addf %broadcast_in_dim3A_18, %mul3A_974 : vector<16xf32>
      %mul3A_976 = arith.mulf %get3A_970, %get3A_970 : vector<16xf32>
      %add3A_977 = arith.addf %broadcast_in_dim3A_18, %mul3A_976 : vector<16xf32>
      %mul3A_978 = arith.mulf %get3A_973, %get3A_973 : vector<16xf32>
      %add3A_979 = arith.addf %broadcast_in_dim3A_18, %mul3A_978 : vector<16xf32>
      %get3A_980 = arith.index_cast %add3A_967 : i32 to index
      %get3A_981 = arith.constant 16 : index
      %get3A_982 = tpu.vector_load %arg10[%get3A_980, %get3A_981] {strides = array<i32>} : memref<512x64xf32, #tpu.memory_space<vmem>>, vector<16xf32>,
      %get3A_983 = arith.index_cast %add3A_967 : i32 to index
      %get3A_984 = arith.constant 16 : index
      %get3A_985 = tpu.vector_load %arg11[%get3A_983, %get3A_984] {strides = array<i32>} : memref<512x64xf32, #tpu.memory_space<vmem>>, vector<16xf32>,
      %mul3A_986 = arith.mulf %get3A_982, %get3A_985 : vector<16xf32>
      %add3A_987 = arith.addf %add3A_975, %mul3A_986 : vector<16xf32>
      %mul3A_988 = arith.mulf %get3A_982, %get3A_982 : vector<16xf32>
      %add3A_989 = arith.addf %add3A_977, %mul3A_988 : vector<16xf32>
      %mul3A_990 = arith.mulf %get3A_985, %get3A_985 : vector<16xf32>
      %add3A_991 = arith.addf %add3A_979, %mul3A_990 : vector<16xf32>
      %get3A_992 = arith.index_cast %add3A_967 : i32 to index
      %get3A_993 = arith.constant 32 : index
      %get3A_994 = tpu.vector_load %arg10[%get3A_992, %get3A_993] {strides = array<i32>} : memref<512x64xf32, #tpu.memory_space<vmem>>, vector<16xf32>,
      %get3A_995 = arith.index_cast %add3A_967 : i32 to index
      %get3A_996 = arith.constant 32 : index
      %get3A_997 = tpu.vector_load %arg11[%get3A_995, %get3A_996] {strides = array<i32>} : memref<512x64xf32, #tpu.memory_space<vmem>>, vector<16xf32>,
      %mul3A_998 = arith.mulf %get3A_994, %get3A_997 : vector<16xf32>
      %add3A_999 = arith.addf %add3A_987, %mul3A_998 : vector<16xf32>
      %mul3A_1000 = arith.mulf %get3A_994, %get3A_994 : vector<16xf32>
      %add3A_1001 = arith.addf %add3A_989, %mul3A_1000 : vector<16xf32>
      %mul3A_1002 = arith.mulf %get3A_997, %get3A_997 : vector<16xf32>
      %add3A_1003 = arith.addf %add3A_991, %mul3A_1002 : vector<16xf32>
      %get3A_1004 = arith.index_cast %add3A_967 : i32 to index
      %get3A_1005 = arith.constant 48 : index
      %get3A_1006 = tpu.vector_load %arg10[%get3A_1004, %get3A_1005] {strides = array<i32>} : memref<512x64xf32, #tpu.memory_space<vmem>>, vector<16xf32>,
      %get3A_1007 = arith.index_cast %add3A_967 : i32 to index
      %get3A_1008 = arith.constant 48 : index
      %get3A_1009 = tpu.vector_load %arg11[%get3A_1007, %get3A_1008] {strides = array<i32>} : memref<512x64xf32, #tpu.memory_space<vmem>>, vector<16xf32>,
      %mul3A_1010 = arith.mulf %get3A_1006, %get3A_1009 : vector<16xf32>
      %add3A_1011 = arith.addf %add3A_999, %mul3A_1010 : vector<16xf32>
      %mul3A_1012 = arith.mulf %get3A_1006, %get3A_1006 : vector<16xf32>
      %add3A_1013 = arith.addf %add3A_1001, %mul3A_1012 : vector<16xf32>
      %mul3A_1014 = arith.mulf %get3A_1009, %get3A_1009 : vector<16xf32>
      %add3A_1015 = arith.addf %add3A_1003, %mul3A_1014 : vector<16xf32>
      %eq3A_1016 = arith.constant 13 : i32
      %eq3A_1017 = vector.broadcast %eq3A_1016 : i32 to vector<16xi32>
      %eq3A_1018 = arith.cmpi eq, %iota3A, %eq3A_1017 : vector<16xi32>
      %reduce_sum3A_1019 = arith.constant true
      %reduce_sum3A_1020 = vector.broadcast %reduce_sum3A_1019 : i1 to vector<16xi1>
      %reduce_sum3A_1021 = tpu.scan <sum>, %add3A_1011 masked %reduce_sum3A_1020 : vector<16xf32>, vector<16xi1> -> vector<16xf32>
      %reduce_sum3A_1022 = vector.extract %reduce_sum3A_1021[15] : f32 from vector<16xf32>
      %broadcast_in_dim3A_1023 = vector.broadcast %reduce_sum3A_1022 : f32 to vector<16xf32>
      %select_n3A_1024 = arith.select %eq3A_1018, %broadcast_in_dim3A_1023, %select_n3A_951 : vector<16xi1>, vector<16xf32>
      %reduce_sum3A_1025 = arith.constant true
      %reduce_sum3A_1026 = vector.broadcast %reduce_sum3A_1025 : i1 to vector<16xi1>
      %reduce_sum3A_1027 = tpu.scan <sum>, %add3A_1013 masked %reduce_sum3A_1026 : vector<16xf32>, vector<16xi1> -> vector<16xf32>
      %reduce_sum3A_1028 = vector.extract %reduce_sum3A_1027[15] : f32 from vector<16xf32>
      %broadcast_in_dim3A_1029 = vector.broadcast %reduce_sum3A_1028 : f32 to vector<16xf32>
      %select_n3A_1030 = arith.select %eq3A_1018, %broadcast_in_dim3A_1029, %select_n3A_957 : vector<16xi1>, vector<16xf32>
      %reduce_sum3A_1031 = arith.constant true
      %reduce_sum3A_1032 = vector.broadcast %reduce_sum3A_1031 : i1 to vector<16xi1>
      %reduce_sum3A_1033 = tpu.scan <sum>, %add3A_1015 masked %reduce_sum3A_1032 : vector<16xf32>, vector<16xi1> -> vector<16xf32>
      %reduce_sum3A_1034 = vector.extract %reduce_sum3A_1033[15] : f32 from vector<16xf32>
      %broadcast_in_dim3A_1035 = vector.broadcast %reduce_sum3A_1034 : f32 to vector<16xf32>
      %select_n3A_1036 = arith.select %eq3A_1018, %broadcast_in_dim3A_1035, %select_n3A_963 : vector<16xi1>, vector<16xf32>
      %mul3A_1037 = arith.constant 16 : i32
      %mul3A_1038 = arith.muli %scan3A_17, %mul3A_1037 : i32
      %add3A_1039 = arith.constant 14 : i32
      %add3A_1040 = arith.addi %mul3A_1038, %add3A_1039 : i32
      %get3A_1041 = arith.index_cast %add3A_1040 : i32 to index
      %get3A_1042 = arith.constant 0 : index
      %get3A_1043 = tpu.vector_load %arg10[%get3A_1041, %get3A_1042] {strides = array<i32>} : memref<512x64xf32, #tpu.memory_space<vmem>>, vector<16xf32>,
      %get3A_1044 = arith.index_cast %add3A_1040 : i32 to index
      %get3A_1045 = arith.constant 0 : index
      %get3A_1046 = tpu.vector_load %arg11[%get3A_1044, %get3A_1045] {strides = array<i32>} : memref<512x64xf32, #tpu.memory_space<vmem>>, vector<16xf32>,
      %mul3A_1047 = arith.mulf %get3A_1043, %get3A_1046 : vector<16xf32>
      %add3A_1048 = arith.addf %broadcast_in_dim3A_18, %mul3A_1047 : vector<16xf32>
      %mul3A_1049 = arith.mulf %get3A_1043, %get3A_1043 : vector<16xf32>
      %add3A_1050 = arith.addf %broadcast_in_dim3A_18, %mul3A_1049 : vector<16xf32>
      %mul3A_1051 = arith.mulf %get3A_1046, %get3A_1046 : vector<16xf32>
      %add3A_1052 = arith.addf %broadcast_in_dim3A_18, %mul3A_1051 : vector<16xf32>
      %get3A_1053 = arith.index_cast %add3A_1040 : i32 to index
      %get3A_1054 = arith.constant 16 : index
      %get3A_1055 = tpu.vector_load %arg10[%get3A_1053, %get3A_1054] {strides = array<i32>} : memref<512x64xf32, #tpu.memory_space<vmem>>, vector<16xf32>,
      %get3A_1056 = arith.index_cast %add3A_1040 : i32 to index
      %get3A_1057 = arith.constant 16 : index
      %get3A_1058 = tpu.vector_load %arg11[%get3A_1056, %get3A_1057] {strides = array<i32>} : memref<512x64xf32, #tpu.memory_space<vmem>>, vector<16xf32>,
      %mul3A_1059 = arith.mulf %get3A_1055, %get3A_1058 : vector<16xf32>
      %add3A_1060 = arith.addf %add3A_1048, %mul3A_1059 : vector<16xf32>
      %mul3A_1061 = arith.mulf %get3A_1055, %get3A_1055 : vector<16xf32>
      %add3A_1062 = arith.addf %add3A_1050, %mul3A_1061 : vector<16xf32>
      %mul3A_1063 = arith.mulf %get3A_1058, %get3A_1058 : vector<16xf32>
      %add3A_1064 = arith.addf %add3A_1052, %mul3A_1063 : vector<16xf32>
      %get3A_1065 = arith.index_cast %add3A_1040 : i32 to index
      %get3A_1066 = arith.constant 32 : index
      %get3A_1067 = tpu.vector_load %arg10[%get3A_1065, %get3A_1066] {strides = array<i32>} : memref<512x64xf32, #tpu.memory_space<vmem>>, vector<16xf32>,
      %get3A_1068 = arith.index_cast %add3A_1040 : i32 to index
      %get3A_1069 = arith.constant 32 : index
      %get3A_1070 = tpu.vector_load %arg11[%get3A_1068, %get3A_1069] {strides = array<i32>} : memref<512x64xf32, #tpu.memory_space<vmem>>, vector<16xf32>,
      %mul3A_1071 = arith.mulf %get3A_1067, %get3A_1070 : vector<16xf32>
      %add3A_1072 = arith.addf %add3A_1060, %mul3A_1071 : vector<16xf32>
      %mul3A_1073 = arith.mulf %get3A_1067, %get3A_1067 : vector<16xf32>
      %add3A_1074 = arith.addf %add3A_1062, %mul3A_1073 : vector<16xf32>
      %mul3A_1075 = arith.mulf %get3A_1070, %get3A_1070 : vector<16xf32>
      %add3A_1076 = arith.addf %add3A_1064, %mul3A_1075 : vector<16xf32>
      %get3A_1077 = arith.index_cast %add3A_1040 : i32 to index
      %get3A_1078 = arith.constant 48 : index
      %get3A_1079 = tpu.vector_load %arg10[%get3A_1077, %get3A_1078] {strides = array<i32>} : memref<512x64xf32, #tpu.memory_space<vmem>>, vector<16xf32>,
      %get3A_1080 = arith.index_cast %add3A_1040 : i32 to index
      %get3A_1081 = arith.constant 48 : index
      %get3A_1082 = tpu.vector_load %arg11[%get3A_1080, %get3A_1081] {strides = array<i32>} : memref<512x64xf32, #tpu.memory_space<vmem>>, vector<16xf32>,
      %mul3A_1083 = arith.mulf %get3A_1079, %get3A_1082 : vector<16xf32>
      %add3A_1084 = arith.addf %add3A_1072, %mul3A_1083 : vector<16xf32>
      %mul3A_1085 = arith.mulf %get3A_1079, %get3A_1079 : vector<16xf32>
      %add3A_1086 = arith.addf %add3A_1074, %mul3A_1085 : vector<16xf32>
      %mul3A_1087 = arith.mulf %get3A_1082, %get3A_1082 : vector<16xf32>
      %add3A_1088 = arith.addf %add3A_1076, %mul3A_1087 : vector<16xf32>
      %eq3A_1089 = arith.constant 14 : i32
      %eq3A_1090 = vector.broadcast %eq3A_1089 : i32 to vector<16xi32>
      %eq3A_1091 = arith.cmpi eq, %iota3A, %eq3A_1090 : vector<16xi32>
      %reduce_sum3A_1092 = arith.constant true
      %reduce_sum3A_1093 = vector.broadcast %reduce_sum3A_1092 : i1 to vector<16xi1>
      %reduce_sum3A_1094 = tpu.scan <sum>, %add3A_1084 masked %reduce_sum3A_1093 : vector<16xf32>, vector<16xi1> -> vector<16xf32>
      %reduce_sum3A_1095 = vector.extract %reduce_sum3A_1094[15] : f32 from vector<16xf32>
      %broadcast_in_dim3A_1096 = vector.broadcast %reduce_sum3A_1095 : f32 to vector<16xf32>
      %select_n3A_1097 = arith.select %eq3A_1091, %broadcast_in_dim3A_1096, %select_n3A_1024 : vector<16xi1>, vector<16xf32>
      %reduce_sum3A_1098 = arith.constant true
      %reduce_sum3A_1099 = vector.broadcast %reduce_sum3A_1098 : i1 to vector<16xi1>
      %reduce_sum3A_1100 = tpu.scan <sum>, %add3A_1086 masked %reduce_sum3A_1099 : vector<16xf32>, vector<16xi1> -> vector<16xf32>
      %reduce_sum3A_1101 = vector.extract %reduce_sum3A_1100[15] : f32 from vector<16xf32>
      %broadcast_in_dim3A_1102 = vector.broadcast %reduce_sum3A_1101 : f32 to vector<16xf32>
      %select_n3A_1103 = arith.select %eq3A_1091, %broadcast_in_dim3A_1102, %select_n3A_1030 : vector<16xi1>, vector<16xf32>
      %reduce_sum3A_1104 = arith.constant true
      %reduce_sum3A_1105 = vector.broadcast %reduce_sum3A_1104 : i1 to vector<16xi1>
      %reduce_sum3A_1106 = tpu.scan <sum>, %add3A_1088 masked %reduce_sum3A_1105 : vector<16xf32>, vector<16xi1> -> vector<16xf32>
      %reduce_sum3A_1107 = vector.extract %reduce_sum3A_1106[15] : f32 from vector<16xf32>
      %broadcast_in_dim3A_1108 = vector.broadcast %reduce_sum3A_1107 : f32 to vector<16xf32>
      %select_n3A_1109 = arith.select %eq3A_1091, %broadcast_in_dim3A_1108, %select_n3A_1036 : vector<16xi1>, vector<16xf32>
      %mul3A_1110 = arith.constant 16 : i32
      %mul3A_1111 = arith.muli %scan3A_17, %mul3A_1110 : i32
      %add3A_1112 = arith.constant 15 : i32
      %add3A_1113 = arith.addi %mul3A_1111, %add3A_1112 : i32
      %get3A_1114 = arith.index_cast %add3A_1113 : i32 to index
      %get3A_1115 = arith.constant 0 : index
      %get3A_1116 = tpu.vector_load %arg10[%get3A_1114, %get3A_1115] {strides = array<i32>} : memref<512x64xf32, #tpu.memory_space<vmem>>, vector<16xf32>,
      %get3A_1117 = arith.index_cast %add3A_1113 : i32 to index
      %get3A_1118 = arith.constant 0 : index
      %get3A_1119 = tpu.vector_load %arg11[%get3A_1117, %get3A_1118] {strides = array<i32>} : memref<512x64xf32, #tpu.memory_space<vmem>>, vector<16xf32>,
      %mul3A_1120 = arith.mulf %get3A_1116, %get3A_1119 : vector<16xf32>
      %add3A_1121 = arith.addf %broadcast_in_dim3A_18, %mul3A_1120 : vector<16xf32>
      %mul3A_1122 = arith.mulf %get3A_1116, %get3A_1116 : vector<16xf32>
      %add3A_1123 = arith.addf %broadcast_in_dim3A_18, %mul3A_1122 : vector<16xf32>
      %mul3A_1124 = arith.mulf %get3A_1119, %get3A_1119 : vector<16xf32>
      %add3A_1125 = arith.addf %broadcast_in_dim3A_18, %mul3A_1124 : vector<16xf32>
      %get3A_1126 = arith.index_cast %add3A_1113 : i32 to index
      %get3A_1127 = arith.constant 16 : index
      %get3A_1128 = tpu.vector_load %arg10[%get3A_1126, %get3A_1127] {strides = array<i32>} : memref<512x64xf32, #tpu.memory_space<vmem>>, vector<16xf32>,
      %get3A_1129 = arith.index_cast %add3A_1113 : i32 to index
      %get3A_1130 = arith.constant 16 : index
      %get3A_1131 = tpu.vector_load %arg11[%get3A_1129, %get3A_1130] {strides = array<i32>} : memref<512x64xf32, #tpu.memory_space<vmem>>, vector<16xf32>,
      %mul3A_1132 = arith.mulf %get3A_1128, %get3A_1131 : vector<16xf32>
      %add3A_1133 = arith.addf %add3A_1121, %mul3A_1132 : vector<16xf32>
      %mul3A_1134 = arith.mulf %get3A_1128, %get3A_1128 : vector<16xf32>
      %add3A_1135 = arith.addf %add3A_1123, %mul3A_1134 : vector<16xf32>
      %mul3A_1136 = arith.mulf %get3A_1131, %get3A_1131 : vector<16xf32>
      %add3A_1137 = arith.addf %add3A_1125, %mul3A_1136 : vector<16xf32>
      %get3A_1138 = arith.index_cast %add3A_1113 : i32 to index
      %get3A_1139 = arith.constant 32 : index
      %get3A_1140 = tpu.vector_load %arg10[%get3A_1138, %get3A_1139] {strides = array<i32>} : memref<512x64xf32, #tpu.memory_space<vmem>>, vector<16xf32>,
      %get3A_1141 = arith.index_cast %add3A_1113 : i32 to index
      %get3A_1142 = arith.constant 32 : index
      %get3A_1143 = tpu.vector_load %arg11[%get3A_1141, %get3A_1142] {strides = array<i32>} : memref<512x64xf32, #tpu.memory_space<vmem>>, vector<16xf32>,
      %mul3A_1144 = arith.mulf %get3A_1140, %get3A_1143 : vector<16xf32>
      %add3A_1145 = arith.addf %add3A_1133, %mul3A_1144 : vector<16xf32>
      %mul3A_1146 = arith.mulf %get3A_1140, %get3A_1140 : vector<16xf32>
      %add3A_1147 = arith.addf %add3A_1135, %mul3A_1146 : vector<16xf32>
      %mul3A_1148 = arith.mulf %get3A_1143, %get3A_1143 : vector<16xf32>
      %add3A_1149 = arith.addf %add3A_1137, %mul3A_1148 : vector<16xf32>
      %get3A_1150 = arith.index_cast %add3A_1113 : i32 to index
      %get3A_1151 = arith.constant 48 : index
      %get3A_1152 = tpu.vector_load %arg10[%get3A_1150, %get3A_1151] {strides = array<i32>} : memref<512x64xf32, #tpu.memory_space<vmem>>, vector<16xf32>,
      %get3A_1153 = arith.index_cast %add3A_1113 : i32 to index
      %get3A_1154 = arith.constant 48 : index
      %get3A_1155 = tpu.vector_load %arg11[%get3A_1153, %get3A_1154] {strides = array<i32>} : memref<512x64xf32, #tpu.memory_space<vmem>>, vector<16xf32>,
      %mul3A_1156 = arith.mulf %get3A_1152, %get3A_1155 : vector<16xf32>
      %add3A_1157 = arith.addf %add3A_1145, %mul3A_1156 : vector<16xf32>
      %mul3A_1158 = arith.mulf %get3A_1152, %get3A_1152 : vector<16xf32>
      %add3A_1159 = arith.addf %add3A_1147, %mul3A_1158 : vector<16xf32>
      %mul3A_1160 = arith.mulf %get3A_1155, %get3A_1155 : vector<16xf32>
      %add3A_1161 = arith.addf %add3A_1149, %mul3A_1160 : vector<16xf32>
      %eq3A_1162 = arith.constant 15 : i32
      %eq3A_1163 = vector.broadcast %eq3A_1162 : i32 to vector<16xi32>
      %eq3A_1164 = arith.cmpi eq, %iota3A, %eq3A_1163 : vector<16xi32>
      %reduce_sum3A_1165 = arith.constant true
      %reduce_sum3A_1166 = vector.broadcast %reduce_sum3A_1165 : i1 to vector<16xi1>
      %reduce_sum3A_1167 = tpu.scan <sum>, %add3A_1157 masked %reduce_sum3A_1166 : vector<16xf32>, vector<16xi1> -> vector<16xf32>
      %reduce_sum3A_1168 = vector.extract %reduce_sum3A_1167[15] : f32 from vector<16xf32>
      %broadcast_in_dim3A_1169 = vector.broadcast %reduce_sum3A_1168 : f32 to vector<16xf32>
      %select_n3A_1170 = arith.select %eq3A_1164, %broadcast_in_dim3A_1169, %select_n3A_1097 : vector<16xi1>, vector<16xf32>
      %reduce_sum3A_1171 = arith.constant true
      %reduce_sum3A_1172 = vector.broadcast %reduce_sum3A_1171 : i1 to vector<16xi1>
      %reduce_sum3A_1173 = tpu.scan <sum>, %add3A_1159 masked %reduce_sum3A_1172 : vector<16xf32>, vector<16xi1> -> vector<16xf32>
      %reduce_sum3A_1174 = vector.extract %reduce_sum3A_1173[15] : f32 from vector<16xf32>
      %broadcast_in_dim3A_1175 = vector.broadcast %reduce_sum3A_1174 : f32 to vector<16xf32>
      %select_n3A_1176 = arith.select %eq3A_1164, %broadcast_in_dim3A_1175, %select_n3A_1103 : vector<16xi1>, vector<16xf32>
      %reduce_sum3A_1177 = arith.constant true
      %reduce_sum3A_1178 = vector.broadcast %reduce_sum3A_1177 : i1 to vector<16xi1>
      %reduce_sum3A_1179 = tpu.scan <sum>, %add3A_1161 masked %reduce_sum3A_1178 : vector<16xf32>, vector<16xi1> -> vector<16xf32>
      %reduce_sum3A_1180 = vector.extract %reduce_sum3A_1179[15] : f32 from vector<16xf32>
      %broadcast_in_dim3A_1181 = vector.broadcast %reduce_sum3A_1180 : f32 to vector<16xf32>
      %select_n3A_1182 = arith.select %eq3A_1164, %broadcast_in_dim3A_1181, %select_n3A_1109 : vector<16xi1>, vector<16xf32>
      %max3A = arith.constant 1.000000e-24 : f32
      %max3A_1183 = vector.broadcast %max3A : f32 to vector<16xf32>
      %max3A_1184 = arith.maximumf %select_n3A_1176, %max3A_1183 : vector<16xf32>
      %max3A_1185 = arith.constant 1.000000e-24 : f32
      %max3A_1186 = vector.broadcast %max3A_1185 : f32 to vector<16xf32>
      %max3A_1187 = arith.maximumf %select_n3A_1182, %max3A_1186 : vector<16xf32>
      %mul3A_1188 = arith.mulf %max3A_1184, %max3A_1187 : vector<16xf32>
      %bitcast_convert_type3A = tpu.bitcast %mul3A_1188 : vector<16xf32> -> vector<16xi32>
      %shift_right_arithmetic3A = arith.constant 1 : i32
      %shift_right_arithmetic3A_1189 = vector.broadcast %shift_right_arithmetic3A : i32 to vector<16xi32>
      %shift_right_arithmetic3A_1190 = arith.shrsi %bitcast_convert_type3A, %shift_right_arithmetic3A_1189 : vector<16xi32>
      %sub3A = arith.constant 1597463007 : i32
      %sub3A_1191 = vector.broadcast %sub3A : i32 to vector<16xi32>
      %sub3A_1192 = arith.subi %sub3A_1191, %shift_right_arithmetic3A_1190 : vector<16xi32>
      %bitcast_convert_type3A_1193 = tpu.bitcast %sub3A_1192 : vector<16xi32> -> vector<16xf32>
      %mul3A_1194 = arith.constant 5.000000e-01 : f32
      %mul3A_1195 = vector.broadcast %mul3A_1194 : f32 to vector<16xf32>
      %mul3A_1196 = arith.mulf %mul3A_1188, %mul3A_1195 : vector<16xf32>
      %mul3A_1197 = arith.mulf %mul3A_1196, %bitcast_convert_type3A_1193 : vector<16xf32>
      %mul3A_1198 = arith.mulf %mul3A_1197, %bitcast_convert_type3A_1193 : vector<16xf32>
      %sub3A_1199 = arith.constant 1.500000e+00 : f32
      %sub3A_1200 = vector.broadcast %sub3A_1199 : f32 to vector<16xf32>
      %sub3A_1201 = arith.subf %sub3A_1200, %mul3A_1198 : vector<16xf32>
      %mul3A_1202 = arith.mulf %bitcast_convert_type3A_1193, %sub3A_1201 : vector<16xf32>
      %mul3A_1203 = arith.mulf %mul3A_1196, %mul3A_1202 : vector<16xf32>
      %mul3A_1204 = arith.mulf %mul3A_1203, %mul3A_1202 : vector<16xf32>
      %sub3A_1205 = arith.constant 1.500000e+00 : f32
      %sub3A_1206 = vector.broadcast %sub3A_1205 : f32 to vector<16xf32>
      %sub3A_1207 = arith.subf %sub3A_1206, %mul3A_1204 : vector<16xf32>
      %mul3A_1208 = arith.mulf %mul3A_1202, %sub3A_1207 : vector<16xf32>
      %mul3A_1209 = arith.mulf %mul3A_1196, %mul3A_1208 : vector<16xf32>
      %mul3A_1210 = arith.mulf %mul3A_1209, %mul3A_1208 : vector<16xf32>
      %sub3A_1211 = arith.constant 1.500000e+00 : f32
      %sub3A_1212 = vector.broadcast %sub3A_1211 : f32 to vector<16xf32>
      %sub3A_1213 = arith.subf %sub3A_1212, %mul3A_1210 : vector<16xf32>
      %mul3A_1214 = arith.mulf %mul3A_1208, %sub3A_1213 : vector<16xf32>
      %mul3A_1215 = arith.mulf %select_n3A_1170, %mul3A_1214 : vector<16xf32>
      %get3A_1216 = arith.constant 0 : index
      %get3A_1217 = tpu.vector_load %arg12[%get3A_1216] {strides = array<i32>} : memref<32xf32, #tpu.memory_space<vmem>>, vector<16xf32>,
      %get3A_1218 = arith.constant 16 : index
      %get3A_1219 = tpu.vector_load %arg12[%get3A_1218] {strides = array<i32>} : memref<32xf32, #tpu.memory_space<vmem>>, vector<16xf32>,
      %mul3A_1220 = arith.mulf %mul3A_1215, %get3A_1217 : vector<16xf32>
      %add3A_1221 = arith.addf %mul3A_1220, %get3A_1219 : vector<16xf32>
      %neg3A = arith.constant 0.000000e+00 : f32
      %neg3A_1222 = vector.broadcast %neg3A : f32 to vector<16xf32>
      %neg3A_1223 = arith.subf %neg3A_1222, %add3A_1221 : vector<16xf32>
      %exp3A = math.exp %neg3A_1223 : vector<16xf32>
      %add3A_1224 = arith.constant 1.000000e+00 : f32
      %add3A_1225 = vector.broadcast %add3A_1224 : f32 to vector<16xf32>
      %add3A_1226 = arith.addf %add3A_1225, %exp3A : vector<16xf32>
      %div3A = arith.constant 1.000000e+00 : f32
      %div3A_1227 = vector.broadcast %div3A : f32 to vector<16xf32>
      %div3A_1228 = arith.divf %div3A_1227, %add3A_1226 : vector<16xf32>
      %mul3A_1229 = arith.constant 16 : i32
      %mul3A_1230 = arith.muli %scan3A_17, %mul3A_1229 : i32
      %swap3A = arith.index_cast %mul3A_1230 : i32 to index
      %swap3A_1231 = tpu.vector_load %arg13[%swap3A] {strides = array<i32>} : memref<512xf32, #tpu.memory_space<vmem>>, vector<16xf32>,
      tpu.vector_store %arg13[%swap3A], %div3A_1228 {strides = array<i32>} : memref<512xf32, #tpu.memory_space<vmem>>, vector<16xf32>,
    }
    %scan3A_16 = arith.constant 32 : i32
    "tpu.region"() ({
      %run_scoped3A = tpu.sem_alloc : memref<!tpu.dma_semaphore, #tpu.memory_space<semaphore_mem>>
      %dma_start3A_17 = tpu.memref_slice %arg7[%mul3A_2] : memref<16384xf32, #tpu.memory_space<hbm>> -> memref<512xf32, #tpu.memory_space<hbm>>
      %dma_start3A_18 = tpu.memref_slice %arg7[%mul3A_2] : memref<16384xf32, #tpu.memory_space<hbm>> -> memref<512xf32, #tpu.memory_space<hbm>>
      tpu.enqueue_dma source(%arg13 : memref<512xf32, #tpu.memory_space<vmem>>) target(%dma_start3A_18 : memref<512xf32, #tpu.memory_space<hbm>>) target_semaphore(%run_scoped3A : memref<!tpu.dma_semaphore, #tpu.memory_space<semaphore_mem>>)
      %dma_wait3A_19 = tpu.memref_slice %arg7[%mul3A_2] : memref<16384xf32, #tpu.memory_space<hbm>> -> memref<512xf32, #tpu.memory_space<hbm>>
      %dma_wait3A_20 = tpu.memref_slice %arg7[%mul3A_2] : memref<16384xf32, #tpu.memory_space<hbm>> -> memref<512xf32, #tpu.memory_space<hbm>>
      tpu.wait_dma2 semaphore(%run_scoped3A : memref<!tpu.dma_semaphore, #tpu.memory_space<semaphore_mem>>) src(%arg13 : memref<512xf32, #tpu.memory_space<vmem>>) dst(%dma_wait3A_20 : memref<512xf32, #tpu.memory_space<hbm>>)
      tpu.yield
    }) : () -> ()
    return
  }
}

</mosaic_0001>

<sc_bundles>
// kernel: _run.3.cloned.1.call-start
scs
__scs_entry_jumppad:
0x0: {  	(pc) =	sbr.rel $0x88, $3  }
0x1: {  	(tag) =	ssettag $0x0;
	lr =	simm.s32 $0x1  }
0x2: {  	[smem:$0x3F9C] =	sst lr;
	_ =	strace $0xD0000000  }
0x3: {  	_ = 	snop  }
0x4: {  	_ = 	snop  }
0x5: {  	_ = 	snop  }
0x6: {  	_ = 	snop  }
0x7: {  	_ = 	snop  }
__scs_overlays_trampoline_lowered:
0x8: {  	[smem:$0x3FAB] =	sst s0  }
0x9: {  	[smem:$0x3FAC] =	sst s1  }
0xa: {  	[smem:$0x3FAD] =	sst s2  }
0xb: {  	[smem:$0x3FAE] =	sst s3  }
0xc: {  	[smem:$0x3FAF] =	sst s4  }
0xd: {  	[smem:$0x3FB0] =	sst s5  }
0xe: {  	[smem:$0x3FB1] =	sst s6  }
0xf: {  	[smem:$0x3FB2] =	sst s7  }
0x10: {  	[smem:$0x3FB3] =	sst s8  }
0x11: {  	[smem:$0x3FB4] =	sst s9;
	s0 =	simm.s32 @!p0 $0x0  }
0x12: {  	s1 =	sld [smem:$0x3F9A];
	s0 =	simm.s32 @p0 $0x1  }
0x13: {  	[smem:$0x3FB5] =	sst s0;
	s0 =	simm.s32 @!p1 $0x0  }
0x14: {  	s2 =	sld [smem:$0x3F99];
	s0 =	simm.s32 @p1 $0x1  }
0x15: {  	[smem:$0x3FB6] =	sst s0;
	s0 =	simm.s32 @!p2 $0x0  }
0x16: {  	s3 =	sld [smem:$0x3FDB];
	s0 =	simm.s32 @p2 $0x1  }
0x17: {  	s4 =	simm.s32 $0x1BF5;
	[smem:$0x3FB8] =	sst s0  }
0x18: {  	s0 =	sld [smem:$0x3F9B];
	_ =	swait.ge [sflag:s4], $0x0  }
0x19: {  	s7 =	sld [smem:$0x3F9C]  }
0x1a: {  	s8 =	sadd.s32 $0xFFFFE003, lr  }
0x1b: {  	s9 =	sadd.s32 $0xFFFFFEF7, lr;
	s5 =	simm.s32 $0xFFFFFFFF;
	p2 =	slt.u32 s8, $0xFFFFF086  }
0x1c: {  	p1 =	slt.u32 s9, $0xF7A;
	s5 =	simm.s32 @!p2 $0x0  }
0x1d: {  	s5 =	simm.s32 @p1 $0x1;
	p0 =	seq.s32 s7, s2  }
0x1e: {  	s7 =	smul.u32 @!p0 $0xF7A, s2;
	p2 =	seq.s32 @!p0 s5, $0x0  }
0x1f: {  	s9 =	smul.u32 $0xF7A, s1;
	s8 =	simm.s32 @!p0 $0x1BF5;
	p2 =	por !p2, p0  }
0x20: {  	[sflag:s8] =	ssyncset.s32 @!p0 $0xFFFFF086;
	s6 =	sadd.s32 @!p0 s3, s7;
	s7 =	simm.s32 @!p0 $0x108  }
0x21: {  	s3 =	sadd.s32 s3, s9;
	s6 =	sadd.s32 @!p0 $0x88, s6;
	s7 =	simm.s32 @p2 $0x1082  }
0x22: {  	[simem:s7], [sflag:s8] =	dma.local @!p0 [hbm:s6], $0xF7A  }
0x23: {  	s9 =	sor.u32 $0xD0000000, s2;
	s6 =	simm.s32 $0x108;
	_ =	swait.ge @!p0 [sflag:s8], $0x0  }
0x24: {  	s3 =	sadd.s32 $0x88, s3;
	s6 =	simm.s32 @!p1 $0x1082;
	[sflag:s4] =	ssyncset.s32 $0xFFFFF086  }
0x25: {  	[simem:s6], [sflag:s4] =	dma.local [hbm:s3], $0xF7A  }
0x26: {  	[smem:$0x3F9C] =	sst s1;
	(tag) =	ssettag s2;
	_ =	strace s9  }
0x27: {  	s1 =	sld [smem:$0x3FAC]  }
0x28: {  	s2 =	sld [smem:$0x3FAD]  }
0x29: {  	s4 =	sld [smem:$0x3FAF]  }
0x2a: {  	p0 =	seq.s32 s5, $0x0;
	s5 =	sld [smem:$0x3FB0]  }
0x2b: {  	s6 =	sld [smem:$0x3FB1]  }
0x2c: {  	s7 =	sld [smem:$0x3FB2]  }
0x2d: {  	s3 =	simm.s32 $0x108;
	s8 =	sld [smem:$0x3FB3]  }
0x2e: {  	s3 =	simm.s32 @!p0 $0x1082;
	s9 =	sld [smem:$0x3FB4]  }
0x2f: {  	lr =	sadd.s32 s0, s3;
	s0 =	sld [smem:$0x3FAB]  }
0x30: {  	s3 =	sld [smem:$0x3FAE]  }
0x31: {  	[smem:$0x3FB7] =	sst s10  }
0x32: {  	s10 =	sld [smem:$0x3FB5];
	_ =	sdelay $0x3  }
0x33: {  	p0 =	seq.s32 s10, $0x1;
	s10 =	sld [smem:$0x3FB7];
	_ =	sdelay $0x3  }
0x34: {  	[smem:$0x3FB7] =	sst s10  }
0x35: {  	s10 =	sld [smem:$0x3FB6];
	_ =	sdelay $0x3  }
0x36: {  	p1 =	seq.s32 s10, $0x1;
	s10 =	sld [smem:$0x3FB7];
	_ =	sdelay $0x3  }
0x37: {  	[smem:$0x3FB7] =	sst s10  }
0x38: {  	s10 =	sld [smem:$0x3FB8]  }
0x39: {  	_ = 	snop;
	(pc) =	sbr.ind lr, $3  }
0x3a: {  	_ = 	snop  }
0x3b: {  	_ = 	snop  }
0x3c: {  	p2 =	seq.s32 s10, $0x1;
	s10 =	sld [smem:$0x3FB7]  }
0x3d: {  	_ =	shalt  }
0x3e: {  	_ =	shalt  }
0x3f: {  	_ =	shalt  }
0x40: {  	_ =	shalt  }
0x41: {  	_ =	shalt  }
0x42: {  	_ =	shalt  }
0x43: {  	_ =	shalt  }
0x44: {  	_ =	shalt  }
0x45: {  	_ =	shalt  }
0x46: {  	_ =	shalt  }
0x47: {  	_ =	shalt  }
0x48: {  	_ =	shalt  }
0x49: {  	_ =	shalt  }
0x4a: {  	_ =	shalt  }
0x4b: {  	_ =	shalt  }
0x4c: {  	_ =	shalt  }
0x4d: {  	_ =	shalt  }
0x4e: {  	_ =	shalt  }
0x4f: {  	_ =	shalt  }
0x50: {  	_ =	shalt  }
0x51: {  	_ =	shalt  }
0x52: {  	_ =	shalt  }
0x53: {  	_ =	shalt  }
0x54: {  	_ =	shalt  }
0x55: {  	_ =	shalt  }
0x56: {  	_ =	shalt  }
0x57: {  	_ =	shalt  }
0x58: {  	_ =	shalt  }
0x59: {  	_ =	shalt  }
0x5a: {  	_ =	shalt  }
0x5b: {  	_ =	shalt  }
0x5c: {  	_ =	shalt  }
0x5d: {  	_ =	shalt  }
0x5e: {  	_ =	shalt  }
0x5f: {  	_ =	shalt  }
0x60: {  	_ =	shalt  }
0x61: {  	_ =	shalt  }
0x62: {  	_ =	shalt  }
0x63: {  	_ =	shalt  }
0x64: {  	_ =	shalt  }
0x65: {  	_ =	shalt  }
0x66: {  	_ =	shalt  }
0x67: {  	_ =	shalt  }
0x68: {  	_ =	shalt  }
0x69: {  	_ =	shalt  }
0x6a: {  	_ =	shalt  }
0x6b: {  	_ =	shalt  }
0x6c: {  	_ =	shalt  }
0x6d: {  	_ =	shalt  }
0x6e: {  	_ =	shalt  }
0x6f: {  	_ =	shalt  }
0x70: {  	_ =	shalt  }
0x71: {  	_ =	shalt  }
0x72: {  	_ =	shalt  }
0x73: {  	_ =	shalt  }
0x74: {  	_ =	shalt  }
0x75: {  	_ =	shalt  }
0x76: {  	_ =	shalt  }
0x77: {  	_ =	shalt  }
0x78: {  	_ =	shalt  }
0x79: {  	_ =	shalt  }
0x7a: {  	_ =	shalt  }
0x7b: {  	_ =	shalt  }
0x7c: {  	_ =	shalt  }
0x7d: {  	_ =	shalt  }
0x7e: {  	_ =	shalt  }
0x7f: {  	_ =	shalt  }
0x80: {  	_ =	shalt  }
0x81: {  	_ =	shalt  }
0x82: {  	_ =	shalt  }
0x83: {  	_ =	shalt  }
0x84: {  	_ =	shalt  }
0x85: {  	_ =	shalt  }
0x86: {  	_ =	shalt  }
0x87: {  	_ =	shalt  }
.Lfunc_end0:
.L_simem_size_0:
called_computation_lowered:
.L_overlay_start_0:
0x88: {  	s2 =	sld [smem:$0x3FD9]  }
0x89: {  	s3 =	sld [smem:$0x3FFE];
	_ =	sdelay $0x1  }
0x8a: {  	s1 =	srdreg.scid  }
0x8b: {  	s0 =	sand.u32 $0x1, s1  }
0x8c: {  	s17 =	sshll.u32 s0, $0xA;
	s2 =	sadd.s32 s3, s2  }
0x8d: {  	s2 =	sadd.s32 s2, s17  }
0x8e: {  	[smem:$0x3FC3] =	sst s2  }
0x8f: {  	_ = 	snop  }
0x90: {  	s2 =	sld [smem:$0x3FC9]  }
0x91: {  	s18 =	sld [smem:$0x3FC8]  }
0x92: {  	s4 =	sld [smem:$0x3FC5]  }
0x93: {  	s5 =	sld [smem:$0x3FD0];
	(tm) =	ssettm $0x1  }
0x94: {  	s6 =	sld [smem:$0x3FFB];
	_ =	sdelay $0x3  }
0x95: {  	_ =	strace s6  }
0x96: {  	s6 =	sld [smem:$0x3FFC];
	_ =	sdelay $0x3  }
0x97: {  	_ =	strace s6  }
0x98: {  	s6 =	sld [smem:$0x3FFD];
	_ =	sdelay $0x3  }
0x99: {  	_ =	strace s6  }
0x9a: {  	_ =	strace $0x8FFFFFFF  }
0x9b: {  	s19 =	sld [smem:$0x3FDB];
	_ =	sdelay $0x1  }
0x9c: {  	s7 =	simm.s32 $_scs_section_size  }
0x9d: {  	s8 =	simm.s32 $_size__tile_overlayer_lowered;
	s9 =	simm.s32 $_tile_overlayer_lowered  }
0x9e: {  	s22 =	simm.s32 $0x1BFF;
	s21 =	sshll.u32 s9, $0x1;
	s6 =	sadd.s32 s7, s19  }
0x9f: {  	s10 =	simm.s32 $0x0;
	s20 =	sshll.u32 s8, $0x1;
	s8 =	sadd.s32 s21, s6  }
0xa0: {  	[timem:s10], [sflag:s22] =	dma.local [hbm:s8], s20  }
0xa1: {  	_ =	swait.ge [sflag:s22], s20  }
0xa2: {  	s7 =	ssub.s32 $0x0, s20;
	[sflag:s22] =	ssyncset.done $0x0  }
0xa3: {  	[sflag:s22] =	ssyncadd.s32 s7;
	_ =	sdelay $0x1  }
0xa4: {  	s23 =	simm.s32 $0x1B8B  }
0xa5: {  	_ =	swait.ge [sflag:s23], $0x1  }
0xa6: {  	[sflag:s23] =	ssyncset.done $0x0  }
0xa7: {  	s25 =	simm.s32 $0x1B8E;
	s24 =	sld [smem:$0x3FFE];
	[sflag:s23] =	ssyncadd.s32 $0xFFFFFFFF  }
0xa8: {  	s26 =	simm.s32 $execute0_lowered;
	[smem:$0x3FD2] =	sst s25  }
0xa9: {  	s8 =	sshll.u32 s26, $0x1;
	_ =	strace $0x80000046;
	[dreg:$0x1] =	wrdreg $0xFFFFFFFF  }
0xaa: {  	s28 =	simm.s32 $_size_execute0_lowered;
	s6 =	sadd.s32 s6, s8;
	[dreg:$0x0] =	wrdreg $0x0  }
0xab: {  	s8 =	sshll.u32 s28, $0x1;
	[dreg:$0x2] =	wrdreg s6  }
0xac: {  	[dreg:$0x3] =	wrdreg s8  }
0xad: {  	[dreg:$0x4] =	wrdreg $0xC0  }
0xae: {  	_ =	task [dreg:s10], $0x5FFFF  }
0xaf: {  	[dreg:$0x1] =	wrdreg $0xFFFFFFFF  }
0xb0: {  	[dreg:$0x0] =	wrdreg $0x60  }
0xb1: {  	[dreg:$0x2] =	wrdreg s2  }
0xb2: {  	[dreg:$0x3] =	wrdreg s18  }
0xb3: {  	[dreg:$0x4] =	wrdreg s24  }
0xb4: {  	[dreg:$0x5] =	wrdreg s4  }
0xb5: {  	[dreg:$0x6] =	wrdreg s5  }
0xb6: {  	[dreg:$0x7] =	wrdreg $0x9  }
0xb7: {  	_ =	task.clear_ibuf [dreg:s10], $0x8FFFF;
	_ =	strace $0x90000046  }
0xb8: {  	s29 =	simm.s32 $0x9;
	_ =	strace $0x80000048  }
0xb9: {  	_ =	swait.ge [sflag:s29], $0x1  }
0xba: {  	[sflag:s29] =	ssyncadd.s32 $0xFFFFFFFF  }
0xbb: {  	_ =	strace $0x90000048  }
0xbc: {  	_ =	sfence  }
0xbd: {  	s30 =	sld [smem:$0x0];
	_ =	sdelay $0x2  }
0xbe: {  	s31 =	sshll.u32 s1, $0xD;
	s1 =	sshrl.u32 s1, $0x2  }
0xbf: {  	s3 =	sand.u32 $0x4000, s31;
	s1 =	sadd.s32 s1, s30  }
0xc0: {  	s0 =	sor.u32 s3, s0;
	s1 =	sshll.u32 s1, $0x11  }
0xc1: {  	s0 =	sor.u32 s1, s0  }
0xc2: {  	s0 =	sadd.s32 $0x8F2B, s0  }
0xc3: {  	[sflag:s0] =	ssyncadd.remote.s32 $0x1  }
0xc4: {  	_ =	sfence.sel $0xFFFF  }
0xc5: {  	[dreg:$0x0] =	wrdreg $0xFFFFFFFF;
	(pc) =	sbr.abs _section_cstart, $3  }
0xc6: {  	[dreg:$0x1] =	wrdreg $0xFFFFFFFF  }
0xc7: {  	_ =	task.clear_ibuf [dreg:s10], $0x2FFFF;
	_ =	strace $0x9FFFFFFF  }
0xc8: {  	(tm) =	ssettm $0x7FFFFFFF  }
0xc9: {  	_ =	shalt  }
tec
execute0_lowered:
.L_overlay_start_1:
0x0: {  	(tag) =	ssettag $0x1  }
0x1: {  	s6 =	rddreg [dreg:$0x0]  }
0x2: {  	s7 =	rddreg [dreg:$0x1]  }
0x3: {  	s5 =	rddreg [dreg:$0x2]  }
0x4: {  	s1 =	rddreg [dreg:$0x3]  }
0x5: {  	s8 =	rddreg [dreg:$0x4]  }
0x6: {  	s0 =	rddreg [dreg:$0x5]  }
0x7: {  	s3 =	simm.s32 $0x0;
	s4 =	srdreg.scid;
	s2 =	stileid.u32  }
0x8: {  	s13 =	simm.s32 $0x400;
	s14 =	simm.s32 $0x8400;
	s15 =	simm.s32 $0x1  }
0x9: {  	s16 =	simm.s32 $0x2;
	s17 =	simm.s32 $0x10420;
	s18 =	simm.s32 $0x0  }
0xa: {  	[smem:$0x7FF] =	sst s3;
	s4 =	sand.u32 $0x1, s4;
	s10 =	sshll.u32 s2, $0x7  }
0xb: {  	vm0 =	vmmov $0x1;
	vm1 =	vmmov $0x3;
	vm2 =	vmmov $0x7;
	_ =	strace $0x80000047;
	s9 =	ssub.s32 $0x2, s4;
	s11 =	sshll.u32 s4, $0x6  }
0xc: {  	vm3 =	vmmov $0xf;
	vm4 =	vmmov $0x1f;
	vm5 =	vmmov $0x3f;
	s4 =	sadd.s32 $0x188A00, s5;
	s5 =	sadd.s32 $0x24C000, s5;
	s12 =	sshrl.u32 s9, $0x1  }
0xd: {  	vm6 =	vmmov $0x7f;
	vm7 =	vmmov $0xff;
	vm8 =	vmmov $0x1ff;
	s10 =	sor.u32 s11, s10;
	s11 =	simm.s32 $0x200;
	s9 =	ssub.s32 s9, s12  }
0xe: {  	vm9 =	vmmov $0x3ff;
	vm10 =	vmmov $0x7ff;
	vm11 =	vmmov $0xfff;
	s6 =	sadd.s32 s6, s10;
	s7 =	sadd.s32 s7, s10;
	s8 =	sadd.s32 s8, s10  }
0xf: {  	vm12 =	vmmov $0x1fff;
	vm13 =	vmmov $0x3fff;
	vm14 =	vmmov $0x7fff;
	s10 =	simm.s32 $0x3;
	s12 =	simm.s32 $0x10400;
	s9 =	smax.u32 s9, $0x1  }
.LBB2_1:
0x10: {  	[tilespmem:s3], [sflag:$0x3] =	stream.linear.gather [hbm4b:s6+s3], $0x200, $0x38;
	[tilespmem:$0x10620] =	vst v63  }
0x11: {  	_ =	swait.ge [sflag:s10], $0x200  }
0x12: {  	[sflag:s10] =	ssyncset.done $0x0  }
0x13: {  	[sflag:s10] =	ssyncadd.s32 $0xFFFFFE00  }
0x14: {  	[tilespmem:s11], [sflag:$0x3] =	stream.linear.gather [hbm4b:s7+s3], $0x200, $0x38;
	[tilespmem:$0x10620] =	vst v63  }
0x15: {  	_ =	swait.ge [sflag:s10], $0x200  }
0x16: {  	[sflag:s10] =	ssyncset.done $0x0  }
0x17: {  	[sflag:s10] =	ssyncadd.s32 $0xFFFFFE00  }
0x18: {  	[tilespmem:s12], [sflag:$0x3] =	stream.linear.gather [hbm4b:s1+s3], $0x20, $0x38;
	[tilespmem:$0x10620] =	vst v63  }
0x19: {  	_ =	swait.ge [sflag:s10], $0x20  }
0x1a: {  	[sflag:s10] =	ssyncset.done $0x0  }
0x1b: {  	[sflag:s10] =	ssyncadd.s32 $0xFFFFFFE0  }
0x1c: {  	[tilespmem:s13], [sflag:$0x1] =	stream.indirect.gather [hbm4b:s4+s11], $0x40, s3, s11, $0xb8;
	[tilespmem:$0x10620] =	vst v63  }
0x1d: {  	_ = 	snop  }
0x1e: {  	[tilespmem:s14], [sflag:$0x2] =	stream.indirect.gather [hbm4b:s5+s11], $0x40, s11, s11, $0xb8;
	[tilespmem:$0x10620] =	vst v63  }
0x1f: {  	_ =	swait.ge [sflag:s15], $0x8000  }
0x20: {  	[sflag:s15] =	ssyncset.done $0x0  }
0x21: {  	[sflag:s15] =	ssyncadd.s32 $0xFFFF8000  }
0x22: {  	_ =	swait.ge [sflag:s16], $0x8000  }
0x23: {  	[sflag:s16] =	ssyncset.done $0x0  }
0x24: {  	s19 =	simm.s32 $0x0;
	[sflag:s16] =	ssyncadd.s32 $0xFFFF8000  }
0x25: {  	v18 =	vld [tilespmem:s19+$0x87F0]  }
0x26: {  	v23 =	vld [tilespmem:s19+$0x7F0]  }
0x27: {  	v12 =	vld [tilespmem:s19+$0x87E0]  }
0x28: {  	v25 =	vld [tilespmem:s19+$0x7E0]  }
0x29: {  	v0 =	vld [tilespmem:s19+$0x87B0]  }
0x2a: {  	v1 =	vld [tilespmem:s19+$0x7B0]  }
0x2b: {  	v16 =	vld [tilespmem:s19+$0x87D0]  }
0x2c: {  	v17 =	vld [tilespmem:s19+$0x7D0]  }
0x2d: {  	v3 =	vld [tilespmem:s19+$0x87C0]  }
0x2e: {  	v21 =	vld [tilespmem:s19+$0x7C0]  }
0x2f: {  	v41 =	vld [tilespmem:s19+$0x8770]  }
0x30: {  	v43 =	vld [tilespmem:s19+$0x770]  }
0x31: {  	v2 =	vld [tilespmem:s19+$0x87A0]  }
0x32: {  	v4 =	vld [tilespmem:s19+$0x7A0]  }
0x33: {  	v6 =	vld [tilespmem:s19+$0x8730]  }
0x34: {  	v14 =	vld [tilespmem:s19+$0x730]  }
0x35: {  	v44 =	vld [tilespmem:s19+$0x8760]  }
0x36: {  	v45 =	vld [tilespmem:s19+$0x760]  }
0x37: {  	v5 =	vld [tilespmem:s19+$0x8790]  }
0x38: {  	v7 =	vld [tilespmem:s19+$0x790]  }
0x39: {  	v8 =	vld [tilespmem:s19+$0x8780]  }
0x3a: {  	v9 =	vld [tilespmem:s19+$0x780]  }
0x3b: {  	v11 =	vld [tilespmem:s19+$0x86F0]  }
0x3c: {  	v15 =	vld [tilespmem:s19+$0x6F0]  }
0x3d: {  	v26 =	vld [tilespmem:s19+$0x8720]  }
0x3e: {  	v27 =	vld [tilespmem:s19+$0x720]  }
0x3f: {  	v28 =	vld [tilespmem:s19+$0x8750]  }
0x40: {  	v29 =	vld [tilespmem:s19+$0x750]  }
0x41: {  	v30 =	vld [tilespmem:s19+$0x8740]  }
0x42: {  	v32 =	vld [tilespmem:s19+$0x740]  }
0x43: {  	v53 =	vld [tilespmem:s19+$0x86B0]  }
0x44: {  	v49 =	vld [tilespmem:s19+$0x6B0]  }
0x45: {  	v33 =	vld [tilespmem:s19+$0x86E0]  }
0x46: {  	v34 =	vld [tilespmem:s19+$0x6E0]  }
0x47: {  	v35 =	vld [tilespmem:s19+$0x8710]  }
0x48: {  	v36 =	vld [tilespmem:s19+$0x710];
	[tilespmem:$0x1FC90] =	vst v18  }
0x49: {  	v13 =	vld [tilespmem:s19+$0x8700];
	[tilespmem:$0x1FBE0] =	vst v3;
	v3 =	vmul.f32 v3, v3  }
0x4a: {  	v31 =	vld [tilespmem:s19+$0x700];
	[tilespmem:$0x1FC30] =	vst v16;
	v10 =	vmul.f32 v16, v16;
	v16 =	vmul.f32 v17, v17  }
0x4b: {  	v22 =	vld [tilespmem:s19+$0x8670];
	[tilespmem:$0x1FC40] =	vst v17;
	v17 =	vmul.f32 v18, v18;
	v18 =	vmul.f32 v8, v8  }
0x4c: {  	v24 =	vld [tilespmem:s19+$0x670];
	[tilespmem:$0x1FC80] =	vst v25;
	v25 =	vmul.f32 v25, v25;
	v39 =	vmul.f32 v23, v23  }
0x4d: {  	v46 =	vld [tilespmem:s19+$0x86A0];
	[tilespmem:$0x1FC70] =	vst v12;
	v8 =	vmul.f32 v8, v9;
	v3 =	vadd.f32 v10, v3;
	v10 =	vmul.f32 v12, v12  }
0x4e: {  	v52 =	vld [tilespmem:s19+$0x6A0];
	[tilespmem:$0x1FBF0] =	vst v21;
	v12 =	vmul.f32 v21, v21;
	v21 =	vmul.f32 v5, v5  }
0x4f: {  	v19 =	vld [tilespmem:s19+$0x86D0];
	v8 =	vadd.f32 $0.0e+00, v8;
	v5 =	vmul.f32 v5, v7;
	v10 =	vadd.f32 v10, v3  }
0x50: {  	v20 =	vld [tilespmem:s19+$0x6D0];
	v40 =	vmul.f32 v7, v7;
	v12 =	vadd.f32 v16, v12;
	v18 =	vadd.f32 v21, v18  }
0x51: {  	v37 =	vld [tilespmem:s19+$0x86C0];
	v21 =	vmul.f32 v2, v2;
	v5 =	vadd.f32 v5, v8;
	v2 =	vmul.f32 v2, v4  }
0x52: {  	v38 =	vld [tilespmem:s19+$0x6C0];
	v8 =	vmul.f32 v29, v29;
	v10 =	vadd.f32 v17, v10;
	v12 =	vadd.f32 v25, v12  }
0x53: {  	v56 =	vld [tilespmem:s19+$0x8630];
	[tilespmem:$0x1FCA0] =	vst v23;
	v25 =	vmul.f32 v9, v9;
	v9 =	vadd.f32 v21, v18;
	v21 =	vmul.f32 v0, v0  }
0x54: {  	v51 =	vld [tilespmem:s19+$0x8660];
	v0 =	vmul.f32 v0, v1;
	v2 =	vadd.f32 v2, v5;
	[tilespmem:$0x1F8C0] =	vst v10;
	v10 =	vadd.f32 v39, v12  }
0x55: {  	v60 =	vld [tilespmem:s19+$0x8680];
	[tilespmem:$0x1FC50] =	vst v41;
	v12 =	vadd.f32 v40, v25;
	v25 =	vmul.f32 v4, v4;
	v7 =	vadd.f32 v21, v9  }
0x56: {  	v59 =	vld [tilespmem:s19+$0x680];
	[tilespmem:$0x1FC60] =	vst v43;
	v5 =	vmul.f32 v32, v32;
	v9 =	vmul.f32 v30, v30;
	v0 =	vadd.f32 v0, v2  }
0x57: {  	v58 =	vld [tilespmem:s19+$0x85F0];
	v21 =	vmul.f32 v1, v1;
	[tilespmem:$0x1F8E0] =	vst v7;
	v7 =	vadd.f32 v25, v12;
	v12 =	vmul.f32 v28, v28  }
0x58: {  	v61 =	vld [tilespmem:s19+$0x8620];
	v54 =	vmul.f32 v27, v27;
	v4 =	vmul.f32 v44, v44;
	[tilespmem:$0x1F900] =	vst v0;
	v0 =	vadd.f32 v8, v5  }
0x59: {  	v50 =	vld [tilespmem:s19+$0x620];
	[tilespmem:$0x1FC10] =	vst v44;
	v5 =	vmul.f32 v45, v45;
	v1 =	vadd.f32 v12, v9;
	v7 =	vadd.f32 v21, v7  }
0x5a: {  	v63 =	vld [tilespmem:s19+$0x8640];
	[tilespmem:$0x1FC20] =	vst v45;
	v8 =	vmul.f32 v13, v13;
	v9 =	vmul.f32 v35, v35  }
0x5b: {  	v42 =	vld [tilespmem:s19+$0x85B0];
	v0 =	vadd.f32 v5, v0;
	[tilespmem:$0x1F8F0] =	vst v7;
	v1 =	vadd.f32 v4, v1;
	v7 =	vmul.f32 v41, v41  }
0x5c: {  	[tilespmem:$0x1FBC0] =	vst v53;
	v3 =	vld [tilespmem:s19+$0x630];
	v8 =	vadd.f32 v9, v8;
	v9 =	vmul.f32 v13, v31;
	v13 =	vmul.f32 v43, v43  }
0x5d: {  	[tilespmem:$0x1FBA0] =	vst v52;
	v55 =	vmul.f32 v6, v6;
	v57 =	vmul.f32 v37, v37;
	v16 =	vld [tilespmem:s19+$0x660];
	v1 =	vadd.f32 v7, v1  }
0x5e: {  	v62 =	vmul.f32 v19, v19;
	v6 =	vmul.f32 v6, v14;
	v18 =	vld [tilespmem:s19+$0x690];
	[tilespmem:$0x1F8D0] =	vst v10;
	v0 =	vadd.f32 v13, v0  }
0x5f: {  	v2 =	vld [tilespmem:s19+$0x85E0];
	v5 =	vmul.f32 v36, v36;
	[tilespmem:$0x1F910] =	vst v1;
	v1 =	vmul.f32 v31, v31  }
0x60: {  	v52 =	vmul.f32 v52, v52;
	v10 =	vld [tilespmem:s19+$0x5F0];
	v9 =	vadd.f32 $0.0e+00, v9;
	[tilespmem:$0x1F920] =	vst v0;
	v0 =	vmul.f32 v35, v36  }
0x61: {  	[tilespmem:$0x1FBD0] =	vst v49;
	v19 =	vmul.f32 v19, v20;
	v17 =	vld [tilespmem:s19+$0x8690];
	v39 =	vmul.f32 v59, v59;
	v1 =	vadd.f32 v5, v1  }
0x62: {  	[tilespmem:$0x1FB90] =	vst v46;
	v44 =	vld [tilespmem:s19+$0x5B0];
	v5 =	vmul.f32 v26, v26;
	v0 =	vadd.f32 v0, v9;
	v26 =	vmul.f32 v26, v27  }
0x63: {  	[tilespmem:$0x1FB50] =	vst v58;
	v40 =	vmul.f32 v18, v18;
	v21 =	vld [tilespmem:s19+$0x8650];
	v43 =	vmul.f32 v33, v34  }
0x64: {  	v12 =	vld [tilespmem:s19+$0x640];
	[tilespmem:$0x1FB30] =	vst v2;
	v41 =	vmul.f32 v53, v53;
	v26 =	vadd.f32 v26, v0;
	v0 =	vmul.f32 v28, v29  }
0x65: {  	v4 =	vld [tilespmem:s19+$0x650];
	[tilespmem:$0x1FB60] =	vst v10;
	v36 =	vmul.f32 v34, v34;
	v27 =	vmul.f32 v14, v14  }
0x66: {  	v31 =	vld [tilespmem:s19+$0x5E0];
	v1 =	vadd.f32 v54, v1;
	v29 =	vmul.f32 v33, v33;
	[tilespmem:$0x1FC00] =	vst v0;
	v0 =	vadd.f32 v6, v26  }
0x67: {  	v6 =	vmul.f32 v38, v38;
	v26 =	vmul.f32 v20, v20  }
0x68: {  	v13 =	vadd.f32 v27, v1;
	v27 =	vadd.f32 v62, v57;
	[tilespmem:$0x1F930] =	vst v0;
	v0 =	vmul.f32 v30, v32  }
0x69: {  	v6 =	vadd.f32 v26, v6;
	v26 =	vmul.f32 v60, v60;
	v30 =	vmul.f32 v17, v17  }
0x6a: {  	v8 =	vadd.f32 v5, v8;
	v27 =	vadd.f32 v29, v27;
	v29 =	vmul.f32 v11, v11  }
0x6b: {  	v26 =	vadd.f32 v30, v26;
	v30 =	vmul.f32 v37, v38;
	v38 =	vmul.f32 v46, v46  }
0x6c: {  	v6 =	vadd.f32 v36, v6;
	v46 =	vmul.f32 v11, v15;
	v11 =	vmul.f32 v15, v15  }
0x6d: {  	v53 =	vmul.f32 v21, v21;
	v54 =	vmul.f32 v51, v51;
	v9 =	vadd.f32 v55, v8  }
0x6e: {  	v25 =	vld [tilespmem:s19+$0x8610];
	v15 =	vadd.f32 v40, v39;
	v33 =	vadd.f32 v11, v6;
	v6 =	vmul.f32 v63, v63  }
0x6f: {  	v7 =	vld [tilespmem:s19+$0x8600];
	v62 =	vmul.f32 v12, v12;
	[tilespmem:$0x1FBB0] =	vst v0;
	v0 =	vadd.f32 v29, v27;
	v26 =	vadd.f32 v38, v26  }
0x70: {  	v5 =	vld [tilespmem:s19+$0x600];
	v15 =	vadd.f32 v52, v15;
	v20 =	vadd.f32 v53, v6;
	v6 =	vmul.f32 v49, v49  }
0x71: {  	v8 =	vld [tilespmem:s19+$0x610];
	v36 =	vmul.f32 v4, v4;
	[tilespmem:$0x1F940] =	vst v0;
	v30 =	vadd.f32 $0.0e+00, v30;
	v0 =	vadd.f32 v41, v26  }
0x72: {  	v27 =	vadd.f32 v6, v15;
	v15 =	vadd.f32 v54, v20;
	v20 =	vmul.f32 v22, v22  }
0x73: {  	v23 =	vld [tilespmem:s19+$0x85D0];
	v41 =	vadd.f32 v36, v62;
	v19 =	vadd.f32 v19, v30;
	v30 =	vmul.f32 v16, v16  }
0x74: {  	v57 =	vld [tilespmem:s19+$0x85C0];
	v45 =	vmul.f32 v25, v25;
	v49 =	vadd.f32 v20, v15;
	v15 =	vmul.f32 v7, v7  }
0x75: {  	v37 =	vmul.f32 v24, v24;
	v62 =	vmul.f32 v61, v61;
	v30 =	vadd.f32 v30, v41  }
0x76: {  	v34 =	vld [tilespmem:s19+$0x5C0];
	v41 =	vmul.f32 v5, v5;
	v54 =	vmul.f32 v8, v8;
	v15 =	vadd.f32 v45, v15  }
0x77: {  	v55 =	vld [tilespmem:s19+$0x5D0];
	v19 =	vadd.f32 v43, v19;
	v32 =	vadd.f32 v37, v30  }
0x78: {  	v30 =	vadd.f32 v54, v41;
	v45 =	vmul.f32 v56, v56;
	v15 =	vadd.f32 v62, v15  }
0x79: {  	v39 =	vld [tilespmem:s19+$0x8580];
	[tilespmem:$0x1F950] =	vst v0;
	v0 =	vadd.f32 v46, v19;
	v41 =	vmul.f32 v23, v23;
	v62 =	vmul.f32 v57, v57  }
0x7a: {  	[tilespmem:$0x1F9C0] =	vst v23;
	v26 =	vld [tilespmem:s19+$0x8590];
	v23 =	vmul.f32 v51, v16;
	v6 =	vadd.f32 v45, v15;
	v15 =	vmul.f32 v50, v50  }
0x7b: {  	v40 =	vld [tilespmem:s19+$0x580];
	[tilespmem:$0x1FAF0] =	vst v0;
	v0 =	vmul.f32 v17, v18;
	v17 =	vmul.f32 v2, v2;
	v16 =	vadd.f32 v41, v62  }
0x7c: {  	v38 =	vld [tilespmem:s19+$0x590];
	v18 =	vmul.f32 v34, v34;
	v15 =	vadd.f32 v15, v30;
	v30 =	vmul.f32 v55, v55  }
0x7d: {  	v1 =	vld [tilespmem:s19+$0x85A0];
	[tilespmem:$0x1FB80] =	vst v0;
	v0 =	vmul.f32 v56, v3;
	v3 =	vmul.f32 v3, v3;
	v16 =	vadd.f32 v17, v16  }
0x7e: {  	v51 =	vld [tilespmem:s19+$0x8550];
	v17 =	vadd.f32 v30, v18;
	v18 =	vmul.f32 v58, v58;
	v30 =	vmul.f32 v31, v31  }
0x7f: {  	[tilespmem:$0x1F9E0] =	vst v57;
	v43 =	vmul.f32 v26, v26;
	v57 =	vld [tilespmem:s19+$0x8540];
	v45 =	vadd.f32 v3, v15;
	v15 =	vmul.f32 v39, v39  }
0x80: {  	v46 =	vadd.f32 v18, v16;
	v16 =	vadd.f32 v30, v17;
	v17 =	vmul.f32 v10, v10  }
0x81: {  	v11 =	vld [tilespmem:s19+$0x8560];
	v54 =	vmul.f32 v38, v38;
	v30 =	vmul.f32 v40, v40  }
0x82: {  	v29 =	vld [tilespmem:s19+$0x5A0];
	[tilespmem:$0x1FA00] =	vst v26;
	v15 =	vadd.f32 v43, v15;
	v26 =	vadd.f32 v17, v16;
	v17 =	vmul.f32 v1, v1  }
0x83: {  	[tilespmem:$0x1F970] =	vst v1;
	v19 =	vadd.f32 v54, v30;
	v30 =	vmul.f32 v42, v42  }
0x84: {  	[tilespmem:$0x1F9D0] =	vst v55;
	v62 =	vld [tilespmem:s19+$0x540];
	v1 =	vmul.f32 v51, v51;
	v15 =	vadd.f32 v17, v15;
	v17 =	vmul.f32 v57, v57  }
0x85: {  	[tilespmem:$0x1F9B0] =	vst v0;
	v0 =	vmul.f32 v60, v59;
	v55 =	vld [tilespmem:s19+$0x550]  }
0x86: {  	v16 =	vadd.f32 v30, v15;
	v2 =	vadd.f32 v1, v17;
	v30 =	vmul.f32 v11, v11;
	v1 =	vld [tilespmem:$0x1F8C0]  }
0x87: {  	[tilespmem:$0x1FB70] =	vst v0;
	v0 =	vmul.f32 v29, v29;
	v3 =	vld [tilespmem:$0x1F8D0]  }
0x88: {  	v10 =	vmul.f32 v21, v4;
	v4 =	vadd.f32 v30, v2;
	v2 =	vld [tilespmem:$0x1F8E0]  }
0x89: {  	v48 =	vld [tilespmem:s19+$0x8570];
	v0 =	vadd.f32 v0, v19;
	v19 =	vmul.f32 v44, v44  }
0x8a: {  	v35 =	vld [tilespmem:s19+$0x560]  }
0x8b: {  	v53 =	vld [tilespmem:s19+$0x8510];
	v18 =	vadd.f32 v19, v0;
	v0 =	vmul.f32 v55, v55;
	(xrf2) =	vadd.scan.msk.f32 $0xffff, v1;
	v1 =	vmul.f32 v62, v62  }
0x8c: {  	[tilespmem:$0x1FB40] =	vst v31;
	v31 =	vld [tilespmem:s19+$0x8500];
	(xrf2) =	vadd.scan.msk.f32 $0xffff, v3  }
0x8d: {  	(xrf2) =	vadd.scan.msk.f32 $0xffff, v2;
	v2 =	vadd.f32 v0, v1;
	v0 =	vld [tilespmem:$0x1F8F0]  }
0x8e: {  	v12 =	vmul.f32 v63, v12;
	_ =	sdelay $0x1  }
0x8f: {  	v12 =	vadd.f32 $0.0e+00, v12;
	v24 =	vmul.f32 v22, v24;
	v22 =	vld [tilespmem:s19+$0x8520]  }
0x90: {  	[tilespmem:$0x1FA20] =	vst v11;
	v30 =	vmul.f32 v35, v35;
	v1 =	vmul.f32 v48, v48  }
0x91: {  	v11 =	vld [tilespmem:$0x1F900];
	v3 =	vadd.f32 v10, v12;
	v10 =	vmul.f32 v31, v31;
	(xrf2) =	vadd.scan.msk.f32 $0xffff, v0;
	v0 =	vmul.f32 v53, v53  }
0x92: {  	[tilespmem:$0x1F960] =	vst v48;
	v48 =	vmul.f32 v61, v50;
	v61 =	vadd.f32 v1, v4;
	v1 =	vadd.f32 v30, v2;
	v2 =	vld [tilespmem:$0x1F910]  }
0x93: {  	v0 =	vadd.f32 v0, v10;
	v10 =	vld [tilespmem:$0x1F920]  }
0x94: {  	v4 =	vmul.f32 v22, v22;
	_ =	sdelay $0x1  }
0x95: {  	(xrf2) =	vadd.scan.msk.f32 $0xffff, v11;
	v0 =	vadd.f32 v4, v0;
	v4 =	vld [tilespmem:$0x1F930]  }
0x96: {  	v47 =	vld [tilespmem:s19+$0x8530];
	(xrf2) =	vadd.scan.msk.f32 $0xffff, v2  }
0x97: {  	v28 =	vld [tilespmem:s19+$0x570];
	(xrf2) =	vadd.scan.msk.f32 $0xffff, v10  }
0x98: {  	[tilespmem:$0x1FA10] =	vst v38;
	v38 =	vld [tilespmem:s19+$0x84C0];
	(xrf2) =	vadd.scan.msk.f32 $0xffff, v9  }
0x99: {  	v59 =	vld [tilespmem:s19+$0x500];
	(xrf2) =	vadd.scan.msk.f32 $0xffff, v13  }
0x9a: {  	(xrf2) =	vadd.scan.msk.f32 $0xffff, v4;
	v4 =	vld [tilespmem:$0x1F940]  }
0x9b: {  	v58 =	vld [tilespmem:s19+$0x510];
	v3 =	vadd.f32 v23, v3  }
0x9c: {  	[tilespmem:$0x1F990] =	vst v39;
	v39 =	vld [tilespmem:s19+$0x84D0]  }
0x9d: {  	v14 =	vld [tilespmem:s19+$0x530];
	v3 =	vadd.f32 v24, v3  }
0x9e: {  	v36 =	vld [tilespmem:s19+$0x520];
	[tilespmem:$0x1F980] =	vst v29  }
0x9f: {  	v60 =	vld [tilespmem:s19+$0x84E0];
	v23 =	vmul.f32 v59, v59;
	[tilespmem:$0x1FB00] =	vst v3;
	(xrf2) =	vadd.scan.msk.f32 $0xffff, v4;
	v4, _, _ =	vpop (xrf2)  }
0xa0: {  	v29 =	vmov v44;
	v44 =	vld [tilespmem:s19+$0x4C0];
	v30 =	vmul.f32 v58, v58;
	v2 =	vmul.f32 v28, v28;
	[tilespmem:$0x1FB20] =	vst v4;
	v4, _, _ =	vpop (xrf2)  }
0xa1: {  	v24 =	vmul.f32 v39, v39;
	v3 =	vmul.f32 v38, v38;
	[tilespmem:$0x1FB10] =	vst v4;
	v4 =	vld [tilespmem:$0x1F950]  }
0xa2: {  	[tilespmem:$0x1FA30] =	vst v35;
	v35 =	vld [tilespmem:s19+$0x4D0];
	v11 =	vadd.f32 v2, v1;
	v1 =	vmul.f32 v7, v5;
	v7 =	vmul.f32 v47, v47  }
0xa3: {  	v52 =	vld [tilespmem:s19+$0x84B0];
	v3 =	vadd.f32 v24, v3;
	v2 =	vadd.f32 v30, v23;
	v23 =	vmul.f32 v36, v36  }
0xa4: {  	v63 =	vld [tilespmem:s19+$0x4E0];
	v1 =	vadd.f32 $0.0e+00, v1;
	v9 =	vadd.f32 v7, v0  }
0xa5: {  	v20 =	vld [tilespmem:s19+$0x84F0];
	v0 =	vadd.f32 v23, v2;
	v7 =	vmul.f32 v14, v14;
	v23 =	vmul.f32 v60, v60;
	(xrf2) =	vadd.scan.msk.f32 $0xffff, v33  }
0xa6: {  	v37 =	vld [tilespmem:s19+$0x4F0];
	v24 =	vmul.f32 v44, v44;
	v2 =	vmul.f32 v25, v8;
	(xrf2) =	vadd.scan.msk.f32 $0xffff, v4;
	v4, _, _ =	vpop (xrf2)  }
0xa7: {  	[tilespmem:$0x1F9F0] =	vst v34;
	v34 =	vld [tilespmem:s19+$0x8490];
	v25 =	vmul.f32 v35, v35;
	v33 =	vadd.f32 v7, v0;
	v0 =	vadd.f32 v23, v3;
	v3, _, _ =	vpop (xrf2)  }
0xa8: {  	[tilespmem:$0x1FA60] =	vst v31;
	v19 =	vld [tilespmem:s19+$0x8480];
	v31 =	vadd.f32 v2, v1;
	v1, _, _ =	vpop (xrf2)  }
0xa9: {  	v17 =	vld [tilespmem:s19+$0x490];
	v23 =	vadd.f32 v25, v24;
	[tilespmem:$0x1FCC0] =	vst v1;
	v1 =	vmul.f32 v63, v63  }
0xaa: {  	v13 =	vld [tilespmem:s19+$0x480];
	(xrf2) =	vadd.scan.msk.f32 $0xffff, v27;
	[tilespmem:$0x1FA80] =	vst v3;
	v3 =	vmul.f32 v20, v20  }
0xab: {  	v21 =	vld [tilespmem:s19+$0x84A0];
	(xrf2) =	vadd.scan.msk.f32 $0xffff, v49;
	v1 =	vadd.f32 v1, v23  }
0xac: {  	[tilespmem:$0x1FA40] =	vst v22;
	v56 =	vld [tilespmem:s19+$0x4B0];
	(xrf2) =	vadd.scan.msk.f32 $0xffff, v32;
	v32 =	vadd.f32 v3, v0;
	v0, _, _ =	vpop (xrf2)  }
0xad: {  	v15 =	vld [tilespmem:s19+$0x4A0];
	[tilespmem:$0x1FA90] =	vst v0;
	v0, _, _ =	vpop (xrf2);
	v23 =	vmul.f32 v37, v37  }
0xae: {  	v41 =	vmul.f32 v42, v29;
	v43 =	vmov v28;
	v22 =	vld [tilespmem:s19+$0x8400];
	v2 =	vmul.f32 v19, v19;
	[tilespmem:$0x1FAA0] =	vst v0;
	v0, _, _ =	vpop (xrf2)  }
0xaf: {  	v30 =	vld [tilespmem:s19+$0x8410];
	v28 =	vmul.f32 v13, v13;
	[tilespmem:$0x1FAB0] =	vst v0;
	v0 =	vmul.f32 v17, v17;
	v29 =	vadd.f32 v23, v1;
	v1, _, _ =	vpop (xrf2)  }
0xb0: {  	v25 =	vld [tilespmem:s19+$0x400];
	v3 =	vmul.f32 v34, v34;
	(xrf2) =	vadd.scan.msk.f32 $0xffff, v6;
	[tilespmem:$0x1FAC0] =	vst v1;
	v1 =	vmul.f32 v21, v21  }
0xb1: {  	[tilespmem:$0x1FA50] =	vst v36;
	v36 =	vmov v20;
	v20 =	vld [tilespmem:s19+$0x410];
	(xrf2) =	vadd.scan.msk.f32 $0xffff, v45;
	v0 =	vadd.f32 v0, v28  }
0xb2: {  	[tilespmem:$0x1F9A0] =	vst v40;
	v27 =	vld [tilespmem:s19+$0x8420];
	v24 =	vadd.f32 v3, v2;
	(xrf2) =	vadd.scan.msk.f32 $0xffff, v46  }
0xb3: {  	v8 =	vld [tilespmem:s19+$0x420];
	[tilespmem:$0x1FA70] =	vst v4;
	v46 =	vmul.f32 v56, v56;
	v23 =	vmul.f32 v15, v15;
	(xrf2) =	vadd.scan.msk.f32 $0xffff, v26;
	v2, _, _ =	vpop (xrf2)  }
0xb4: {  	v26 =	vmul.f32 v22, v22;
	v28 =	vld [tilespmem:s19+$0x450];
	(xrf2) =	vadd.scan.msk.f32 $0xffff, v16;
	[tilespmem:$0x1FCB0] =	vst v2;
	v16 =	vadd.f32 v1, v24;
	v1, _, _ =	vpop (xrf2)  }
0xb5: {  	v2 =	vmul.f32 v30, v30;
	v3 =	vadd.f32 v23, v0;
	v24 =	vld [tilespmem:s19+$0x440];
	(xrf2) =	vadd.scan.msk.f32 $0xffff, v18;
	[tilespmem:$0x1FAD0] =	vst v1;
	v0, _, _ =	vpop (xrf2)  }
0xb6: {  	v54 =	vld [tilespmem:s19+$0x8430];
	v7 =	vmovc v37;
	v1 =	vmul.f32 v25, v25;
	(xrf2) =	vadd.scan.msk.f32 $0xffff, v61;
	[tilespmem:$0x1FAE0] =	vst v0;
	v0 =	vmul.f32 v20, v20  }
0xb7: {  	v40 =	vld [tilespmem:s19+$0x430];
	v4 =	vmul.f32 v52, v52;
	v42 =	vmul.f32 v27, v27;
	v26 =	vadd.f32 v2, v26;
	v61, _, _ =	vpop (xrf2);
	(xrf2) =	vadd.scan.msk.f32 $0xffff, v11  }
0xb8: {  	v37 =	vadd.f32 v46, v3;
	v46, _, _ =	vpop (xrf2);
	(xrf2) =	vadd.scan.msk.f32 $0xffff, v9;
	v9 =	vld [tilespmem:$0x1F960];
	v2 =	vadd.f32 v0, v1;
	v0 =	vmul.f32 v8, v8  }
0xb9: {  	v6 =	vld [tilespmem:s19+$0x460];
	v4 =	vadd.f32 v4, v16;
	v26 =	vadd.f32 v42, v26;
	v45, _, _ =	vpop (xrf2);
	(xrf2) =	vadd.scan.msk.f32 $0xffff, v33  }
0xba: {  	v33, _, _ =	vpop (xrf2);
	(xrf2) =	vadd.scan.msk.f32 $0xffff, v32;
	v3 =	vadd.f32 v0, v2;
	v2 =	vmul.f32 v24, v24;
	v0 =	vmul.f32 v28, v28  }
0xbb: {  	v32 =	vmul.f32 v54, v54;
	v23, _, _ =	vpop (xrf2);
	(xrf2) =	vadd.scan.msk.f32 $0xffff, v29  }
0xbc: {  	v50 =	vld [tilespmem:$0x1F980];
	v16, _, _ =	vpop (xrf2);
	(xrf2) =	vadd.scan.msk.f32 $0xffff, v4;
	v2 =	vadd.f32 v0, v2  }
0xbd: {  	v29 =	vmul.f32 v40, v40;
	v4 =	vadd.f32 v32, v26;
	v26, _, _ =	vpop (xrf2);
	(xrf2) =	vadd.scan.msk.f32 $0xffff, v37;
	v37 =	vmul.f32 v9, v43;
	v9 =	vld [tilespmem:$0x1F970]  }
0xbe: {  	v0 =	vmul.f32 v6, v6  }
0xbf: {  	v3 =	vadd.f32 v29, v3  }
0xc0: {  	v0 =	vadd.f32 v0, v2;
	v2, _, _ =	vpop (xrf2);
	(xrf2) =	vadd.scan.msk.f32 $0xffff, v4  }
0xc1: {  	v4, _, _ =	vpop (xrf2);
	(xrf2) =	vadd.scan.msk.f32 $0xffff, v3;
	v3 =	vld [tilespmem:$0x1F990]  }
0xc2: {  	v32 =	vmul.f32 v9, v50;
	v9 =	vld [tilespmem:$0x1F9A0]  }
0xc3: {  	v12 =	vld [tilespmem:s19+$0x8450]  }
0xc4: {  	v10 =	vld [tilespmem:s19+$0x8440]  }
0xc5: {  	v5 =	vld [tilespmem:s19+$0x8470]  }
0xc6: {  	v18 =	vld [tilespmem:s19+$0x8460]  }
0xc7: {  	v3 =	vmul.f32 v3, v9;
	v9 =	vld [tilespmem:$0x1F9B0]  }
0xc8: {  	v11 =	vld [tilespmem:s19+$0x470]  }
0xc9: {  	v42 =	vmul.f32 v10, v10;
	v1 =	vmul.f32 v12, v12  }
0xca: {  	v31 =	vadd.f32 v48, v31  }
0xcb: {  	v1 =	vadd.f32 v1, v42;
	v42 =	vmul.f32 v18, v18  }
0xcc: {  	v43 =	vadd.f32 v9, v31;
	v9 =	vld [tilespmem:$0x1F9C0]  }
0xcd: {  	v49 =	vmul.f32 v5, v5;
	v1 =	vadd.f32 v42, v1;
	v29 =	vmul.f32 v11, v11;
	v31 =	vld [tilespmem:$0x1F9D0];
	_ =	sdelay $0x1  }
0xce: {  	v1 =	vadd.f32 v49, v1;
	_ =	sdelay $0x1  }
0xcf: {  	v0 =	vadd.f32 v29, v0;
	v29, _, _ =	vpop (xrf2);
	(xrf2) =	vadd.scan.msk.f32 $0xffff, v1;
	v1 =	vld [tilespmem:$0x1F9E0]  }
0xd0: {  	v31 =	vmul.f32 v9, v31;
	v9 =	vld [tilespmem:$0x1F9F0];
	_ =	sdelay $0x4  }
0xd1: {  	v50 =	vmul.f32 v1, v9;
	v1 =	vld [tilespmem:$0x1FA00]  }
0xd2: {  	v9 =	vld [tilespmem:$0x1FA10];
	_ =	sdelay $0x4  }
0xd3: {  	v62 =	vmul.f32 v57, v62;
	v42 =	vmul.f32 v1, v9;
	v1 =	vld [tilespmem:$0x1FA20]  }
0xd4: {  	v9 =	vld [tilespmem:$0x1FA30]  }
0xd5: {  	v51 =	vmul.f32 v51, v55;
	v38 =	vmul.f32 v38, v44;
	v48 =	vadd.f32 $0.0e+00, v62  }
0xd6: {  	v53 =	vmul.f32 v53, v58;
	v47 =	vmul.f32 v47, v14;
	v49, _, _ =	vpop (xrf2)  }
0xd7: {  	v48 =	vadd.f32 v51, v48;
	v51 =	vmul.f32 v60, v63;
	(xrf2) =	vadd.scan.msk.f32 $0xffff, v0;
	v0 =	vadd.f32 $0.0e+00, v3;
	v3, _, _ =	vpop (xrf2)  }
0xd8: {  	v13 =	vmul.f32 v19, v13;
	v57 =	vmul.f32 v36, v7;
	v7 =	vld [tilespmem:$0x1FA40];
	v55, _, _ =	vpop (xrf2)  }
0xd9: {  	v17 =	vmul.f32 v34, v17;
	v0 =	vadd.f32 v42, v0;
	v62 =	vmul.f32 v1, v9;
	v1, _, _ =	vpop (xrf2);
	v9 =	vld [tilespmem:$0x1FA50]  }
0xda: {  	v14 =	vmul.f32 v30, v20;
	v12 =	vmul.f32 v12, v28;
	v44, _, _ =	vpop (xrf2)  }
0xdb: {  	v5 =	vmul.f32 v5, v11;
	v0 =	vadd.f32 v32, v0;
	v32 =	vmul.f32 v52, v56;
	v52, _, _ =	vpop (xrf2)  }
0xdc: {  	v11 =	vmul.f32 v21, v15;
	v6 =	vmul.f32 v18, v6;
	v63, _, _ =	vpop (xrf2)  }
0xdd: {  	v13 =	vadd.f32 $0.0e+00, v13;
	v16 =	vbroadcast v16, $0xF;
	v20 =	vbroadcast v26, $0xF;
	v19, _, _ =	vpop (xrf2)  }
0xde: {  	v26 =	vbroadcast v33, $0xF;
	v9 =	vmul.f32 v7, v9;
	v7 =	vld [tilespmem:$0x1FA60];
	v58, _, _ =	vpop (xrf2)  }
0xdf: {  	v13 =	vadd.f32 v17, v13;
	v2 =	vbroadcast v2, $0xF;
	v4 =	vbroadcast v4, $0xF;
	v60, _, _ =	vpop (xrf2)  }
0xe0: {  	v3 =	vbroadcast v3, $0xF;
	v1 =	vbroadcast v1, $0xF;
	v21, _, _ =	vpop (xrf2)  }
0xe1: {  	v11 =	vadd.f32 v11, v13;
	v13 =	vbroadcast v58, $0xF;
	v18 =	vbroadcast v60, $0xF;
	v17, _, _ =	vpop (xrf2)  }
0xe2: {  	v21 =	vbroadcast v21, $0xF;
	v17 =	vbroadcast v17, $0xF  }
0xe3: {  	v56 =	vmul.f32 v7, v59;
	v7 =	vmul.f32 v27, v8  }
0xe4: {  	v8 =	vmul.f32 v10, v24;
	v17 =	vsel vm0, v18, v17;
	v18 =	vbroadcast v19, $0xF  }
0xe5: {  	v13 =	vsel vm0, v13, v21;
	v21 =	vbroadcast v52, $0xF;
	v19 =	vbroadcast v63, $0xF  }
0xe6: {  	v8 =	vadd.f32 $0.0e+00, v8;
	v17 =	vsel vm1, v17, v18;
	v18 =	vbroadcast v44, $0xF  }
0xe7: {  	v10 =	vbroadcast v49, $0xF;
	v13 =	vsel vm1, v13, v19;
	v17 =	vsel vm2, v17, v21;
	v21 =	vld [tilespmem:$0x1FAD0]  }
0xe8: {  	v19 =	vbroadcast v55, $0xF;
	v8 =	vadd.f32 v12, v8;
	v13 =	vsel vm2, v13, v18  }
0xe9: {  	v18 =	vmul.f32 v22, v25;
	v1 =	vsel vm3, v17, v1;
	v17 =	vbroadcast v29, $0xF;
	v22 =	vld [tilespmem:$0x1FAE0]  }
0xea: {  	v25 =	vbroadcast v46, $0xF;
	v13 =	vsel vm3, v13, v19;
	v1 =	vsel vm4, v1, v3;
	v3 =	vld [tilespmem:$0x1FA70]  }
0xeb: {  	v19 =	vld [tilespmem:$0x1FAB0];
	v10 =	vsel vm4, v13, v10;
	v1 =	vsel vm5, v1, v17;
	v18 =	vadd.f32 $0.0e+00, v18  }
0xec: {  	v4 =	vsel vm5, v10, v4;
	v1 =	vsel vm6, v1, v2;
	v2 =	vld [tilespmem:$0x1FAC0];
	v21 =	vbroadcast v21, $0xF  }
0xed: {  	v17 =	vld [tilespmem:$0x1FA90];
	v4 =	vsel vm6, v4, v20;
	v14 =	vadd.f32 v14, v18;
	v18 =	vbroadcast v23, $0xF  }
0xee: {  	v20 =	vbroadcast v61, $0xF;
	v23 =	vbroadcast v45, $0xF;
	v1 =	vsel vm7, v1, v16  }
0xef: {  	v16 =	vld [tilespmem:$0x1FAF0];
	v22 =	vbroadcast v22, $0xF;
	v1 =	vsel vm8, v1, v26;
	v4 =	vsel vm7, v4, v18  }
0xf0: {  	v3 =	vbroadcast v3, $0xF;
	v19 =	vbroadcast v19, $0xF;
	v4 =	vsel vm8, v4, v23  }
0xf1: {  	v10 =	vld [tilespmem:$0x1FAA0];
	v1 =	vsel vm9, v1, v25;
	v2 =	vbroadcast v2, $0xF;
	v4 =	vsel vm9, v4, v20  }
0xf2: {  	v13 =	vld [tilespmem:$0x1FA80];
	v17 =	vbroadcast v17, $0xF;
	v1 =	vsel vm10, v1, v22;
	v4 =	vsel vm10, v4, v21  }
0xf3: {  	v1 =	vsel vm11, v1, v2;
	v2 =	vsel vm11, v4, v19;
	v4 =	vadd.f32 v6, v8  }
0xf4: {  	v39 =	vmul.f32 v39, v35;
	(xrf2) =	vadd.scan.msk.f32 $0xffff, v16;
	v16 =	vld [tilespmem:$0x1FB00];
	v2 =	vsel vm12, v2, v17  }
0xf5: {  	v38 =	vadd.f32 $0.0e+00, v38;
	v2 =	vsel vm13, v2, v3;
	v3 =	vadd.f32 v5, v4;
	v4 =	vld [tilespmem:$0x1FB10]  }
0xf6: {  	v10 =	vbroadcast v10, $0xF  }
0xf7: {  	v38 =	vadd.f32 v39, v38;
	v13 =	vbroadcast v13, $0xF  }
0xf8: {  	v48 =	vadd.f32 v62, v48;
	v1 =	vsel vm12, v1, v10  }
0xf9: {  	v15 =	vadd.f32 v51, v38;
	v0 =	vadd.f32 v41, v0;
	v1 =	vsel vm13, v1, v13;
	(xrf2) =	vadd.scan.msk.f32 $0xffff, v16  }
0xfa: {  	v37 =	vadd.f32 v37, v48;
	(xrf2) =	vadd.scan.msk.f32 $0xffff, v43;
	v1 =	vsel vm14, v1, v4;
	v4 =	vld [tilespmem:$0x1FB20]  }
0xfb: {  	v15 =	vadd.f32 v57, v15;
	v59 =	vmul.f32 v54, v40;
	v7 =	vadd.f32 v7, v14;
	(xrf2) =	vadd.scan.msk.f32 $0xffff, v0  }
0xfc: {  	v11 =	vadd.f32 v32, v11;
	(xrf2) =	vadd.scan.msk.f32 $0xffff, v37  }
0xfd: {  	v0 =	vadd.f32 v59, v7;
	(xrf2) =	vadd.scan.msk.f32 $0xffff, v15  }
0xfe: {  	(xrf2) =	vadd.scan.msk.f32 $0xffff, v11  }
0xff: {  	(xrf2) =	vadd.scan.msk.f32 $0xffff, v0;
	v2 =	vsel vm14, v2, v4  }
0x100: {  	v1 =	vmax.f32 v1, $1.000000020e-24;
	(xrf2) =	vadd.scan.msk.f32 $0xffff, v3;
	v3 =	vld [tilespmem:$0x1FB60];
	v2 =	vmax.f32 v2, $1.000000020e-24  }
0x101: {  	v1 =	vmul.f32 v2, v1;
	v2 =	vld [tilespmem:$0x1FB50];
	_ =	sdelay $0x4  }
0x102: {  	v28 =	vadd.f32 $0.0e+00, v56;
	v2 =	vmul.f32 v2, v3;
	v3 =	vld [tilespmem:$0x1FB70];
	_ =	sdelay $0x1  }
0x103: {  	v6 =	vadd.f32 v53, v28;
	v8 =	vld [tilespmem:$0x1FB80]  }
0x104: {  	v5 =	vld [tilespmem:$0x1FB30]  }
0x105: {  	v0 =	vadd.f32 v9, v6;
	v6 =	vld [tilespmem:$0x1FB40]  }
0x106: {  	v3 =	vadd.f32 $0.0e+00, v3  }
0x107: {  	v9 =	vld [tilespmem:$0x1FBA0]  }
0x108: {  	v27 =	vadd.f32 $0.0e+00, v50;
	v3 =	vadd.f32 v8, v3;
	v8 =	vld [tilespmem:$0x1FB90];
	_ =	sdelay $0x1  }
0x109: {  	v4 =	vadd.f32 v31, v27;
	v5 =	vmul.f32 v5, v6;
	_ =	sdelay $0x1  }
0x10a: {  	v4 =	vadd.f32 v5, v4  }
0x10b: {  	v11 =	vld [tilespmem:$0x1FBD0];
	v8 =	vmul.f32 v8, v9  }
0x10c: {  	v2 =	vadd.f32 v2, v4;
	v4 =	vld [tilespmem:$0x1FBB0]  }
0x10d: {  	v3 =	vadd.f32 v8, v3;
	v8 =	vld [tilespmem:$0x1FBC0]  }
0x10e: {  	v13 =	vld [tilespmem:$0x1FC00];
	_ =	sdelay $0x1  }
0x10f: {  	v12 =	vld [tilespmem:$0x1FBF0]  }
0x110: {  	v14 =	vld [tilespmem:$0x1FC20];
	v4 =	vadd.f32 $0.0e+00, v4  }
0x111: {  	v8 =	vmul.f32 v8, v11;
	v11 =	vld [tilespmem:$0x1FBE0]  }
0x112: {  	v4 =	vadd.f32 v13, v4;
	v13 =	vld [tilespmem:$0x1FC10];
	_ =	sdelay $0x3  }
0x113: {  	v11 =	vmul.f32 v11, v12  }
0x114: {  	v13 =	vmul.f32 v13, v14;
	v14 =	vld [tilespmem:$0x1FC40]  }
0x115: {  	v3 =	vadd.f32 v8, v3;
	v8 =	vadd.f32 $0.0e+00, v11;
	v11 =	vld [tilespmem:$0x1FC30]  }
0x116: {  	v0 =	vadd.f32 v47, v0  }
0x117: {  	v15 =	vld [tilespmem:$0x1FC60]  }
0x118: {  	v6, _, _ =	vpop (xrf2);
	v4 =	vadd.f32 v13, v4;
	v13 =	vld [tilespmem:$0x1FC50]  }
0x119: {  	v7, _, _ =	vpop (xrf2);
	v5 =	vshra.s32 v1, $0x1;
	v1 =	vmul.f32 $5.000000000e-01, v1  }
0x11a: {  	(xrf2) =	vadd.scan.msk.f32 $0xffff, v0;
	v0, _, _ =	vpop (xrf2);
	v5 =	vsub.s32 $0x5F3759DF, v5;
	v11 =	vmul.f32 v11, v14  }
0x11b: {  	v16 =	vld [tilespmem:$0x1FC80];
	v10, _, _ =	vpop (xrf2);
	v9 =	vmul.f32 v5, v1  }
0x11c: {  	v12, _, _ =	vpop (xrf2);
	v8 =	vadd.f32 v11, v8;
	v11 =	vld [tilespmem:$0x1FC70]  }
0x11d: {  	(xrf2) =	vadd.scan.msk.f32 $0xffff, v2;
	v9 =	vmul.f32 v5, v9;
	v13 =	vmul.f32 v13, v15;
	v2, _, _ =	vpop (xrf2)  }
0x11e: {  	v14, _, _ =	vpop (xrf2)  }
0x11f: {  	v9 =	vsub.f32 $1.500000000e+00, v9;
	v15, _, _ =	vpop (xrf2);
	(xrf2) =	vadd.scan.msk.f32 $0xffff, v3;
	v3 =	vadd.f32 v13, v4;
	v4 =	vld [tilespmem:$0x1FC90]  }
0x120: {  	v13 =	vld [tilespmem:$0x1FCA0]  }
0x121: {  	v11 =	vmul.f32 v11, v16;
	_ =	sdelay $0x1  }
0x122: {  	v5 =	vmul.f32 v5, v9;
	v9, _, _ =	vpop (xrf2);
	v8 =	vadd.f32 v11, v8  }
0x123: {  	v9 =	vbroadcast v9, $0xF  }
0x124: {  	v4 =	vmul.f32 v4, v13;
	v13 =	vbroadcast v15, $0xF  }
0x125: {  	v2 =	vbroadcast v2, $0xF;
	v11 =	vbroadcast v14, $0xF  }
0x126: {  	(xrf2) =	vadd.scan.msk.f32 $0xffff, v3;
	v3 =	vsel vm0, v13, v9;
	v14 =	vmul.f32 v5, v1;
	v4 =	vadd.f32 v4, v8;
	v8, _, _ =	vpop (xrf2)  }
0x127: {  	v3 =	vsel vm1, v3, v11;
	v8 =	vbroadcast v8, $0xF  }
0x128: {  	v9 =	vmul.f32 v14, v5;
	v2 =	vsel vm2, v3, v2;
	v3 =	vbroadcast v12, $0xF  }
0x129: {  	v2 =	vsel vm3, v2, v8;
	v8 =	vbroadcast v10, $0xF;
	v10, _, _ =	vpop (xrf2)  }
0x12a: {  	v9 =	vsub.f32 $1.500000000e+00, v9;
	v2 =	vsel vm4, v2, v3;
	v3 =	vbroadcast v10, $0xF  }
0x12b: {  	v0 =	vbroadcast v0, $0xF;
	v2 =	vsel vm5, v2, v8  }
0x12c: {  	(xrf2) =	vadd.scan.msk.f32 $0xffff, v4;
	v4 =	vmul.f32 v9, v5;
	v5, _, _ =	vpop (xrf2);
	v2 =	vsel vm6, v2, v3;
	v3 =	vbroadcast v7, $0xF  }
0x12d: {  	v0 =	vsel vm7, v2, v0;
	v2 =	vbroadcast v5, $0xF  }
0x12e: {  	v0 =	vsel vm8, v0, v3  }
0x12f: {  	v0 =	vsel vm9, v0, v2;
	v2 =	vld [tilespmem:$0x1FCB0];
	_ =	sdelay $0x3  }
0x130: {  	v3 =	vbroadcast v6, $0xF  }
0x131: {  	v2 =	vbroadcast v2, $0xF  }
0x132: {  	v0 =	vsel vm10, v0, v3  }
0x133: {  	v0 =	vsel vm11, v0, v2;
	v2 =	vld [tilespmem:$0x1FCC0];
	_ =	sdelay $0x2  }
0x134: {  	v1 =	vmul.f32 v4, v1;
	_ =	sdelay $0x1  }
0x135: {  	v1 =	vmul.f32 v1, v4;
	v5, _, _ =	vpop (xrf2);
	v2 =	vbroadcast v2, $0xF  }
0x136: {  	v3 =	vbroadcast v5, $0xF  }
0x137: {  	v1 =	vsub.f32 $1.500000000e+00, v1  }
0x138: {  	v0 =	vsel vm12, v0, v3;
	v3 =	vld [tilespmem:$0x10400]  }
0x139: {  	v1 =	vmul.f32 v1, v4;
	v0 =	vsel vm13, v0, v2;
	v2, _, _ =	vpop (xrf2)  }
0x13a: {  	v0 =	vsel vm14, v0, v2;
	v2 =	vld [tilespmem:$0x10410]  }
0x13b: {  	v0 =	vmul.f32 v1, v0;
	_ =	sdelay $0x1  }
0x13c: {  	v0 =	vmul.f32 v0, v3;
	_ =	sdelay $0x1  }
0x13d: {  	v0 =	vadd.f32 v0, v2;
	_ =	sdelay $0x1  }
0x13e: {  	v0 =	vsub.f32 $0.0e+00, v0;
	_ =	sdelay $0x1  }
0x13f: {  	v0 =	vmul.f32 $1.442695020e+00, v0;
	_ =	sdelay $0x1  }
0x140: {  	(erf) = vpow2.f32 v0;
	_ =	sdelay $0x8  }
0x141: {  	v0 =	vpop (erf)  }
0x142: {  	v0 =	vadd.f32 $1.000000000e+00, v0;
	_ =	sdelay $0x1  }
0x143: {  	(erf) = vrcp.f32 v0;
	_ =	sdelay $0x8  }
0x144: {  	v0 =	vpop (erf)  }
0x145: {  	s20 =	simm.s32 $0x400;
	[tilespmem:s17+$0x0] =	vst v0  }
0x146: {  	v29 =	vld [tilespmem:s20+$0x87F0]  }
0x147: {  	v28 =	vld [tilespmem:s20+$0x7F0]  }
0x148: {  	v63 =	vld [tilespmem:s20+$0x87E0]  }
0x149: {  	v22 =	vld [tilespmem:s20+$0x7E0]  }
0x14a: {  	v2 =	vld [tilespmem:s20+$0x87B0]  }
0x14b: {  	v3 =	vld [tilespmem:s20+$0x7B0]  }
0x14c: {  	v1 =	vld [tilespmem:s20+$0x87D0]  }
0x14d: {  	v15 =	vld [tilespmem:s20+$0x7D0]  }
0x14e: {  	v0 =	vld [tilespmem:s20+$0x87C0]  }
0x14f: {  	v13 =	vld [tilespmem:s20+$0x7C0]  }
0x150: {  	v31 =	vld [tilespmem:s20+$0x8770]  }
0x151: {  	v62 =	vld [tilespmem:s20+$0x770]  }
0x152: {  	v4 =	vld [tilespmem:s20+$0x87A0]  }
0x153: {  	v5 =	vld [tilespmem:s20+$0x7A0]  }
0x154: {  	v8 =	vld [tilespmem:s20+$0x8730]  }
0x155: {  	v11 =	vld [tilespmem:s20+$0x730]  }
0x156: {  	v54 =	vld [tilespmem:s20+$0x8760]  }
0x157: {  	v55 =	vld [tilespmem:s20+$0x760]  }
0x158: {  	v6 =	vld [tilespmem:s20+$0x8790]  }
0x159: {  	v7 =	vld [tilespmem:s20+$0x790]  }
0x15a: {  	v9 =	vld [tilespmem:s20+$0x8780]  }
0x15b: {  	v10 =	vld [tilespmem:s20+$0x780]  }
0x15c: {  	v12 =	vld [tilespmem:s20+$0x86F0]  }
0x15d: {  	v14 =	vld [tilespmem:s20+$0x6F0]  }
0x15e: {  	v16 =	vld [tilespmem:s20+$0x8720]  }
0x15f: {  	v19 =	vld [tilespmem:s20+$0x720]  }
0x160: {  	v21 =	vld [tilespmem:s20+$0x8750];
	[tilespmem:$0x1FCD0] =	vst v0  }
0x161: {  	v24 =	vld [tilespmem:s20+$0x750];
	[tilespmem:$0x1FCE0] =	vst v1  }
0x162: {  	v34 =	vld [tilespmem:s20+$0x8740];
	v0 =	vmul.f32 v0, v0;
	[tilespmem:$0x1FCF0] =	vst v13  }
0x163: {  	v36 =	vld [tilespmem:s20+$0x86E0];
	v1 =	vmul.f32 v1, v1;
	v13 =	vmul.f32 v13, v13;
	[tilespmem:$0x1FD00] =	vst v15  }
0x164: {  	v50 =	vld [tilespmem:s20+$0x86A0];
	v15 =	vmul.f32 v15, v15;
	[tilespmem:$0x1FD10] =	vst v22;
	v22 =	vmul.f32 v22, v22  }
0x165: {  	v42 =	vld [tilespmem:s20+$0x690];
	v23 =	vmul.f32 v9, v9;
	v25 =	vmul.f32 v6, v6  }
0x166: {  	v48 =	vld [tilespmem:s20+$0x86B0];
	v9 =	vmul.f32 v9, v10;
	v30 =	vmul.f32 v21, v21  }
0x167: {  	v51 =	vld [tilespmem:s20+$0x6A0];
	v56 =	vmul.f32 v8, v11;
	v11 =	vmul.f32 v11, v11  }
0x168: {  	v35 =	vld [tilespmem:s20+$0x740];
	v59 =	vmul.f32 v36, v36;
	v47 =	vmul.f32 v12, v14  }
0x169: {  	v49 =	vld [tilespmem:s20+$0x6B0];
	v21 =	vmul.f32 v21, v24;
	v44 =	vmul.f32 v50, v50  }
0x16a: {  	v37 =	vld [tilespmem:s20+$0x6E0];
	v46 =	vmul.f32 v42, v42;
	v14 =	vmul.f32 v14, v14  }
0x16b: {  	v18 =	vld [tilespmem:s20+$0x8710];
	[tilespmem:$0x1FDB0] =	vst v48;
	v48 =	vmul.f32 v48, v48;
	v0 =	vadd.f32 v1, v0;
	v1 =	vmul.f32 v63, v63  }
0x16c: {  	v26 =	vld [tilespmem:s20+$0x710];
	[tilespmem:$0x1FDA0] =	vst v50;
	v50 =	vmul.f32 v51, v51;
	v20 =	vadd.f32 v15, v13;
	v23 =	vadd.f32 v25, v23  }
0x16d: {  	v17 =	vld [tilespmem:s20+$0x8700];
	v25 =	vmul.f32 v4, v4;
	v0 =	vadd.f32 v1, v0;
	v1 =	vmul.f32 v29, v29  }
0x16e: {  	v27 =	vld [tilespmem:s20+$0x700];
	[tilespmem:$0x1FD30] =	vst v28;
	v20 =	vadd.f32 v22, v20;
	v22 =	vmul.f32 v28, v28;
	v28 =	vmul.f32 v10, v10  }
0x16f: {  	v38 =	vld [tilespmem:s20+$0x86D0];
	[tilespmem:$0x1FD20] =	vst v29;
	v29 =	vmul.f32 v7, v7;
	v10 =	vadd.f32 v25, v23;
	v23 =	vmul.f32 v5, v5  }
0x170: {  	v39 =	vld [tilespmem:s20+$0x6D0];
	v9 =	vadd.f32 $0.0e+00, v9;
	v7 =	vmul.f32 v6, v7;
	v25 =	vmul.f32 v3, v3  }
0x171: {  	v33 =	vld [tilespmem:s20+$0x8690];
	v5 =	vmul.f32 v4, v5;
	v1 =	vadd.f32 v1, v0;
	v0 =	vadd.f32 v22, v20  }
0x172: {  	v40 =	vld [tilespmem:s20+$0x86C0];
	v22 =	vmul.f32 v2, v2;
	v20 =	vadd.f32 v29, v28;
	v29 =	vmul.f32 v34, v34  }
0x173: {  	v41 =	vld [tilespmem:s20+$0x6C0];
	v7 =	vadd.f32 v7, v9;
	v2 =	vmul.f32 v2, v3;
	v3 =	vmul.f32 v35, v35  }
0x174: {  	v32 =	vld [tilespmem:s20+$0x660];
	v6 =	vadd.f32 v22, v10;
	v9 =	vadd.f32 v30, v29;
	v10 =	vmul.f32 v54, v54  }
0x175: {  	v52 =	vld [tilespmem:s20+$0x85F0];
	v5 =	vadd.f32 v5, v7;
	v22 =	vmul.f32 v24, v24;
	v29 =	vmul.f32 v26, v26  }
0x176: {  	v53 =	vld [tilespmem:s20+$0x5F0];
	v28 =	vadd.f32 v23, v20;
	v26 =	vmul.f32 v18, v26;
	v24 =	vmul.f32 v33, v33  }
0x177: {  	v60 =	vld [tilespmem:s20+$0x85B0];
	v9 =	vadd.f32 v10, v9;
	v10 =	vmul.f32 v31, v31;
	v7 =	vadd.f32 v2, v5  }
0x178: {  	v2 =	vmul.f32 v17, v17;
	v5 =	vmul.f32 v18, v18;
	v3 =	vadd.f32 v22, v3;
	v22 =	vld [tilespmem:s20+$0x8680]  }
0x179: {  	[tilespmem:$0x1FD50] =	vst v31;
	v4 =	vadd.f32 v25, v28;
	v28 =	vmul.f32 v55, v55;
	v25 =	vld [tilespmem:s20+$0x680];
	v31 =	vmul.f32 v8, v8  }
0x17a: {  	v61 =	vld [tilespmem:s20+$0x5B0];
	v8 =	vmul.f32 v16, v19;
	v2 =	vadd.f32 v5, v2;
	v5 =	vmul.f32 v16, v16  }
0x17b: {  	v13 =	vld [tilespmem:s20+$0x8670];
	v3 =	vadd.f32 v28, v3;
	v28 =	vmul.f32 v27, v27;
	v27 =	vmul.f32 v17, v27  }
0x17c: {  	v15 =	vld [tilespmem:s20+$0x670];
	(xrf2) =	vadd.scan.msk.f32 $0xffff, v1;
	v9 =	vadd.f32 v10, v9;
	v10 =	vmul.f32 v62, v62;
	v2 =	vadd.f32 v5, v2  }
0x17d: {  	v20 =	vld [tilespmem:s20+$0x8630];
	(xrf2) =	vadd.scan.msk.f32 $0xffff, v0;
	v27 =	vadd.f32 $0.0e+00, v27;
	v28 =	vadd.f32 v29, v28;
	v29 =	vmul.f32 v19, v19  }
0x17e: {  	(xrf2) =	vadd.scan.msk.f32 $0xffff, v6;
	v17 =	vadd.f32 v10, v3;
	v10 =	vld [tilespmem:s20+$0x8650];
	v45 =	vmul.f32 v25, v25;
	v6 =	vmul.f32 v22, v25  }
0x17f: {  	v19 =	vld [tilespmem:s20+$0x650];
	v18 =	vadd.f32 v31, v2;
	v2 =	vadd.f32 v26, v27;
	v26 =	vmul.f32 v40, v40  }
0x180: {  	v23 =	vld [tilespmem:s20+$0x630];
	v16 =	vadd.f32 v29, v28;
	v27 =	vmul.f32 v38, v38;
	v28 =	vmul.f32 v12, v12  }
0x181: {  	v30 =	vld [tilespmem:s20+$0x8660];
	v12 =	vmul.f32 v39, v39;
	v40 =	vmul.f32 v40, v41;
	v57 =	vadd.f32 v8, v2  }
0x182: {  	v29 =	vld [tilespmem:s20+$0x8640];
	[tilespmem:$0x1FE80] =	vst v6;
	v6 =	vmul.f32 v60, v60;
	v58 =	vadd.f32 v27, v26;
	v26 =	vadd.f32 v11, v16  }
0x183: {  	[tilespmem:$0x1FD40] =	vst v54;
	v54 =	vld [tilespmem:s20+$0x85E0];
	v11 =	vmul.f32 v41, v41;
	v40 =	vadd.f32 $0.0e+00, v40;
	v41 =	vmul.f32 v15, v15  }
0x184: {  	[tilespmem:$0x1FD60] =	vst v55;
	v31 =	vld [tilespmem:s20+$0x640];
	v55 =	vmul.f32 v10, v10;
	v10 =	vmul.f32 v10, v19;
	v16 =	vadd.f32 v59, v58  }
0x185: {  	[tilespmem:$0x1FD80] =	vst v21;
	v3 =	vld [tilespmem:s20+$0x8620];
	v27 =	vadd.f32 v56, v57;
	v21 =	vadd.f32 v12, v11;
	v11 =	vmul.f32 v34, v35  }
0x186: {  	[tilespmem:$0x1FDC0] =	vst v51;
	v5 =	vld [tilespmem:s20+$0x620];
	v12 =	vmul.f32 v22, v22;
	v28 =	vadd.f32 v28, v16;
	v16 =	vmul.f32 v37, v37  }
0x187: {  	v35 =	vmul.f32 v36, v37;
	v36 =	vadd.f32 v46, v45;
	v51 =	vmul.f32 v29, v29;
	[tilespmem:$0x1FD90] =	vst v11;
	v11 =	vld [tilespmem:s20+$0x8610]  }
0x188: {  	v58 =	vmul.f32 v49, v49;
	v59 =	vmul.f32 v30, v30;
	v16 =	vadd.f32 v16, v21;
	v21 =	vld [tilespmem:s20+$0x8600]  }
0x189: {  	[tilespmem:$0x1FD70] =	vst v62;
	v25 =	vld [tilespmem:s20+$0x8500];
	v62 =	vmul.f32 v31, v31;
	v24 =	vadd.f32 v24, v12;
	v56 =	vadd.f32 v55, v51  }
0x18a: {  	v12 =	vld [tilespmem:s20+$0x610];
	v36 =	vadd.f32 v50, v36;
	v37 =	vmul.f32 v38, v39;
	v50 =	vmul.f32 v19, v19  }
0x18b: {  	v51 =	vmul.f32 v13, v13;
	v34 =	vadd.f32 v44, v24;
	v24 =	vld [tilespmem:s20+$0x600];
	v38 =	vadd.f32 v59, v56  }
0x18c: {  	v57 =	vld [tilespmem:s20+$0x5E0];
	v45 =	vmul.f32 v3, v3;
	v55 =	vadd.f32 v50, v62;
	v37 =	vadd.f32 v37, v40  }
0x18d: {  	v50 =	vld [tilespmem:s20+$0x85C0];
	v38 =	vadd.f32 v51, v38;
	v51 =	vmul.f32 v11, v11;
	v62 =	vmul.f32 v21, v21  }
0x18e: {  	v30 =	vmul.f32 v30, v32;
	v36 =	vadd.f32 v58, v36;
	v58 =	vmul.f32 v32, v32;
	v56 =	vld [tilespmem:s20+$0x85D0]  }
0x18f: {  	(xrf2) =	vadd.scan.msk.f32 $0xffff, v4;
	v46 =	vld [tilespmem:s20+$0x8580];
	v39 =	vadd.f32 v51, v62;
	v51 =	vmul.f32 v13, v15;
	v13 =	vadd.f32 v35, v37  }
0x190: {  	(xrf2) =	vadd.scan.msk.f32 $0xffff, v7;
	v59 =	vld [tilespmem:s20+$0x5D0];
	v40 =	vadd.f32 v58, v55;
	v55 =	vmul.f32 v24, v24;
	v62 =	vmul.f32 v12, v12  }
0x191: {  	(xrf2) =	vadd.scan.msk.f32 $0xffff, v9;
	v9 =	vmul.f32 v29, v31;
	v32 =	vmul.f32 v54, v54;
	v58 =	vld [tilespmem:s20+$0x5C0];
	v13 =	vadd.f32 v47, v13  }
0x192: {  	[tilespmem:$0x1FDD0] =	vst v49;
	v49 =	vld [tilespmem:s20+$0x5A0];
	v15 =	vadd.f32 v45, v39;
	v37 =	vadd.f32 v62, v55;
	v55 =	vmul.f32 v20, v20  }
0x193: {  	v29 =	vld [tilespmem:s20+$0x8520];
	v62 =	vmul.f32 v56, v56;
	[tilespmem:$0x1FDE0] =	vst v13;
	v13 =	vmul.f32 v50, v50  }
0x194: {  	v44 =	vld [tilespmem:s20+$0x8590];
	[tilespmem:$0x1FE30] =	vst v46;
	v46 =	vmul.f32 v46, v46;
	v39 =	vadd.f32 v55, v15;
	v15 =	vmul.f32 v5, v5  }
0x195: {  	[tilespmem:$0x1FE10] =	vst v52;
	v34 =	vadd.f32 v48, v34;
	v45 =	vld [tilespmem:s20+$0x590];
	v55 =	vmul.f32 v33, v42;
	v13 =	vadd.f32 v62, v13  }
0x196: {  	[tilespmem:$0x1FE50] =	vst v53;
	v47 =	vld [tilespmem:s20+$0x580];
	v33 =	vadd.f32 v15, v37;
	v37 =	vmul.f32 v58, v58;
	v62 =	vmul.f32 v59, v59  }
0x197: {  	[tilespmem:$0x1FE00] =	vst v54;
	v48 =	vld [tilespmem:s20+$0x85A0];
	v15 =	vmul.f32 v20, v23;
	v20 =	vmul.f32 v23, v23;
	v13 =	vadd.f32 v32, v13  }
0x198: {  	(xrf2) =	vadd.scan.msk.f32 $0xffff, v17;
	v54 =	vld [tilespmem:s20+$0x8550];
	v23 =	vadd.f32 v62, v37;
	v32 =	vmul.f32 v52, v52;
	v37 =	vmul.f32 v57, v57  }
0x199: {  	v9 =	vadd.f32 $0.0e+00, v9;
	v35 =	vadd.f32 v41, v40;
	[tilespmem:$0x1FDF0] =	vst v55;
	v55 =	vmovc v59;
	v62 =	vmul.f32 v44, v44;
	v59 =	vld [tilespmem:s20+$0x8540]  }
0x19a: {  	(xrf2) =	vadd.scan.msk.f32 $0xffff, v18;
	v41 =	vld [tilespmem:s20+$0x8560];
	v32 =	vadd.f32 v32, v13;
	v1 =	vadd.f32 v37, v23;
	v13 =	vmul.f32 v53, v53  }
0x19b: {  	v9 =	vadd.f32 v10, v9;
	v40 =	vmul.f32 v45, v45;
	v53 =	vmovc v58;
	v58 =	vld [tilespmem:s20+$0x550];
	v23 =	vmul.f32 v47, v47  }
0x19c: {  	(xrf2) =	vadd.scan.msk.f32 $0xffff, v26;
	v0 =	vadd.f32 v62, v46;
	v62 =	vld [tilespmem:s20+$0x540];
	v22 =	vadd.f32 v13, v1;
	v1 =	vmul.f32 v48, v48  }
0x19d: {  	[tilespmem:$0x1FED0] =	vst v25;
	v43 =	vadd.f32 v14, v16;
	v42 =	vld [tilespmem:s20+$0x560];
	v4 =	vadd.f32 v40, v23;
	v13 =	vmul.f32 v49, v49  }
0x19e: {  	(xrf2) =	vadd.scan.msk.f32 $0xffff, v27;
	v14 =	vld [tilespmem:s20+$0x8570];
	v7 =	vmul.f32 v54, v54;
	v0 =	vadd.f32 v1, v0;
	v1 =	vmul.f32 v59, v59  }
0x19f: {  	[tilespmem:$0x1FE20] =	vst v57;
	v10 =	vmul.f32 v25, v25;
	v23 =	vld [tilespmem:s20+$0x8510];
	v4 =	vadd.f32 v13, v4;
	v13 =	vmul.f32 v61, v61  }
0x1a0: {  	v2 =	vld [tilespmem:s20+$0x8530];
	[tilespmem:$0x1FF00] =	vst v29;
	v17 =	vadd.f32 v6, v0;
	v1 =	vadd.f32 v7, v1;
	v6 =	vmul.f32 v41, v41  }
0x1a1: {  	v16 =	vld [tilespmem:s20+$0x570];
	[tilespmem:$0x1FE40] =	vst v44;
	v18 =	vadd.f32 v13, v4;
	v4 =	vmul.f32 v62, v62;
	v7 =	vmul.f32 v58, v58  }
0x1a2: {  	(xrf2) =	vadd.scan.msk.f32 $0xffff, v28;
	v25 =	vmul.f32 v3, v5;
	[tilespmem:$0x1FEA0] =	vst v41;
	v19 =	vmul.f32 v42, v42;
	v0 =	vld [tilespmem:s20+$0x510]  }
0x1a3: {  	[tilespmem:$0x1FE60] =	vst v47;
	v13 =	vmul.f32 v14, v14;
	v6 =	vadd.f32 v6, v1;
	v1 =	vld [tilespmem:s20+$0x500];
	v7 =	vadd.f32 v7, v4  }
0x1a4: {  	v8 =	vld [tilespmem:s20+$0x530];
	v27 =	vadd.f32 v30, v9;
	(xrf2) =	vadd.scan.msk.f32 $0xffff, v43;
	[tilespmem:$0x1FEE0] =	vst v23;
	v23 =	vmul.f32 v23, v23  }
0x1a5: {  	v21 =	vmul.f32 v21, v24;
	[tilespmem:$0x1FE70] =	vst v45;
	v41 =	vld [tilespmem:s20+$0x520];
	v4, _, _ =	vpop (xrf2);
	v26 =	vadd.f32 v13, v6;
	v6 =	vadd.f32 v19, v7  }
0x1a6: {  	v52 =	vmov v50;
	v50 =	vmov v56;
	v10 =	vadd.f32 v23, v10;
	v7 =	vld [tilespmem:s20+$0x84C0];
	v3, _, _ =	vpop (xrf2);
	(xrf2) =	vadd.scan.msk.f32 $0xffff, v34  }
0x1a7: {  	v23 =	vmul.f32 v29, v29;
	v13 =	vmul.f32 v16, v16;
	[tilespmem:$0x1FEC0] =	vst v4;
	v4 =	vld [tilespmem:s20+$0x84D0];
	v19, _, _ =	vpop (xrf2);
	(xrf2) =	vadd.scan.msk.f32 $0xffff, v36  }
0x1a8: {  	v9 =	vld [tilespmem:s20+$0x4D0];
	v20 =	vadd.f32 v20, v33;
	v30 =	vmul.f32 v0, v0;
	v28, _, _ =	vpop (xrf2);
	v29 =	vmul.f32 v1, v1;
	(xrf2) =	vadd.scan.msk.f32 $0xffff, v38  }
0x1a9: {  	v56 =	vmov v2;
	v10 =	vadd.f32 v23, v10;
	v31 =	vadd.f32 v13, v6;
	v13 =	vld [tilespmem:s20+$0x4C0];
	v6, _, _ =	vpop (xrf2);
	(xrf2) =	vadd.scan.msk.f32 $0xffff, v35  }
0x1aa: {  	v23 =	vadd.f32 v30, v29;
	v24, _, _ =	vpop (xrf2);
	v29 =	vmul.f32 v2, v2;
	(xrf2) =	vadd.scan.msk.f32 $0xffff, v39;
	v2 =	vadd.f32 v51, v27  }
0x1ab: {  	v5 =	vld [tilespmem:s20+$0x84E0];
	[tilespmem:$0x1FEB0] =	vst v42;
	v46 =	vmul.f32 v11, v12;
	v30 =	vmul.f32 v41, v41;
	v27, _, _ =	vpop (xrf2);
	(xrf2) =	vadd.scan.msk.f32 $0xffff, v20  }
0x1ac: {  	v37 =	vld [tilespmem:s20+$0x84F0];
	[tilespmem:$0x1FEF0] =	vst v3;
	v42 =	vmul.f32 v7, v7;
	v43 =	vmul.f32 v4, v4;
	v45, _, _ =	vpop (xrf2);
	(xrf2) =	vadd.scan.msk.f32 $0xffff, v32  }
0x1ad: {  	v11 =	vld [tilespmem:s20+$0x8490];
	v20 =	vadd.f32 v30, v23;
	v23 =	vmul.f32 v8, v8;
	v30 =	vmul.f32 v14, v16;
	v47, _, _ =	vpop (xrf2);
	(xrf2) =	vadd.scan.msk.f32 $0xffff, v22  }
0x1ae: {  	v40 =	vld [tilespmem:s20+$0x4F0];
	[tilespmem:$0x1FF20] =	vst v2;
	v16 =	vmul.f32 v13, v13;
	v2, _, _ =	vpop (xrf2);
	(xrf2) =	vadd.scan.msk.f32 $0xffff, v17;
	v17 =	vmul.f32 v9, v9  }
0x1af: {  	v57 =	vmovc v8;
	[tilespmem:$0x1FF10] =	vst v6;
	v29 =	vadd.f32 v29, v10;
	v10 =	vld [tilespmem:s20+$0x4E0];
	v14 =	vbroadcast v19, $0xF;
	v22 =	vadd.f32 v23, v20  }
0x1b0: {  	v20 =	vld [tilespmem:s20+$0x8480];
	v8, _, _ =	vpop (xrf2);
	(xrf2) =	vadd.scan.msk.f32 $0xffff, v18;
	v18 =	vadd.f32 $0.0e+00, v21;
	v16 =	vadd.f32 v17, v16;
	v17 =	vbroadcast v24, $0xF  }
0x1b1: {  	v3 =	vld [tilespmem:s20+$0x84B0];
	v51 =	vmul.f32 v5, v5;
	v12 =	vadd.f32 v43, v42;
	[tilespmem:$0x1FF40] =	vst v14  }
0x1b2: {  	v36 =	vld [tilespmem:s20+$0x8420];
	[tilespmem:$0x1FF30] =	vst v2;
	v19, _, _ =	vpop (xrf2);
	(xrf2) =	vadd.scan.msk.f32 $0xffff, v26;
	v26 =	vadd.f32 v46, v18;
	v18 =	vbroadcast v27, $0xF  }
0x1b3: {  	v6 =	vld [tilespmem:s20+$0x4B0];
	v14 =	vbroadcast v28, $0xF;
	v2 =	vadd.f32 v51, v12;
	[tilespmem:$0x1FF60] =	vst v17  }
0x1b4: {  	v28 =	vld [tilespmem:s20+$0x480];
	v21 =	vmul.f32 v37, v37;
	[tilespmem:$0x1FF70] =	vst v18;
	v18 =	vmul.f32 v10, v10;
	v17, _, _ =	vpop (xrf2);
	(xrf2) =	vadd.scan.msk.f32 $0xffff, v31  }
0x1b5: {  	v44 =	vmov v61;
	v23 =	vld [tilespmem:s20+$0x490];
	v27 =	vmul.f32 v20, v20;
	v31, _, _ =	vpop (xrf2);
	(xrf2) =	vadd.scan.msk.f32 $0xffff, v29;
	v29 =	vmul.f32 v11, v11  }
0x1b6: {  	v61 =	vmovc v41;
	[tilespmem:$0x1FF50] =	vst v14;
	v14 =	vld [tilespmem:s20+$0x84A0];
	v21 =	vadd.f32 v21, v2;
	v19 =	vbroadcast v19, $0xF;
	v16 =	vadd.f32 v18, v16  }
0x1b7: {  	[tilespmem:$0x1FE90] =	vst v54;
	v32 =	vld [tilespmem:s20+$0x4A0];
	v18 =	vbroadcast v45, $0xF;
	v2, _, _ =	vpop (xrf2);
	v29 =	vadd.f32 v29, v27;
	v27 =	vmul.f32 v40, v40  }
0x1b8: {  	v12 =	vld [tilespmem:s20+$0x8430];
	v8 =	vbroadcast v8, $0xF;
	[tilespmem:$0x1FFB0] =	vst v19;
	v17 =	vbroadcast v17, $0xF;
	(xrf2) =	vadd.scan.msk.f32 $0xffff, v22;
	v22, _, _ =	vpop (xrf2)  }
0x1b9: {  	v25 =	vadd.f32 v25, v26;
	v19 =	vld [tilespmem:s20+$0x8400];
	v42 =	vmul.f32 v28, v28;
	[tilespmem:$0x1FF80] =	vst v18;
	v18 =	vbroadcast v47, $0xF;
	v35, _, _ =	vpop (xrf2)  }
0x1ba: {  	v24 =	vld [tilespmem:s20+$0x430];
	[tilespmem:$0x1FFC0] =	vst v17;
	v17 =	vbroadcast v31, $0xF;
	v26, _, _ =	vpop (xrf2);
	v38 =	vadd.f32 v27, v16;
	v16 =	vmul.f32 v23, v23  }
0x1bb: {  	v34 =	vmul.f32 v60, v44;
	v54 =	vmul.f32 v14, v14;
	v25 =	vadd.f32 v15, v25;
	[tilespmem:$0x1FF90] =	vst v18;
	v18 =	vld [tilespmem:s20+$0x8410];
	v27, _, _ =	vpop (xrf2)  }
0x1bc: {  	v15 =	vmul.f32 v32, v32;
	v2 =	vbroadcast v2, $0xF;
	[tilespmem:$0x1FFD0] =	vst v17;
	v17 =	vld [tilespmem:s20+$0x410];
	v39 =	vadd.f32 v16, v42;
	v33, _, _ =	vpop (xrf2)  }
0x1bd: {  	[tilespmem:$0x1FFA0] =	vst v8;
	v8 =	vmov v40;
	v31 =	vmul.f32 v3, v3;
	v43 =	vadd.f32 v54, v29;
	v16 =	vld [tilespmem:s20+$0x400];
	v29, _, _ =	vpop (xrf2)  }
0x1be: {  	v47 =	vmul.f32 v6, v6;
	v40 =	vmul.f32 v19, v19;
	[tilespmem:$0x1FFE0] =	vst v2;
	v54 =	vld [tilespmem:s20+$0x420];
	v39 =	vadd.f32 v15, v39;
	v45, _, _ =	vpop (xrf2)  }
0x1bf: {  	v2 =	vbroadcast v22, $0xF;
	v26 =	vbroadcast v26, $0xF;
	v22 =	vadd.f32 v31, v43;
	v31 =	vld [tilespmem:s20+$0x8450];
	v51, _, _ =	vpop (xrf2);
	(xrf2) =	vadd.scan.msk.f32 $0xffff, v21  }
0x1c0: {  	v60 =	vmov v37;
	v15 =	vbroadcast v35, $0xF;
	v35 =	vld [tilespmem:s20+$0x8460];
	v46 =	vmul.f32 v18, v18;
	v37, _, _ =	vpop (xrf2)  }
0x1c1: {  	[tilespmem:$0x1FFF0] =	vst v2;
	v44 =	vmul.f32 v17, v17;
	v21 =	vld [tilespmem:s20+$0x8440];
	v42 =	vadd.f32 v47, v39;
	(xrf2) =	vadd.scan.msk.f32 $0xffff, v38;
	v38, _, _ =	vpop (xrf2)  }
0x1c2: {  	s21 =	simm.s32 $0x2000;
	s19 =	simm.s32 $0x10420;
	v41 =	vadd.f32 v46, v40;
	v40 =	vmul.f32 v36, v36;
	v43 =	vmul.f32 v16, v16;
	(xrf2) =	vadd.scan.msk.f32 $0xffff, v22;
	v22 =	vld [tilespmem:s20+$0x450];
	v39, _, _ =	vpop (xrf2)  }
.LBB2_2:
0x1c3: {  	_ = 	snop  }
0x1c4: {  	[tilespmem:$0x1F8B0] =	vst v63;
	v2 =	vmul.f32 v48, v49;
	v63 =	vadd.f32 v40, v41;
	v41 =	vld [tilespmem:s20+$0x440];
	v46 =	vmul.f32 v12, v12  }
0x1c5: {  	v47 =	vld [tilespmem:s20+$0x8470];
	v43 =	vadd.f32 v44, v43;
	v40 =	vmul.f32 v50, v55;
	v44 =	vmul.f32 v54, v54  }
0x1c6: {  	v48 =	vld [tilespmem:s20+$0x460];
	(xrf2) =	vadd.scan.msk.f32 $0xffff, v42;
	v55 =	vmul.f32 v31, v31;
	v42 =	vadd.f32 v46, v63;
	v46 =	vmul.f32 v21, v21  }
0x1c7: {  	v52 =	vmul.f32 v52, v53;
	v50 =	vmul.f32 v24, v24;
	v44 =	vadd.f32 v44, v43  }
0x1c8: {  	v43 =	vbroadcast v27, $0xF;
	v27 =	vadd.f32 v55, v46;
	v46 =	vmul.f32 v35, v35  }
0x1c9: {  	v49, _, _ =	vpop (xrf2);
	v63 =	vld [tilespmem:s20+$0x470];
	(xrf2) =	vadd.scan.msk.f32 $0xffff, v42;
	v42 =	vadd.f32 v50, v44;
	v44 =	vmul.f32 v41, v41;
	v50 =	vmul.f32 v22, v22  }
0x1ca: {  	v59 =	vmul.f32 v59, v62;
	v55 =	vmul.f32 v47, v47  }
0x1cb: {  	v62 =	vld [tilespmem:$0x1FEB0];
	v46 =	vadd.f32 v46, v27;
	v44 =	vadd.f32 v50, v44;
	v50 =	vmul.f32 v48, v48  }
0x1cc: {  	v27 =	vadd.f32 $0.0e+00, v52;
	v52 =	vbroadcast v33, $0xF;
	v33 =	vmul.f32 v56, v57;
	v57 =	vld [tilespmem:$0x1FE60]  }
0x1cd: {  	v56 =	vld [tilespmem:$0x1FEA0]  }
0x1ce: {  	v53, _, _ =	vpop (xrf2);
	(xrf2) =	vadd.scan.msk.f32 $0xffff, v42;
	v42 =	vadd.f32 v55, v46;
	v46 =	vld [tilespmem:$0x1FE30];
	v44 =	vadd.f32 v50, v44;
	v50 =	vmul.f32 v63, v63;
	_ =	sdelay $0x1  }
0x1cf: {  	v55, _, _ =	vpop (xrf2);
	(xrf2) =	vadd.scan.msk.f32 $0xffff, v42;
	v42 =	vadd.f32 v50, v44;
	v44 =	vadd.f32 $0.0e+00, v59;
	v59 =	vld [tilespmem:$0x1FE90];
	_ =	sdelay $0x1  }
0x1d0: {  	v62 =	vmul.f32 v56, v62;
	v56 =	vld [tilespmem:$0x1FE40]  }
0x1d1: {  	v46 =	vmul.f32 v46, v57;
	v57 =	vld [tilespmem:$0x1FE70];
	_ =	sdelay $0x1  }
0x1d2: {  	v50 =	vmul.f32 v59, v58;
	v59 =	vmul.f32 v60, v8;
	v8 =	vld [tilespmem:$0x1FF00];
	_ =	sdelay $0x2  }
0x1d3: {  	v46 =	vadd.f32 $0.0e+00, v46;
	v56 =	vmul.f32 v56, v57  }
0x1d4: {  	v44 =	vadd.f32 v50, v44  }
0x1d5: {  	v57 =	vadd.f32 v56, v46;
	v56 =	vbroadcast v29, $0xF;
	v29 =	vmul.f32 v8, v61;
	v8 =	vld [tilespmem:$0x1FEE0];
	_ =	sdelay $0x1  }
0x1d6: {  	v3 =	vmul.f32 v3, v6;
	v58, _, _ =	vpop (xrf2);
	(xrf2) =	vadd.scan.msk.f32 $0xffff, v42;
	v6 =	vadd.f32 v62, v44  }
0x1d7: {  	v2 =	vadd.f32 v2, v57  }
0x1d8: {  	v5 =	vmul.f32 v5, v10;
	v6 =	vadd.f32 v30, v6;
	v30 =	vld [tilespmem:$0x1FDE0]  }
0x1d9: {  	v7 =	vmul.f32 v7, v13;
	v10 =	vmul.f32 v8, v0;
	v0 =	vadd.f32 v34, v2;
	v2 =	vld [tilespmem:$0x1FED0];
	_ =	sdelay $0x1  }
0x1da: {  	v4 =	vmul.f32 v4, v9;
	v20 =	vmul.f32 v20, v28;
	v8 =	vadd.f32 $0.0e+00, v7  }
0x1db: {  	v45 =	vbroadcast v45, $0xF;
	v9 =	vbroadcast v39, $0xF  }
0x1dc: {  	v11 =	vmul.f32 v11, v23;
	v44 =	vadd.f32 $0.0e+00, v20;
	v61, _, _ =	vpop (xrf2);
	v4 =	vadd.f32 v4, v8;
	v8 =	vld [tilespmem:$0x1FF20]  }
0x1dd: {  	v12 =	vmul.f32 v12, v24;
	v13, _, _ =	vpop (xrf2);
	(xrf2) =	vadd.scan.msk.f32 $0xffff, v30;
	v1 =	vmul.f32 v2, v1  }
0x1de: {  	v20 =	vbroadcast v49, $0xF;
	v11 =	vadd.f32 v11, v44;
	v13 =	vbroadcast v13, $0xF;
	v7, _, _ =	vpop (xrf2)  }
0x1df: {  	v30 =	vbroadcast v61, $0xF;
	v24 =	vadd.f32 $0.0e+00, v1;
	v1 =	vmul.f32 v14, v32;
	v14, _, _ =	vpop (xrf2)  }
0x1e0: {  	v7 =	vbroadcast v7, $0xF;
	v14 =	vbroadcast v14, $0xF  }
0x1e1: {  	v4 =	vadd.f32 v5, v4;
	(xrf2) =	vadd.scan.msk.f32 $0xffff, v8;
	v1 =	vadd.f32 v1, v11;
	v11 =	vbroadcast v58, $0xF  }
0x1e2: {  	v5 =	vbroadcast v53, $0xF;
	(xrf2) =	vadd.scan.msk.f32 $0xffff, v25;
	v25 =	vbroadcast v55, $0xF;
	v13 =	vsel vm0, v13, v14  }
0x1e3: {  	v7 =	vsel vm0, v30, v7;
	v3 =	vadd.f32 v3, v1;
	v1 =	vsel vm1, v13, v11  }
0x1e4: {  	v37 =	vbroadcast v37, $0xF;
	v7 =	vsel vm1, v7, v25;
	v1 =	vsel vm2, v1, v5  }
0x1e5: {  	v5 =	vsel vm2, v7, v20;
	v7 =	vmul.f32 v19, v16;
	v9 =	vsel vm3, v1, v9  }
0x1e6: {  	(xrf2) =	vadd.scan.msk.f32 $0xffff, v0;
	v8 =	vsel vm4, v9, v37  }
0x1e7: {  	v0, _, _ =	vpop (xrf2);
	(xrf2) =	vadd.scan.msk.f32 $0xffff, v6;
	v6 =	vadd.f32 $0.0e+00, v7;
	v7 =	vsel vm5, v8, v45;
	v8 =	vld [tilespmem:$0x1FFF0];
	_ =	sdelay $0x1  }
0x1e8: {  	v60 =	vbroadcast v51, $0xF;
	v2 =	vbroadcast v38, $0xF  }
0x1e9: {  	v4 =	vadd.f32 v59, v4;
	v9 =	vmul.f32 v21, v41;
	v7 =	vsel vm6, v7, v52  }
0x1ea: {  	v11 =	vmul.f32 v18, v17;
	v2 =	vsel vm3, v5, v2;
	v7 =	vsel vm7, v7, v26  }
0x1eb: {  	v5 =	vmul.f32 v31, v22;
	v1, _, _ =	vpop (xrf2);
	(xrf2) =	vadd.scan.msk.f32 $0xffff, v4;
	v4 =	vadd.f32 $0.0e+00, v9;
	v7 =	vsel vm8, v7, v8;
	v8 =	vld [tilespmem:$0x1FFE0]  }
0x1ec: {  	v23 =	vmul.f32 v36, v54;
	v2 =	vsel vm4, v2, v60;
	v6 =	vadd.f32 v11, v6;
	v9 =	vld [tilespmem:$0x1FFD0]  }
0x1ed: {  	v2 =	vsel vm5, v2, v56;
	v4 =	vadd.f32 v5, v4;
	v5 =	vld [tilespmem:$0x1FFB0]  }
0x1ee: {  	v2 =	vsel vm6, v2, v43;
	v6 =	vadd.f32 v23, v6  }
0x1ef: {  	v2 =	vsel vm7, v2, v15  }
0x1f0: {  	v2 =	vsel vm8, v2, v8;
	v8, _, _ =	vpop (xrf2);
	(xrf2) =	vadd.scan.msk.f32 $0xffff, v3;
	v3 =	vadd.f32 v12, v6;
	v6 =	vld [tilespmem:$0x1FF90]  }
0x1f1: {  	v7 =	vsel vm9, v7, v9;
	v9 =	vld [tilespmem:$0x1FFC0]  }
0x1f2: {  	v5 =	vsel vm10, v7, v5;
	v7 =	vld [tilespmem:$0x1FFA0];
	_ =	sdelay $0x2  }
0x1f3: {  	v5 =	vsel vm11, v5, v6;
	v6 =	vld [tilespmem:$0x1FF80]  }
0x1f4: {  	v28 =	vmul.f32 v47, v63;
	v47 =	vmul.f32 v35, v48;
	v2 =	vsel vm9, v2, v9  }
0x1f5: {  	v2 =	vsel vm10, v2, v7;
	v7 =	vld [tilespmem:$0x1FF70]  }
0x1f6: {  	v4 =	vadd.f32 v47, v4  }
0x1f7: {  	v9 =	vld [tilespmem:$0x1FF50]  }
0x1f8: {  	v2 =	vsel vm11, v2, v6;
	v6, _, _ =	vpop (xrf2);
	(xrf2) =	vadd.scan.msk.f32 $0xffff, v3;
	v3 =	vadd.f32 v28, v4;
	v4 =	vld [tilespmem:$0x1FEF0];
	_ =	sdelay $0x1  }
0x1f9: {  	v5 =	vsel vm12, v5, v7;
	v7 =	vld [tilespmem:$0x1FF60];
	_ =	sdelay $0x1  }
0x1fa: {  	v5 =	vsel vm13, v5, v9;
	v9 =	vld [tilespmem:$0x1FF40]  }
0x1fb: {  	v4 =	vsel vm14, v5, v4;
	v5 =	vld [tilespmem:$0x1FEC0];
	_ =	sdelay $0x1  }
0x1fc: {  	v2 =	vsel vm12, v2, v7;
	v7 =	vadd.f32 v10, v24;
	_ =	sdelay $0x1  }
0x1fd: {  	v2 =	vsel vm13, v2, v9;
	v7 =	vadd.f32 v29, v7  }
0x1fe: {  	v2 =	vsel vm14, v2, v5  }
0x1ff: {  	v4 =	vmax.f32 v4, $1.000000020e-24;
	v5, _, _ =	vpop (xrf2);
	(xrf2) =	vadd.scan.msk.f32 $0xffff, v3;
	v3 =	vadd.f32 v33, v7;
	v7 =	vld [tilespmem:$0x1FE50];
	v2 =	vmax.f32 v2, $1.000000020e-24  }
0x200: {  	v2 =	vmul.f32 v2, v4;
	v4 =	vld [tilespmem:$0x1FE10];
	_ =	sdelay $0x4  }
0x201: {  	v4 =	vmul.f32 v4, v7;
	v7 =	vld [tilespmem:$0x1FE80];
	_ =	sdelay $0x1  }
0x202: {  	v12 =	vld [tilespmem:$0x1FDF0];
	_ =	sdelay $0x2  }
0x203: {  	v7 =	vadd.f32 $0.0e+00, v7  }
0x204: {  	v13 =	vld [tilespmem:$0x1FDC0]  }
0x205: {  	v7 =	vadd.f32 v12, v7;
	v12 =	vld [tilespmem:$0x1FDA0];
	_ =	sdelay $0x3  }
0x206: {  	v14 =	vld [tilespmem:$0x1FDD0]  }
0x207: {  	v11 =	vld [tilespmem:$0x1FE20];
	v12 =	vmul.f32 v12, v13  }
0x208: {  	v10 =	vld [tilespmem:$0x1FE00]  }
0x209: {  	v7 =	vadd.f32 v12, v7;
	v12 =	vld [tilespmem:$0x1FDB0];
	_ =	sdelay $0x3  }
0x20a: {  	v15 =	vld [tilespmem:$0x1FCF0];
	v9 =	vadd.f32 v40, v27;
	v10 =	vmul.f32 v10, v11  }
0x20b: {  	v12 =	vmul.f32 v12, v14;
	v14 =	vld [tilespmem:$0x1FCD0]  }
0x20c: {  	v9 =	vadd.f32 v10, v9;
	_ =	sdelay $0x1  }
0x20d: {  	v11, _, _ =	vpop (xrf2);
	(xrf2) =	vadd.scan.msk.f32 $0xffff, v3;
	v3 =	vadd.f32 v4, v9;
	v4 =	vld [tilespmem:$0x1FD90];
	_ =	sdelay $0x1  }
0x20e: {  	v14 =	vmul.f32 v14, v15;
	v15 =	vld [tilespmem:$0x1FD80];
	_ =	sdelay $0x2  }
0x20f: {  	v4 =	vadd.f32 $0.0e+00, v4  }
0x210: {  	v16 =	vld [tilespmem:$0x1FD60]  }
0x211: {  	v4 =	vadd.f32 v15, v4;
	v15 =	vld [tilespmem:$0x1FD40];
	_ =	sdelay $0x3  }
0x212: {  	v13, _, _ =	vpop (xrf2);
	(xrf2) =	vadd.scan.msk.f32 $0xffff, v3;
	v3 =	vadd.f32 v12, v7;
	v12 =	vld [tilespmem:$0x1FCE0]  }
0x213: {  	v7 =	vadd.f32 $0.0e+00, v14;
	v14 =	vld [tilespmem:$0x1FD00];
	v15 =	vmul.f32 v15, v16  }
0x214: {  	v16 =	vld [tilespmem:$0x1FD70]  }
0x215: {  	v4 =	vadd.f32 v15, v4;
	v15 =	vld [tilespmem:$0x1FD50];
	_ =	sdelay $0x2  }
0x216: {  	v10 =	vshra.s32 v2, $0x1;
	v2 =	vmul.f32 $5.000000000e-01, v2;
	v12 =	vmul.f32 v12, v14  }
0x217: {  	v10 =	vsub.s32 $0x5F3759DF, v10  }
0x218: {  	v9 =	vmul.f32 v10, v2;
	v7 =	vadd.f32 v12, v7;
	v12 =	vld [tilespmem:$0x1FD10];
	v15 =	vmul.f32 v15, v16  }
0x219: {  	v16 =	vld [tilespmem:$0x1F8B0]  }
0x21a: {  	v9 =	vmul.f32 v10, v9;
	v14, _, _ =	vpop (xrf2);
	(xrf2) =	vadd.scan.msk.f32 $0xffff, v3;
	v3 =	vadd.f32 v15, v4;
	v4 =	vld [tilespmem:$0x1FD30]  }
0x21b: {  	v15 =	vld [tilespmem:$0x1FD20]  }
0x21c: {  	v9 =	vsub.f32 $1.500000000e+00, v9;
	_ =	sdelay $0x1  }
0x21d: {  	v9 =	vmul.f32 v10, v9;
	v10, _, _ =	vpop (xrf2);
	v12 =	vmul.f32 v16, v12  }
0x21e: {  	v14 =	vbroadcast v14, $0xF;
	v10 =	vbroadcast v10, $0xF  }
0x21f: {  	v4 =	vmul.f32 v15, v4;
	v15 =	vadd.f32 v12, v7;
	v12 =	vbroadcast v13, $0xF  }
0x220: {  	(xrf2) =	vadd.scan.msk.f32 $0xffff, v3;
	v3 =	vsel vm0, v14, v10;
	v14 =	vbroadcast v11, $0xF;
	v7, _, _ =	vpop (xrf2)  }
0x221: {  	v7 =	vbroadcast v7, $0xF;
	v3 =	vsel vm1, v3, v12  }
0x222: {  	v5 =	vbroadcast v5, $0xF;
	v3 =	vsel vm2, v3, v14  }
0x223: {  	v6 =	vbroadcast v6, $0xF;
	v10, _, _ =	vpop (xrf2);
	v3 =	vsel vm3, v3, v7  }
0x224: {  	v10 =	vbroadcast v10, $0xF;
	v3 =	vsel vm4, v3, v5  }
0x225: {  	v5 =	vbroadcast v8, $0xF;
	v3 =	vsel vm5, v3, v6  }
0x226: {  	v1 =	vbroadcast v1, $0xF;
	v4 =	vadd.f32 v4, v15;
	v3 =	vsel vm6, v3, v10  }
0x227: {  	v3 =	vsel vm7, v3, v5  }
0x228: {  	v13 =	vmul.f32 v9, v2;
	v1 =	vsel vm8, v3, v1;
	v3 =	vld [tilespmem:$0x1FF30];
	_ =	sdelay $0x1  }
0x229: {  	v11 =	vmul.f32 v13, v9;
	(xrf2) =	vadd.scan.msk.f32 $0xffff, v4;
	v4, _, _ =	vpop (xrf2)  }
0x22a: {  	v5 =	vbroadcast v4, $0xF  }
0x22b: {  	v0 =	vbroadcast v0, $0xF;
	v7 =	vsub.f32 $1.500000000e+00, v11  }
0x22c: {  	v1 =	vsel vm9, v1, v5;
	v3 =	vbroadcast v3, $0xF  }
0x22d: {  	v6 =	vmul.f32 v7, v9;
	v0 =	vsel vm10, v1, v0  }
0x22e: {  	v0 =	vsel vm11, v0, v3;
	v3 =	vld [tilespmem:$0x1FF10]  }
0x22f: {  	v2 =	vmul.f32 v6, v2;
	_ =	sdelay $0x1  }
0x230: {  	v4, _, _ =	vpop (xrf2);
	v2 =	vmul.f32 v2, v6  }
0x231: {  	v1 =	vbroadcast v4, $0xF  }
0x232: {  	v2 =	vsub.f32 $1.500000000e+00, v2;
	v4 =	vbroadcast v3, $0xF  }
0x233: {  	v0 =	vsel vm12, v0, v1;
	v1 =	vld [tilespmem:$0x10400]  }
0x234: {  	v2 =	vmul.f32 v2, v6;
	v3, _, _ =	vpop (xrf2);
	v0 =	vsel vm13, v0, v4  }
0x235: {  	v0 =	vsel vm14, v0, v3;
	v3 =	vld [tilespmem:$0x10410]  }
0x236: {  	v0 =	vmul.f32 v2, v0;
	_ =	sdelay $0x1  }
0x237: {  	v0 =	vmul.f32 v0, v1;
	_ =	sdelay $0x1  }
0x238: {  	v0 =	vadd.f32 v0, v3;
	_ =	sdelay $0x1  }
0x239: {  	v0 =	vsub.f32 $0.0e+00, v0;
	_ =	sdelay $0x1  }
0x23a: {  	v0 =	vmul.f32 $1.442695020e+00, v0;
	_ =	sdelay $0x1  }
0x23b: {  	(erf) = vpow2.f32 v0;
	_ =	sdelay $0x8  }
0x23c: {  	v0 =	vpop (erf)  }
0x23d: {  	v0 =	vadd.f32 $1.000000000e+00, v0;
	_ =	sdelay $0x1  }
0x23e: {  	(erf) = vrcp.f32 v0;
	_ =	sdelay $0x8  }
0x23f: {  	s19 =	sadd.s32 $0x10, s19;
	v0 =	vpop (erf)  }
0x240: {  	s20 =	sshra.s32 s21, $0x2;
	[tilespmem:s19+$0x0] =	vst v0  }
0x241: {  	v25 =	vld [tilespmem:s20+$0x87F0]  }
0x242: {  	v26 =	vld [tilespmem:s20+$0x7F0]  }
0x243: {  	v63 =	vld [tilespmem:s20+$0x87E0]  }
0x244: {  	v19 =	vld [tilespmem:s20+$0x7E0]  }
0x245: {  	v0 =	vld [tilespmem:s20+$0x87B0]  }
0x246: {  	v1 =	vld [tilespmem:s20+$0x7B0]  }
0x247: {  	v12 =	vld [tilespmem:s20+$0x87D0]  }
0x248: {  	v18 =	vld [tilespmem:s20+$0x7D0]  }
0x249: {  	v7 =	vld [tilespmem:s20+$0x87C0]  }
0x24a: {  	v13 =	vld [tilespmem:s20+$0x7C0]  }
0x24b: {  	v48 =	vld [tilespmem:s20+$0x8770]  }
0x24c: {  	v49 =	vld [tilespmem:s20+$0x770]  }
0x24d: {  	v2 =	vld [tilespmem:s20+$0x87A0]  }
0x24e: {  	v3 =	vld [tilespmem:s20+$0x7A0]  }
0x24f: {  	v10 =	vld [tilespmem:s20+$0x8730]  }
0x250: {  	v15 =	vld [tilespmem:s20+$0x730]  }
0x251: {  	v50 =	vld [tilespmem:s20+$0x8760]  }
0x252: {  	v51 =	vld [tilespmem:s20+$0x760]  }
0x253: {  	v4 =	vld [tilespmem:s20+$0x8790]  }
0x254: {  	v5 =	vld [tilespmem:s20+$0x790]  }
0x255: {  	v6 =	vld [tilespmem:s20+$0x8780]  }
0x256: {  	v9 =	vld [tilespmem:s20+$0x780]  }
0x257: {  	v16 =	vld [tilespmem:s20+$0x86F0]  }
0x258: {  	v8 =	vld [tilespmem:s20+$0x6F0]  }
0x259: {  	v20 =	vld [tilespmem:s20+$0x8720]  }
0x25a: {  	v23 =	vld [tilespmem:s20+$0x720]  }
0x25b: {  	v29 =	vld [tilespmem:s20+$0x8710]  }
0x25c: {  	v31 =	vld [tilespmem:s20+$0x8700];
	[tilespmem:$0x1FCD0] =	vst v7  }
0x25d: {  	v52 =	vld [tilespmem:s20+$0x700];
	[tilespmem:$0x1FCE0] =	vst v12  }
0x25e: {  	v30 =	vld [tilespmem:s20+$0x710];
	v7 =	vmul.f32 v7, v7;
	v12 =	vmul.f32 v12, v12;
	[tilespmem:$0x1FCF0] =	vst v13  }
0x25f: {  	v14 =	vld [tilespmem:s20+$0x8750];
	v13 =	vmul.f32 v13, v13;
	[tilespmem:$0x1FD00] =	vst v18;
	v18 =	vmul.f32 v18, v18  }
0x260: {  	v22 =	vld [tilespmem:s20+$0x750];
	[tilespmem:$0x1FD30] =	vst v26;
	v26 =	vmul.f32 v26, v26;
	v27 =	vmul.f32 v5, v5  }
0x261: {  	v11 =	vld [tilespmem:s20+$0x8740];
	v54 =	vmul.f32 v31, v31;
	v55 =	vmul.f32 v29, v29  }
0x262: {  	v17 =	vld [tilespmem:s20+$0x740];
	v56 =	vmul.f32 v20, v20;
	v57 =	vmul.f32 v52, v52  }
0x263: {  	v38 =	vld [tilespmem:s20+$0x86B0];
	v58 =	vmul.f32 v30, v30;
	v61 =	vmul.f32 v10, v10  }
0x264: {  	v39 =	vld [tilespmem:s20+$0x6B0];
	v36 =	vmul.f32 v23, v23;
	v7 =	vadd.f32 v12, v7;
	v12 =	vmul.f32 v63, v63  }
0x265: {  	v24 =	vld [tilespmem:s20+$0x6E0];
	v29 =	vmul.f32 v29, v30;
	v47 =	vmul.f32 v10, v15;
	v13 =	vadd.f32 v18, v13  }
0x266: {  	v21 =	vld [tilespmem:s20+$0x86E0];
	[tilespmem:$0x1FD20] =	vst v25;
	v18 =	vmul.f32 v19, v19;
	v7 =	vadd.f32 v12, v7;
	v12 =	vmul.f32 v25, v25  }
0x267: {  	v40 =	vld [tilespmem:s20+$0x86A0];
	[tilespmem:$0x1FD10] =	vst v19;
	v19 =	vmul.f32 v6, v6;
	v25 =	vmul.f32 v4, v4  }
0x268: {  	v41 =	vld [tilespmem:s20+$0x6A0];
	v34 =	vmul.f32 v16, v8;
	v6 =	vmul.f32 v6, v9;
	v12 =	vadd.f32 v12, v7  }
0x269: {  	v28 =	vld [tilespmem:s20+$0x6C0];
	v33 =	vadd.f32 v55, v54;
	v19 =	vadd.f32 v25, v19;
	v25 =	vmul.f32 v2, v2  }
0x26a: {  	v42 =	vld [tilespmem:s20+$0x85F0];
	v55 =	vmul.f32 v24, v24;
	v13 =	vadd.f32 v18, v13;
	(xrf2) =	vadd.scan.msk.f32 $0xffff, v12;
	v12 =	vmul.f32 v9, v9  }
0x26b: {  	v43 =	vld [tilespmem:s20+$0x5F0];
	v6 =	vadd.f32 $0.0e+00, v6;
	v4 =	vmul.f32 v4, v5;
	v9 =	vadd.f32 v25, v19  }
0x26c: {  	v44 =	vld [tilespmem:s20+$0x85E0];
	v19 =	vmul.f32 v0, v0;
	v12 =	vadd.f32 v27, v12;
	v27 =	vmul.f32 v3, v3  }
0x26d: {  	v35 =	vld [tilespmem:s20+$0x5D0];
	v13 =	vadd.f32 v26, v13;
	v4 =	vadd.f32 v4, v6;
	v2 =	vmul.f32 v2, v3  }
0x26e: {  	v37 =	vld [tilespmem:s20+$0x530];
	[tilespmem:$0x1FDA0] =	vst v40;
	v5 =	vadd.f32 v19, v9;
	v9 =	vadd.f32 v27, v12;
	v12 =	vmul.f32 v1, v1  }
0x26f: {  	v62 =	vadd.f32 v58, v57;
	v58 =	vmul.f32 v40, v40;
	v40 =	vmul.f32 v39, v39;
	v25 =	vld [tilespmem:s20+$0x86D0];
	(xrf2) =	vadd.scan.msk.f32 $0xffff, v13  }
0x270: {  	v26 =	vld [tilespmem:s20+$0x6D0];
	v0 =	vmul.f32 v0, v1;
	(xrf2) =	vadd.scan.msk.f32 $0xffff, v5;
	v9 =	vadd.f32 v12, v9;
	v12 =	vadd.f32 v2, v4  }
0x271: {  	[tilespmem:$0x1FD40] =	vst v50;
	v10 =	vld [tilespmem:s20+$0x650];
	v6 =	vmul.f32 v14, v14;
	v5 =	vmul.f32 v11, v11  }
0x272: {  	[tilespmem:$0x1FDD0] =	vst v39;
	v39 =	vld [tilespmem:s20+$0x84F0];
	v60 =	vadd.f32 v56, v33;
	v19 =	vmul.f32 v22, v22;
	v53 =	vadd.f32 v0, v12  }
0x273: {  	v18 =	vld [tilespmem:s20+$0x670];
	v11 =	vmul.f32 v11, v17;
	v4 =	vadd.f32 v6, v5;
	v5 =	vmul.f32 v50, v50;
	(xrf2) =	vadd.scan.msk.f32 $0xffff, v9  }
0x274: {  	v46 =	vadd.f32 v36, v62;
	v6 =	vmul.f32 v17, v17;
	v50 =	vmul.f32 v25, v25;
	v9 =	vld [tilespmem:s20+$0x8690];
	v2, _, _ =	vpop (xrf2);
	(xrf2) =	vadd.scan.msk.f32 $0xffff, v53  }
0x275: {  	v36 =	vld [tilespmem:s20+$0x8530];
	v25 =	vmul.f32 v25, v26;
	v53 =	vmul.f32 v26, v26;
	[tilespmem:$0x1FEC0] =	vst v2;
	v2 =	vadd.f32 v5, v4  }
0x276: {  	[tilespmem:$0x1FD50] =	vst v48;
	v33 =	vld [tilespmem:s20+$0x560];
	v4 =	vmul.f32 v48, v48;
	v5 =	vadd.f32 v19, v6;
	v6 =	vmul.f32 v51, v51  }
0x277: {  	[tilespmem:$0x1FD60] =	vst v51;
	v19 =	vld [tilespmem:s20+$0x690];
	v48 =	vmul.f32 v15, v15;
	v51 =	vmul.f32 v16, v16  }
0x278: {  	v27 =	vld [tilespmem:s20+$0x86C0];
	v2 =	vadd.f32 v4, v2;
	v4 =	vadd.f32 v6, v5;
	v5 =	vmul.f32 v49, v49  }
0x279: {  	[tilespmem:$0x1FD70] =	vst v49;
	v0, _, _ =	vpop (xrf2);
	v6 =	vld [tilespmem:s20+$0x680];
	v49 =	vmul.f32 v20, v23;
	v32 =	vadd.f32 v48, v46;
	v56 =	vmul.f32 v9, v9  }
0x27a: {  	v7 =	vld [tilespmem:s20+$0x8670];
	v46 =	vmul.f32 v41, v41;
	v59, _, _ =	vpop (xrf2);
	(xrf2) =	vadd.scan.msk.f32 $0xffff, v2;
	v4 =	vadd.f32 v5, v4;
	v5 =	vmul.f32 v31, v52  }
0x27b: {  	v30 =	vadd.f32 v61, v60;
	v13 =	vld [tilespmem:s20+$0x630];
	v20 =	vbroadcast v59, $0xF;
	v52 =	vmul.f32 v28, v28  }
0x27c: {  	v3 =	vld [tilespmem:s20+$0x8630];
	v59 =	vmul.f32 v38, v38;
	v61 =	vmul.f32 v19, v19;
	(xrf2) =	vadd.scan.msk.f32 $0xffff, v4;
	v45 =	vadd.f32 $0.0e+00, v5  }
0x27d: {  	v1 =	vld [tilespmem:s20+$0x8660];
	v31, _, _ =	vpop (xrf2);
	(xrf2) =	vadd.scan.msk.f32 $0xffff, v30;
	v30 =	vmul.f32 v27, v27;
	v27 =	vmul.f32 v27, v28  }
0x27e: {  	v17 =	vld [tilespmem:s20+$0x600];
	[tilespmem:$0x1FEF0] =	vst v0;
	v9 =	vmul.f32 v9, v19;
	v60 =	vmul.f32 v6, v6;
	v29 =	vadd.f32 v29, v45;
	v15, _, _ =	vpop (xrf2)  }
0x27f: {  	v0 =	vld [tilespmem:s20+$0x8680];
	v30 =	vadd.f32 v50, v30;
	v27 =	vadd.f32 $0.0e+00, v27;
	[tilespmem:$0x1FF10] =	vst v15;
	v15 =	vbroadcast v31, $0xF  }
0x280: {  	v12 =	vld [tilespmem:s20+$0x660];
	[tilespmem:$0x1FF40] =	vst v20;
	v29 =	vadd.f32 v49, v29;
	v31 =	vmul.f32 v21, v21;
	v21 =	vmul.f32 v21, v24  }
0x281: {  	v20 =	vld [tilespmem:s20+$0x8640];
	(xrf2) =	vadd.scan.msk.f32 $0xffff, v32;
	v24 =	vadd.f32 v61, v60;
	v61 =	vmul.f32 v3, v3;
	v25 =	vadd.f32 v25, v27  }
0x282: {  	v16 =	vld [tilespmem:s20+$0x5B0];
	v29 =	vadd.f32 v47, v29;
	v30 =	vadd.f32 v31, v30;
	v31 =	vmul.f32 v8, v8  }
0x283: {  	[tilespmem:$0x1FD90] =	vst v11;
	v5 =	vld [tilespmem:s20+$0x8650];
	v8 =	vmul.f32 v14, v22;
	v22 =	vadd.f32 v53, v52;
	v24 =	vadd.f32 v46, v24  }
0x284: {  	v50 =	vld [tilespmem:s20+$0x85D0];
	v21 =	vadd.f32 v21, v25;
	v54, _, _ =	vpop (xrf2);
	(xrf2) =	vadd.scan.msk.f32 $0xffff, v29;
	v29 =	vmul.f32 v0, v0;
	v0 =	vmul.f32 v0, v6  }
0x285: {  	[tilespmem:$0x1FD80] =	vst v8;
	v22 =	vadd.f32 v55, v22;
	v24 =	vadd.f32 v40, v24;
	v40 =	vld [tilespmem:s20+$0x580];
	v8 =	vbroadcast v54, $0xF  }
0x286: {  	v23 =	vld [tilespmem:s20+$0x640];
	v28 =	vmul.f32 v20, v20;
	v30 =	vadd.f32 v51, v30;
	v21 =	vadd.f32 v34, v21;
	[tilespmem:$0x1FE80] =	vst v0  }
0x287: {  	v14 =	vld [tilespmem:s20+$0x610];
	v25 =	vmul.f32 v17, v17;
	v57, _, _ =	vpop (xrf2);
	v29 =	vadd.f32 v56, v29;
	v31 =	vadd.f32 v31, v22;
	[tilespmem:$0x1FF60] =	vst v8  }
0x288: {  	(xrf2) =	vadd.scan.msk.f32 $0xffff, v30;
	v56 =	vmul.f32 v7, v7;
	v8 =	vld [tilespmem:s20+$0x8610];
	v11 =	vbroadcast v57, $0xF;
	v62, _, _ =	vpop (xrf2);
	[tilespmem:$0x1FDE0] =	vst v21  }
0x289: {  	v29 =	vadd.f32 v58, v29;
	(xrf2) =	vadd.scan.msk.f32 $0xffff, v31;
	v31 =	vmul.f32 v5, v5;
	v26 =	vbroadcast v62, $0xF;
	v62 =	vld [tilespmem:s20+$0x8580]  }
0x28a: {  	v21 =	vmul.f32 v50, v50;
	[tilespmem:$0x1FF70] =	vst v11;
	v11 =	vld [tilespmem:s20+$0x8600];
	v0 =	vmul.f32 v40, v40  }
0x28b: {  	v48 =	vld [tilespmem:s20+$0x85A0];
	v47, _, _ =	vpop (xrf2);
	v29 =	vadd.f32 v59, v29;
	[tilespmem:$0x1FF80] =	vst v26;
	v26 =	vadd.f32 v31, v28;
	v28 =	vmul.f32 v1, v1  }
0x28c: {  	[tilespmem:$0x1FDC0] =	vst v41;
	v41 =	vld [tilespmem:s20+$0x4F0];
	v31 =	vmul.f32 v10, v10;
	v57 =	vbroadcast v47, $0xF  }
0x28d: {  	[tilespmem:$0x1FDB0] =	vst v38;
	v2 =	vld [tilespmem:s20+$0x8620];
	(xrf2) =	vadd.scan.msk.f32 $0xffff, v29;
	v29 =	vmul.f32 v23, v23;
	v58 =	vmul.f32 v8, v8  }
0x28e: {  	v38 =	vld [tilespmem:s20+$0x590];
	[tilespmem:$0x1FDF0] =	vst v9;
	v26 =	vadd.f32 v28, v26;
	v34 =	vmul.f32 v8, v14;
	v9 =	vmul.f32 v62, v62  }
0x28f: {  	v4 =	vld [tilespmem:s20+$0x620];
	v29 =	vadd.f32 v31, v29;
	v31 =	vmul.f32 v12, v12;
	v27 =	vmul.f32 v11, v11  }
0x290: {  	v45 =	vld [tilespmem:s20+$0x5E0];
	v55, _, _ =	vpop (xrf2);
	(xrf2) =	vadd.scan.msk.f32 $0xffff, v24;
	v26 =	vadd.f32 v56, v26;
	v24 =	vmul.f32 v7, v18;
	v7 =	vmul.f32 v18, v18  }
0x291: {  	v52 =	vld [tilespmem:s20+$0x85C0];
	v17 =	vmul.f32 v11, v17;
	[tilespmem:$0x1FF30] =	vst v55;
	v55 =	vmov v35;
	v35 =	vmul.f32 v35, v35  }
0x292: {  	v32 =	vld [tilespmem:s20+$0x4A0];
	v28, _, _ =	vpop (xrf2);
	v59 =	vadd.f32 v31, v29;
	v18 =	vadd.f32 v58, v27;
	v27 =	vmul.f32 v2, v2  }
0x293: {  	v53 =	vld [tilespmem:s20+$0x5C0];
	(xrf2) =	vadd.scan.msk.f32 $0xffff, v26;
	v26 =	vmul.f32 v14, v14;
	v17 =	vadd.f32 $0.0e+00, v17;
	v28 =	vbroadcast v28, $0xF  }
0x294: {  	v49 =	vld [tilespmem:s20+$0x5A0];
	[tilespmem:$0x1FF50] =	vst v15;
	v2 =	vmul.f32 v2, v4;
	v7 =	vadd.f32 v7, v59;
	v29, _, _ =	vpop (xrf2);
	v18 =	vadd.f32 v27, v18  }
0x295: {  	v60 =	vld [tilespmem:s20+$0x8590];
	v25 =	vadd.f32 v26, v25;
	v26 =	vmul.f32 v4, v4;
	[tilespmem:$0x1FFA0] =	vst v28;
	v28 =	vbroadcast v29, $0xF  }
0x296: {  	v15 =	vld [tilespmem:s20+$0x85B0];
	v17 =	vadd.f32 v34, v17;
	(xrf2) =	vadd.scan.msk.f32 $0xffff, v7;
	v7 =	vmul.f32 v52, v52;
	v18 =	vadd.f32 v61, v18  }
0x297: {  	v54 =	vld [tilespmem:s20+$0x8520];
	v51 =	vadd.f32 v26, v25;
	v26 =	vmul.f32 v13, v13;
	[tilespmem:$0x1FFB0] =	vst v28;
	v28 =	vmul.f32 v44, v44  }
0x298: {  	v29 =	vld [tilespmem:s20+$0x8550];
	v7 =	vadd.f32 v21, v7;
	v21 =	vmul.f32 v3, v13;
	v3 =	vmul.f32 v53, v53  }
0x299: {  	v22 =	vld [tilespmem:s20+$0x8570];
	v27, _, _ =	vpop (xrf2);
	(xrf2) =	vadd.scan.msk.f32 $0xffff, v18;
	v18 =	vadd.f32 v26, v51;
	v26 =	vmul.f32 v42, v42;
	v51 =	vmul.f32 v36, v36  }
0x29a: {  	v30 =	vld [tilespmem:s20+$0x570];
	v19 =	vbroadcast v27, $0xF;
	v7 =	vadd.f32 v28, v7;
	v28 =	vmul.f32 v1, v12  }
0x29b: {  	[tilespmem:$0x1FE30] =	vst v62;
	v58 =	vld [tilespmem:s20+$0x550];
	v25, _, _ =	vpop (xrf2);
	v1 =	vadd.f32 v35, v3;
	v3 =	vmul.f32 v45, v45;
	v12 =	vmul.f32 v60, v60  }
0x29c: {  	v62 =	vld [tilespmem:s20+$0x540];
	[tilespmem:$0x1FFC0] =	vst v19;
	v6 =	vbroadcast v25, $0xF;
	v19 =	vmul.f32 v20, v23  }
0x29d: {  	v59 =	vld [tilespmem:s20+$0x8540];
	v2 =	vadd.f32 v2, v17;
	(xrf2) =	vadd.scan.msk.f32 $0xffff, v18;
	v20 =	vmul.f32 v29, v29;
	v23 =	vmul.f32 v5, v10  }
0x29e: {  	[tilespmem:$0x1FE90] =	vst v29;
	v29 =	vld [tilespmem:s20+$0x8500];
	v7 =	vadd.f32 v26, v7;
	v1 =	vadd.f32 v3, v1;
	v3 =	vmul.f32 v43, v43  }
0x29f: {  	v31 =	vld [tilespmem:s20+$0x8560];
	v9 =	vadd.f32 v12, v9;
	v12 =	vmul.f32 v48, v48;
	v19 =	vadd.f32 $0.0e+00, v19  }
0x2a0: {  	v27 =	vld [tilespmem:s20+$0x8510];
	v13, _, _ =	vpop (xrf2);
	v26 =	vmul.f32 v58, v58;
	(xrf2) =	vadd.scan.msk.f32 $0xffff, v7;
	v7 =	vmul.f32 v38, v38;
	v1 =	vadd.f32 v3, v1  }
0x2a1: {  	[tilespmem:$0x1FE00] =	vst v44;
	v47 =	vld [tilespmem:s20+$0x520];
	v9 =	vadd.f32 v12, v9;
	v12 =	vmul.f32 v15, v15;
	v19 =	vadd.f32 v23, v19  }
0x2a2: {  	v11 =	vld [tilespmem:s20+$0x8490];
	v18, _, _ =	vpop (xrf2);
	v0 =	vadd.f32 v7, v0;
	v7 =	vmul.f32 v49, v49;
	(xrf2) =	vadd.scan.msk.f32 $0xffff, v1;
	v1 =	vmul.f32 v59, v59  }
0x2a3: {  	[tilespmem:$0x1FEB0] =	vst v33;
	v14 =	vld [tilespmem:s20+$0x84A0];
	v9 =	vadd.f32 v12, v9;
	v12 =	vmul.f32 v16, v16;
	v23 =	vmul.f32 v29, v29  }
0x2a4: {  	[tilespmem:$0x1FED0] =	vst v29;
	v7 =	vadd.f32 v7, v0;
	v10 =	vadd.f32 v20, v1;
	v20 =	vmul.f32 v31, v31;
	v0 =	vld [tilespmem:s20+$0x510]  }
0x2a5: {  	v29 =	vmul.f32 v27, v27;
	v19 =	vadd.f32 v28, v19;
	v25, _, _ =	vpop (xrf2);
	(xrf2) =	vadd.scan.msk.f32 $0xffff, v9;
	v9 =	vmul.f32 v62, v62;
	v1 =	vld [tilespmem:s20+$0x500]  }
0x2a6: {  	v56 =	vmovc v36;
	v4 =	vld [tilespmem:s20+$0x84D0];
	v7 =	vadd.f32 v12, v7;
	v12 =	vadd.f32 v20, v10;
	v20 =	vmul.f32 v22, v22  }
0x2a7: {  	v17 =	vld [tilespmem:s20+$0x410];
	[tilespmem:$0x1FEA0] =	vst v31;
	v31 =	vmul.f32 v30, v30;
	v9 =	vadd.f32 v26, v9;
	v26 =	vmul.f32 v33, v33  }
0x2a8: {  	v36 =	vld [tilespmem:s20+$0x8420];
	v23 =	vadd.f32 v29, v23;
	v29 =	vmul.f32 v54, v54;
	v35, _, _ =	vpop (xrf2);
	(xrf2) =	vadd.scan.msk.f32 $0xffff, v7;
	v20 =	vadd.f32 v20, v12  }
0x2a9: {  	[tilespmem:$0x1FE20] =	vst v45;
	v19 =	vadd.f32 v24, v19;
	v7 =	vld [tilespmem:s20+$0x84C0];
	v26 =	vadd.f32 v26, v9;
	v9 =	vbroadcast v13, $0xF  }
0x2aa: {  	v5 =	vld [tilespmem:s20+$0x84E0];
	[tilespmem:$0x1FEE0] =	vst v27;
	v28 =	vmul.f32 v0, v0;
	v27, _, _ =	vpop (xrf2);
	(xrf2) =	vadd.scan.msk.f32 $0xffff, v20;
	v20 =	vmul.f32 v1, v1  }
0x2ab: {  	v23 =	vadd.f32 v29, v23;
	[tilespmem:$0x1FF20] =	vst v19;
	v13 =	vld [tilespmem:s20+$0x4C0]  }
0x2ac: {  	[tilespmem:$0x1FFE0] =	vst v9;
	v9 =	vld [tilespmem:s20+$0x4D0];
	v26 =	vadd.f32 v31, v26;
	v19 =	vadd.f32 v28, v20;
	v28 =	vmul.f32 v47, v47  }
0x2ad: {  	[tilespmem:$0x1FE60] =	vst v40;
	v34 =	vmul.f32 v15, v16;
	v10 =	vld [tilespmem:s20+$0x4E0];
	v23 =	vadd.f32 v51, v23;
	v31 =	vmul.f32 v4, v4  }
0x2ae: {  	v33, _, _ =	vpop (xrf2);
	(xrf2) =	vadd.scan.msk.f32 $0xffff, v26;
	v20 =	vld [tilespmem:s20+$0x8480];
	v26 =	vmul.f32 v7, v7;
	v19 =	vadd.f32 v28, v19;
	v28 =	vmul.f32 v37, v37  }
0x2af: {  	[tilespmem:$0x1FFD0] =	vst v6;
	v6 =	vld [tilespmem:s20+$0x4B0];
	v40 =	vmul.f32 v36, v36;
	v44 =	vbroadcast v18, $0xF  }
0x2b0: {  	v29, _, _ =	vpop (xrf2);
	(xrf2) =	vadd.scan.msk.f32 $0xffff, v23;
	v23 =	vld [tilespmem:s20+$0x490];
	v8 =	vadd.f32 v31, v26;
	v26 =	vmul.f32 v5, v5;
	v19 =	vadd.f32 v28, v19  }
0x2b1: {  	[tilespmem:$0x1FF00] =	vst v54;
	v31 =	vmul.f32 v13, v13;
	v54 =	vmul.f32 v9, v9;
	v28 =	vld [tilespmem:s20+$0x480]  }
0x2b2: {  	v18 =	vld [tilespmem:s20+$0x8410];
	v51 =	vmul.f32 v39, v39;
	v46 =	vmul.f32 v10, v10;
	v26 =	vadd.f32 v26, v8;
	v45, _, _ =	vpop (xrf2);
	(xrf2) =	vadd.scan.msk.f32 $0xffff, v19  }
0x2b3: {  	v61 =	vmovc v47;
	v3 =	vld [tilespmem:s20+$0x84B0];
	v31 =	vadd.f32 v54, v31;
	v47 =	vmul.f32 v20, v20;
	v54 =	vmul.f32 v11, v11  }
0x2b4: {  	v30 =	vmul.f32 v22, v30;
	[tilespmem:$0x1FFF0] =	vst v44;
	v44 =	vmul.f32 v41, v41;
	v19 =	vld [tilespmem:s20+$0x8400];
	v26 =	vadd.f32 v51, v26  }
0x2b5: {  	[tilespmem:$0x1FE10] =	vst v42;
	v16 =	vld [tilespmem:s20+$0x400];
	v31 =	vadd.f32 v46, v31;
	v15 =	vadd.f32 v54, v47;
	v46 =	vmul.f32 v14, v14  }
0x2b6: {  	[tilespmem:$0x1FE50] =	vst v43;
	v24 =	vld [tilespmem:s20+$0x430];
	v47 =	vmul.f32 v23, v23;
	v51, _, _ =	vpop (xrf2);
	(xrf2) =	vadd.scan.msk.f32 $0xffff, v26;
	v26 =	vmul.f32 v28, v28  }
0x2b7: {  	p0 =	sne.s32 s21, $0x1F000;
	v22 =	vld [tilespmem:s20+$0x450];
	v8 =	vmovc v41;
	v41 =	vmul.f32 v18, v18;
	v31 =	vadd.f32 v44, v31;
	v43 =	vadd.f32 v46, v15  }
.Ltmp0:
0x2b8: {  	[tilespmem:$0x1FE70] =	vst v38;
	v12 =	vld [tilespmem:s20+$0x8430];
	v46 =	vmul.f32 v3, v3;
	v26 =	vadd.f32 v47, v26;
	v47 =	vmul.f32 v32, v32;
	(pc) =	sbr.rel @p0 .LBB2_2-.Ltmp0, $4  }
0x2b9: {  	[tilespmem:$0x1FF90] =	vst v57;
	v57 =	vmovc v37;
	v54 =	vld [tilespmem:s20+$0x420];
	v15 =	vbroadcast v25, $0xF;
	v25 =	vadd.f32 v21, v2;
	v2 =	vmul.f32 v19, v19  }
0x2ba: {  	[tilespmem:$0x1FE40] =	vst v60;
	v21 =	vld [tilespmem:s20+$0x8440];
	v37, _, _ =	vpop (xrf2);
	v42 =	vadd.f32 v46, v43;
	v46 =	vmul.f32 v6, v6;
	v47 =	vadd.f32 v47, v26  }
0x2bb: {  	v60 =	vmov v39;
	v44 =	vmul.f32 v17, v17;
	(xrf2) =	vadd.scan.msk.f32 $0xffff, v31;
	v31 =	vld [tilespmem:s20+$0x8450];
	v43 =	vmul.f32 v16, v16;
	v38, _, _ =	vpop (xrf2)  }
0x2bc: {  	s21 =	sadd.s32 $0x1000, s21;
	v26 =	vbroadcast v35, $0xF;
	v41 =	vadd.f32 v41, v2;
	v35 =	vld [tilespmem:s20+$0x8460];
	(xrf2) =	vadd.scan.msk.f32 $0xffff, v42;
	v42 =	vadd.f32 v46, v47;
	v39, _, _ =	vpop (xrf2)  }
0x2bd: {  	v2 =	vld [tilespmem:s20+$0x440];
	_ =	sdelay $0x2  }
0x2be: {  	v47 =	vadd.f32 v44, v43;
	v44 =	vmul.f32 v54, v54  }
0x2bf: {  	v46 =	vld [tilespmem:s20+$0x460]  }
0x2c0: {  	v47 =	vadd.f32 v44, v47;
	[tilespmem:$0x1F8A0] =	vst v2;
	v44 =	vmul.f32 v2, v2;
	v2 =	vmul.f32 v22, v22  }
0x2c1: {  	v40 =	vadd.f32 v40, v41;
	_ =	sdelay $0x1  }
0x2c2: {  	[tilespmem:$0x1F840] =	vst v40  }
0x2c3: {  	[tilespmem:$0x1F890] =	vst v46;
	v44 =	vadd.f32 v2, v44;
	v2 =	vmov v53;
	v53 =	vmul.f32 v46, v46;
	v46 =	vld [tilespmem:$0x1F840]  }
0x2c4: {  	[tilespmem:$0x1F850] =	vst v48;
	v41 =	vmul.f32 v21, v21;
	v48 =	vmul.f32 v31, v31  }
0x2c5: {  	v43 =	vld [tilespmem:s20+$0x8470]  }
0x2c6: {  	v41 =	vadd.f32 v48, v41;
	v48 =	vmul.f32 v12, v12  }
0x2c7: {  	[tilespmem:$0x1F860] =	vst v50;
	v50 =	vmul.f32 v24, v24  }
0x2c8: {  	v46 =	vadd.f32 v48, v46  }
0x2c9: {  	(xrf2) =	vadd.scan.msk.f32 $0xffff, v42;
	v40 =	vld [tilespmem:s20+$0x470];
	v42 =	vadd.f32 v50, v47  }
0x2ca: {  	[tilespmem:$0x1F880] =	vst v43;
	v48 =	vmul.f32 v43, v43;
	v43 =	vadd.f32 v53, v44;
	v53 =	vld [tilespmem:$0x1FE40];
	(xrf2) =	vadd.scan.msk.f32 $0xffff, v46  }
0x2cb: {  	(xrf2) =	vadd.scan.msk.f32 $0xffff, v42;
	v42 =	vmul.f32 v59, v62;
	v59 =	vld [tilespmem:$0x1FE70]  }
0x2cc: {  	[tilespmem:$0x1F870] =	vst v52;
	v52 =	vmul.f32 v35, v35;
	v47 =	vld [tilespmem:$0x1FE60]  }
0x2cd: {  	v46 =	vld [tilespmem:$0x1FE30]  }
0x2ce: {  	v41 =	vadd.f32 v52, v41;
	_ =	sdelay $0x1  }
0x2cf: {  	v52 =	vmovc v40;
	v44 =	vmul.f32 v40, v40;
	v40 =	vadd.f32 v48, v41;
	v48 =	vmul.f32 v53, v59;
	v53 =	vld [tilespmem:$0x1F860];
	_ =	sdelay $0x1  }
0x2d0: {  	v7 =	vmul.f32 v7, v13;
	v41 =	vmul.f32 v46, v47  }
0x2d1: {  	v50 =	vld [tilespmem:$0x1F850]  }
0x2d2: {  	v4 =	vmul.f32 v4, v9;
	v7 =	vadd.f32 $0.0e+00, v7;
	v59 =	vld [tilespmem:$0x1FEA0];
	v62 =	vadd.f32 $0.0e+00, v41  }
0x2d3: {  	v41 =	vmul.f32 v53, v55;
	v55 =	vld [tilespmem:$0x1FE90]  }
0x2d4: {  	v5 =	vmul.f32 v5, v10;
	v4 =	vadd.f32 v4, v7;
	(xrf2) =	vadd.scan.msk.f32 $0xffff, v40;
	v40 =	vadd.f32 v48, v62;
	v62 =	vld [tilespmem:$0x1FEB0];
	_ =	sdelay $0x1  }
0x2d5: {  	v4 =	vadd.f32 v5, v4;
	v47 =	vmul.f32 v56, v57;
	v56 =	vld [tilespmem:$0x1FF00];
	v53 =	vmul.f32 v60, v8  }
0x2d6: {  	v43 =	vadd.f32 v44, v43;
	v44 =	vmul.f32 v50, v49  }
0x2d7: {  	v42 =	vadd.f32 $0.0e+00, v42;
	v4 =	vadd.f32 v53, v4;
	v53 =	vld [tilespmem:$0x1FF40];
	v50 =	vmul.f32 v55, v58  }
0x2d8: {  	v46 =	vmul.f32 v59, v62;
	v59 =	vld [tilespmem:$0x1FEE0]  }
0x2d9: {  	v58 =	vld [tilespmem:$0x1F870];
	v42 =	vadd.f32 v50, v42  }
0x2da: {  	v50 =	vmul.f32 v56, v61;
	v61 =	vld [tilespmem:$0x1FED0]  }
0x2db: {  	v57 =	vadd.f32 v46, v42;
	v42 =	vld [tilespmem:$0x1F880]  }
0x2dc: {  	v46 =	vmul.f32 v36, v54;
	v54 =	vld [tilespmem:$0x1F890]  }
0x2dd: {  	v3 =	vmul.f32 v3, v6;
	v20 =	vmul.f32 v20, v28;
	v13, _, _ =	vpop (xrf2);
	v36 =	vld [tilespmem:$0x1FFF0]  }
0x2de: {  	(xrf2) =	vadd.scan.msk.f32 $0xffff, v43;
	v43 =	vmul.f32 v58, v2;
	v58, _, _ =	vpop (xrf2);
	v2 =	vbroadcast v37, $0xF;
	v37 =	vld [tilespmem:$0x1FDE0]  }
0x2df: {  	v10 =	vbroadcast v58, $0xF;
	v58 =	vmul.f32 v18, v17;
	v18 =	vld [tilespmem:$0x1FDF0]  }
0x2e0: {  	v11 =	vmul.f32 v11, v23;
	v40 =	vadd.f32 v44, v40;
	v60, _, _ =	vpop (xrf2);
	v6 =	vadd.f32 v30, v57;
	v30 =	vld [tilespmem:$0x1FD80]  }
0x2e1: {  	v56 =	vbroadcast v60, $0xF;
	v60 =	vbroadcast v38, $0xF;
	v38 =	vld [tilespmem:$0x1FFE0]  }
0x2e2: {  	v1 =	vmul.f32 v61, v1;
	v62, _, _ =	vpop (xrf2);
	v61 =	vbroadcast v39, $0xF;
	v39 =	vld [tilespmem:$0x1FFD0]  }
0x2e3: {  	v20 =	vadd.f32 $0.0e+00, v20;
	v28 =	vbroadcast v62, $0xF;
	v62 =	vmul.f32 v19, v16;
	v19 =	vld [tilespmem:$0x1FDA0]  }
0x2e4: {  	v34 =	vadd.f32 v34, v40;
	v40, _, _ =	vpop (xrf2);
	v55 =	vmul.f32 v35, v54;
	v35 =	vld [tilespmem:$0x1F8A0]  }
0x2e5: {  	v14 =	vmul.f32 v14, v32;
	v11 =	vadd.f32 v11, v20;
	v7 =	vbroadcast v40, $0xF;
	v40 =	vld [tilespmem:$0x1FF20]  }
0x2e6: {  	v12 =	vmul.f32 v12, v24;
	v24 =	vmul.f32 v42, v52;
	v42 =	vld [tilespmem:$0x1FFC0]  }
0x2e7: {  	v11 =	vadd.f32 v14, v11;
	v44, _, _ =	vpop (xrf2);
	v54 =	vld [tilespmem:$0x1FEF0]  }
0x2e8: {  	v32 =	vbroadcast v29, $0xF;
	v48, _, _ =	vpop (xrf2);
	v49 =	vbroadcast v44, $0xF;
	v44 =	vld [tilespmem:$0x1FFB0]  }
0x2e9: {  	v3 =	vadd.f32 v3, v11;
	v11 =	vadd.f32 $0.0e+00, v62;
	(xrf2) =	vadd.scan.msk.f32 $0xffff, v37;
	v37 =	vld [tilespmem:$0x1FD50];
	v52, _, _ =	vpop (xrf2);
	v5 =	vbroadcast v48, $0xF  }
0x2ea: {  	v0 =	vmul.f32 v59, v0;
	v48 =	vld [tilespmem:$0x1FF80];
	v23 =	vbroadcast v52, $0xF  }
0x2eb: {  	v59 =	vbroadcast v13, $0xF;
	v52 =	vld [tilespmem:$0x1FF50];
	v5 =	vsel vm0, v7, v5;
	v7 =	vadd.f32 v58, v11  }
0x2ec: {  	v58 =	vld [tilespmem:$0x1FE20];
	v20 =	vsel vm0, v49, v23;
	v5 =	vsel vm1, v5, v56;
	v23 =	vmul.f32 v31, v22  }
0x2ed: {  	v31 =	vbroadcast v33, $0xF;
	v33 =	vbroadcast v27, $0xF;
	v49 =	vld [tilespmem:$0x1FF70];
	v57 =	vsel vm1, v20, v28  }
0x2ee: {  	v27 =	vld [tilespmem:$0x1FCD0];
	v5 =	vsel vm2, v5, v59;
	v20 =	vbroadcast v51, $0xF;
	v9 =	vsel vm2, v57, v10  }
0x2ef: {  	v28 =	vbroadcast v45, $0xF;
	v7 =	vadd.f32 v46, v7;
	v45 =	vld [tilespmem:$0x1FFA0];
	v9 =	vsel vm3, v9, v61  }
0x2f0: {  	v46 =	vld [tilespmem:$0x1FF90];
	v5 =	vsel vm3, v5, v60;
	v9 =	vsel vm4, v9, v2;
	v2 =	vmul.f32 v21, v35  }
0x2f1: {  	v51 =	vld [tilespmem:$0x1FF60];
	v5 =	vsel vm4, v5, v20  }
0x2f2: {  	(xrf2) =	vadd.scan.msk.f32 $0xffff, v40;
	v59 =	vld [tilespmem:$0x1FE10];
	v5 =	vsel vm5, v5, v32;
	v9 =	vsel vm5, v9, v28;
	v2 =	vadd.f32 $0.0e+00, v2  }
0x2f3: {  	v1 =	vadd.f32 $0.0e+00, v1;
	(xrf2) =	vadd.scan.msk.f32 $0xffff, v25;
	v25 =	vld [tilespmem:$0x1FDB0];
	v5 =	vsel vm6, v5, v33;
	v9 =	vsel vm6, v9, v31  }
0x2f4: {  	v57 =	vld [tilespmem:$0x1FE00];
	v5 =	vsel vm7, v5, v15;
	v9 =	vsel vm7, v9, v26;
	v2 =	vadd.f32 v23, v2  }
0x2f5: {  	v0 =	vadd.f32 v0, v1;
	v60 =	vld [tilespmem:$0x1FE50];
	v5 =	vsel vm8, v5, v38;
	v8 =	vsel vm8, v9, v36  }
0x2f6: {  	v5 =	vsel vm9, v5, v42;
	v8 =	vsel vm9, v8, v39;
	v2 =	vadd.f32 v55, v2;
	v55 =	vld [tilespmem:$0x1FEC0]  }
0x2f7: {  	(xrf2) =	vadd.scan.msk.f32 $0xffff, v34;
	v34 =	vld [tilespmem:$0x1FCE0];
	v5 =	vsel vm10, v5, v45;
	v8 =	vsel vm10, v8, v44  }
0x2f8: {  	v0 =	vadd.f32 v50, v0;
	v61 =	vld [tilespmem:$0x1FE80];
	v5 =	vsel vm11, v5, v48;
	v8 =	vsel vm11, v8, v46  }
0x2f9: {  	v56 =	vadd.f32 $0.0e+00, v43;
	(xrf2) =	vadd.scan.msk.f32 $0xffff, v6;
	v20 =	vld [tilespmem:$0x1FDC0];
	v5 =	vsel vm12, v5, v51;
	v6 =	vsel vm12, v8, v49  }
0x2fa: {  	v7 =	vadd.f32 v12, v7;
	(xrf2) =	vadd.scan.msk.f32 $0xffff, v4;
	v32 =	vld [tilespmem:$0x1FD60];
	v4 =	vsel vm13, v5, v53;
	v1 =	vsel vm13, v6, v52  }
0x2fb: {  	(xrf2) =	vadd.scan.msk.f32 $0xffff, v3;
	v28 =	vld [tilespmem:$0x1FCF0];
	v2 =	vadd.f32 v24, v2;
	v1 =	vsel vm14, v1, v54;
	v3 =	vsel vm14, v4, v55  }
0x2fc: {  	v0 =	vadd.f32 v47, v0;
	(xrf2) =	vadd.scan.msk.f32 $0xffff, v7;
	v23 =	vld [tilespmem:$0x1FD90];
	v1 =	vmax.f32 v1, $1.000000020e-24;
	v3 =	vmax.f32 v3, $1.000000020e-24  }
0x2fd: {  	v26 =	vld [tilespmem:$0x1FDD0];
	v5 =	vmul.f32 v57, v58;
	(xrf2) =	vadd.scan.msk.f32 $0xffff, v2;
	v4 =	vadd.f32 v41, v56;
	v1 =	vmul.f32 v3, v1  }
0x2fe: {  	v31 =	vld [tilespmem:$0x1FD40];
	v2 =	vmul.f32 v59, v60;
	v3 =	vadd.f32 $0.0e+00, v61  }
0x2ff: {  	v35 =	vld [tilespmem:$0x1FD00];
	v62, _, _ =	vpop (xrf2);
	(xrf2) =	vadd.scan.msk.f32 $0xffff, v0;
	v4 =	vadd.f32 v5, v4;
	v17 =	vshra.s32 v1, $0x1;
	v1 =	vmul.f32 $5.000000000e-01, v1  }
0x300: {  	v38 =	vld [tilespmem:$0x1FD70];
	v7 =	vmul.f32 v19, v20;
	v21, _, _ =	vpop (xrf2);
	v3 =	vadd.f32 v18, v3;
	v5 =	vsub.s32 $0x5F3759DF, v17  }
0x301: {  	v22, _, _ =	vpop (xrf2);
	v2 =	vadd.f32 v2, v4;
	v4 =	vadd.f32 $0.0e+00, v23;
	v24 =	vmul.f32 v5, v1  }
0x302: {  	v40 =	vld [tilespmem:$0x1FD10];
	v10 =	vmul.f32 v27, v28;
	v29, _, _ =	vpop (xrf2);
	v3 =	vadd.f32 v7, v3;
	v7 =	vmul.f32 v25, v26  }
0x303: {  	v43 =	vld [tilespmem:$0x1FD20];
	v12 =	vmul.f32 v31, v32;
	v33, _, _ =	vpop (xrf2);
	v4 =	vadd.f32 v30, v4;
	(xrf2) =	vadd.scan.msk.f32 $0xffff, v2;
	v9 =	vmul.f32 v5, v24  }
0x304: {  	v42 =	vld [tilespmem:$0x1FD30];
	v10 =	vadd.f32 $0.0e+00, v10;
	v36, _, _ =	vpop (xrf2);
	v3 =	vadd.f32 v7, v3;
	v7 =	vmul.f32 v34, v35  }
0x305: {  	v39, _, _ =	vpop (xrf2);
	v4 =	vadd.f32 v12, v4;
	v12 =	vmul.f32 v37, v38;
	v9 =	vsub.f32 $1.500000000e+00, v9  }
0x306: {  	v41, _, _ =	vpop (xrf2);
	v45 =	vbroadcast v39, $0xF;
	v7 =	vadd.f32 v7, v10;
	(xrf2) =	vadd.scan.msk.f32 $0xffff, v3  }
0x307: {  	v44, _, _ =	vpop (xrf2);
	v10 =	vmul.f32 v63, v40;
	v4 =	vadd.f32 v12, v4;
	v5 =	vmul.f32 v5, v9  }
0x308: {  	v3 =	vbroadcast v41, $0xF;
	v9 =	vbroadcast v44, $0xF  }
0x309: {  	v12 =	vmul.f32 v43, v42;
	v48, _, _ =	vpop (xrf2);
	v7 =	vadd.f32 v10, v7;
	(xrf2) =	vadd.scan.msk.f32 $0xffff, v4;
	v46 =	vmul.f32 v5, v1  }
0x30a: {  	v47 =	vbroadcast v36, $0xF;
	v49 =	vbroadcast v48, $0xF;
	v3 =	vsel vm0, v3, v9  }
0x30b: {  	v7 =	vadd.f32 v12, v7;
	v3 =	vsel vm1, v3, v45;
	v4 =	vmul.f32 v46, v5  }
0x30c: {  	v2 =	vbroadcast v33, $0xF;
	v3 =	vsel vm2, v3, v47  }
0x30d: {  	v50 =	vbroadcast v29, $0xF;
	(xrf2) =	vadd.scan.msk.f32 $0xffff, v7;
	v51, _, _ =	vpop (xrf2);
	v3 =	vsel vm3, v3, v49;
	v4 =	vsub.f32 $1.500000000e+00, v4  }
0x30e: {  	v57 =	vld [tilespmem:$0x1FF30];
	v52 =	vbroadcast v51, $0xF;
	v2 =	vsel vm4, v3, v2  }
0x30f: {  	v0 =	vbroadcast v22, $0xF;
	v2 =	vsel vm5, v2, v50;
	v4 =	vmul.f32 v4, v5  }
0x310: {  	v53 =	vbroadcast v21, $0xF;
	v60 =	vld [tilespmem:$0x1FF10];
	v2 =	vsel vm6, v2, v52;
	v54, _, _ =	vpop (xrf2)  }
0x311: {  	v0 =	vsel vm7, v2, v0;
	v55 =	vbroadcast v54, $0xF;
	v1 =	vmul.f32 v4, v1  }
0x312: {  	v56 =	vbroadcast v62, $0xF;
	v0 =	vsel vm8, v0, v53  }
0x313: {  	v2 =	vbroadcast v57, $0xF;
	v58, _, _ =	vpop (xrf2);
	v0 =	vsel vm9, v0, v55;
	v1 =	vmul.f32 v1, v4  }
0x314: {  	v59 =	vbroadcast v58, $0xF;
	v0 =	vsel vm10, v0, v56  }
0x315: {  	v0 =	vsel vm11, v0, v2;
	v2 =	vbroadcast v60, $0xF;
	v1 =	vsub.f32 $1.500000000e+00, v1  }
0x316: {  	v61 =	vld [tilespmem:$0x10400];
	v0 =	vsel vm12, v0, v59  }
0x317: {  	v62, _, _ =	vpop (xrf2);
	v0 =	vsel vm13, v0, v2;
	v1 =	vmul.f32 v1, v4  }
0x318: {  	v63 =	vld [tilespmem:$0x10410];
	v0 =	vsel vm14, v0, v62  }
0x319: {  	v0 =	vmul.f32 v1, v0;
	_ =	sdelay $0x1  }
0x31a: {  	v0 =	vmul.f32 v0, v61;
	_ =	sdelay $0x1  }
0x31b: {  	v0 =	vadd.f32 v0, v63;
	_ =	sdelay $0x1  }
0x31c: {  	v0 =	vsub.f32 $0.0e+00, v0;
	_ =	sdelay $0x1  }
0x31d: {  	v0 =	vmul.f32 $1.442695020e+00, v0;
	_ =	sdelay $0x1  }
0x31e: {  	(erf) = vpow2.f32 v0;
	_ =	sdelay $0x8  }
0x31f: {  	v0 =	vpop (erf)  }
0x320: {  	v0 =	vadd.f32 $1.000000000e+00, v0;
	_ =	sdelay $0x1  }
0x321: {  	(erf) = vrcp.f32 v0;
	_ =	sdelay $0x7  }
0x322: {  	s18 =	sadd.s32 $0x1, s18  }
0x323: {  	s19 =	sadd.s32 $0x10, s19;
	p0 =	sne.s32 s18, s9;
	v0 =	vpop (erf)  }
.Ltmp1:
0x324: {  	[tilespmem:s19+$0x0] =	vst v0;
	(pc) =	sbr.rel @p0 .LBB2_1-.Ltmp1, $4  }
0x325: {  	[hbm4b:s8+s3] =	stream.linear.scatter [tilespmem:s17], [sflag:$0x3], $0x200, $0x38;
	[tilespmem:$0x10620] =	vst v63  }
0x326: {  	_ =	swait.ge [sflag:s10], $0x200  }
0x327: {  	[sflag:s10] =	ssyncset.done $0x0  }
0x328: {  	[sflag:s10] =	ssyncadd.s32 $0xFFFFFE00  }
0x329: {  	_ =	sfence.sel $0x180000  }
0x32a: {  	[bflag:$0x0] =	sbarrier.arrive $0xFFFF  }
0x32b: {  	p0 =	sne.s32 s2, $0x0;
	_ =	strace $0x90000047  }
0x32c: {  	s0 =	sadd.s32 @!p0 $0x100000, s0;
	[bflag:$0x2] =	sbarrier.arrive $0xFFFF  }
0x32d: {  	[sflag:s0] =	ssyncadd.tile.s32 @!p0 $0x1;
	_ =	shalt  }
.Lfunc_end2:
_tile_overlayer_lowered:
.L_overlay_start_2:
0x32e: {  	(tag) =	ssettag $0x2  }
0x32f: {  	s0 =	rddreg [dreg:$0x0];
	s2 =	stileid.u32  }
0x330: {  	s1 =	rddreg [dreg:$0x1];
	p0 =	sne.s32 s2, $0x0  }
0x331: {  	s3 =	rddreg [dreg:$0x2];
	[bflag:$0x3] =	sbarrier.arrive $0xFFFF;
	s2 =	simm.s32 @!p0 $0x1C03  }
0x332: {  	[timem:s3], [sflag:s2] =	dma.local @!p0 [hbm:s0], s1  }
0x333: {  	s0 =	simm.s32 @!p0 $0x3  }
0x334: {  	_ =	swait.ge @!p0 [sflag:s0], s1  }
0x335: {  	s1 =	ssub.s32 @!p0 $0x0, s1;
	[sflag:s0] =	ssyncset.done @!p0 $0x0  }
0x336: {  	[sflag:s0] =	ssyncadd.s32 @!p0 s1  }
0x337: {  	[bflag:$0x3] =	sbarrier.arrive $0xFFFF  }
0x338: {  	_ =	shalt  }

</sc_bundles>
